<compile_context>
chip_gen: v7x
topology: tpu7x:2x2x1
jax: 0.10.2.dev20260603
libtpu: 0.0.44.dev20260713+nightly
codegen_flags: <defaults>
</compile_context>

<pallas_src>
import jax
import jax.numpy as jnp
from jax import lax
from jax.experimental import pallas as pl
from jax.experimental.pallas import tpu as pltpu
from jax.experimental.pallas import tpu_sc as plsc

NBINS = 256
NROWS = 24
NCOLS = 262144
TOTAL = NROWS * NCOLS

NC = 2
NS = 16
NW = NC * NS
SPAN = TOTAL // NW
CHUNK = 16384
CPT = SPAN // CHUNK
ROWS_PER_CHUNK_SHIFT = 4
UNROLL = 8
HIST_WORDS = NROWS * NBINS


def _minmax_body(x_ref, mn_ref, mx_ref):
    i = pl.program_id(0)

    @pl.when(i == 0)
    def _():
        mn_ref[...] = jnp.full((1, 16), jnp.inf, jnp.float32)
        mx_ref[...] = jnp.full((1, 16), -jnp.inf, jnp.float32)

    blk = x_ref[...]
    mn_ref[...] = jnp.minimum(mn_ref[...], jnp.min(blk))
    mx_ref[...] = jnp.maximum(mx_ref[...], jnp.max(blk))


def _minmax(x):
    b, c, h, w = x.shape
    return pl.pallas_call(
        _minmax_body,
        grid=(b,),
        in_specs=[pl.BlockSpec((1, c, h, w), lambda i: (i, 0, 0, 0))],
        out_specs=[
            pl.BlockSpec((1, 16), lambda i: (0, 0)),
            pl.BlockSpec((1, 16), lambda i: (0, 0)),
        ],
        out_shape=[
            jax.ShapeDtypeStruct((1, 16), jnp.float32),
            jax.ShapeDtypeStruct((1, 16), jnp.float32),
        ],
    )(x)


CHUNK_ROWS = CHUNK // 512


def _hist_body(x_hbm, mn_hbm, mx_hbm, out_hbm, xb0, xb1, hist, mnb, mxb, s0, s1):
    wid = lax.axis_index("s") * NC + lax.axis_index("c")
    pltpu.sync_copy(mn_hbm, mnb)
    pltpu.sync_copy(mx_hbm, mxb)
    mnv = mnb[...]
    scale = mxb[...] - mnv

    def zero_body(i, _):
        base = i * 128
        for u in range(8):
            hist[pl.ds(base + u * 16, 16)] = jnp.zeros((16,), jnp.float32)
        return 0

    lax.fori_loop(0, HIST_WORDS // 128, zero_body, 0)

    ones = jnp.ones((16,), jnp.float32)
    bufs = (xb0, xb1)
    sems = (s0, s1)
    handles = [None, None]

    def start_chunk(c, slot):
        g = wid * CPT + c
        row = g >> ROWS_PER_CHUNK_SHIFT
        r0 = (g & (NCOLS // CHUNK - 1)) * CHUNK_ROWS
        return pltpu.async_copy(
            x_hbm.at[row, pl.ds(r0, CHUNK_ROWS), :], bufs[slot], sems[slot]
        )

    handles[0] = start_chunk(0, 0)
    for c in range(CPT):
        nxt = c + 1
        if nxt < CPT:
            handles[nxt % 2] = start_chunk(nxt, nxt % 2)
        handles[c % 2].wait()
        xb = bufs[c % 2]
        rowoff = ((wid * CPT + c) >> ROWS_PER_CHUNK_SHIFT) * NBINS

        @plsc.parallel_loop(0, CHUNK // 16, 1, unroll=UNROLL)
        def _(j):
            xv = xb[j >> 5, pl.ds((j & 31) * 16, 16)]
            t = (xv - mnv) / scale * 256.0
            t = jnp.minimum(t, 255.0)
            plsc.addupdate_scatter(hist, [t.astype(jnp.int32) + rowoff], ones)

    pltpu.sync_copy(hist, out_hbm.at[pl.ds(wid * HIST_WORDS, HIST_WORDS)])


def _hist_partials(x3, mn16, mx16):
    mesh = plsc.VectorSubcoreMesh(core_axis_name="c", subcore_axis_name="s")
    kern = pl.kernel(
        _hist_body,
        out_type=jax.ShapeDtypeStruct((NW * HIST_WORDS,), jnp.float32),
        mesh=mesh,
        compiler_params=pltpu.CompilerParams(
            needs_layout_passes=False, use_tc_tiling_on_sc=True
        ),
        scratch_types=[
            pltpu.VMEM((CHUNK_ROWS, 512), jnp.float32),
            pltpu.VMEM((CHUNK_ROWS, 512), jnp.float32),
            pltpu.VMEM((HIST_WORDS,), jnp.float32),
            pltpu.VMEM((16,), jnp.float32),
            pltpu.VMEM((16,), jnp.float32),
            pltpu.SemaphoreType.DMA,
            pltpu.SemaphoreType.DMA,
        ],
    )
    return kern(x3, mn16, mx16)


def _cumsum_lanes(a):
    n = a.shape[-1]
    k = 1
    while k < n:
        shifted = jnp.concatenate(
            [jnp.zeros(a.shape[:-1] + (k,), a.dtype), a[..., : n - k]], axis=-1
        )
        a = a + shifted
        k *= 2
    return a


def _compute_thresholds(p_ref, mn_ref, mx_ref):
    acc = p_ref[pl.ds(0, HIST_WORDS)]
    for c in range(1, NW):
        acc = acc + p_ref[pl.ds(c * HIST_WORDS, HIST_WORDS)]
    cnt = acc.reshape(NROWS, NBINS)
    ci = cnt.astype(jnp.int32)
    t = lax.broadcasted_iota(jnp.int32, (NROWS, NBINS), 1)
    cc = _cumsum_lanes(ci)
    cct = _cumsum_lanes(ci * t)
    total = cc[:, NBINS - 1 :].astype(jnp.float32)
    omega = cc.astype(jnp.float32) / total
    mu = cct.astype(jnp.float32) / total
    mu_total = mu[:, NBINS - 1 :]
    weight_fg = 1.0 - omega
    valid = (omega > 0.0) & (weight_fg > 0.0)
    mean_bg = mu / jnp.where(omega > 0.0, omega, 1.0)
    mean_fg = (mu_total - mu) / jnp.where(weight_fg > 0.0, weight_fg, 1.0)
    icv = omega * weight_fg * (mean_bg - mean_fg) ** 2
    icv = jnp.where(valid, icv, -jnp.inf)
    m = jnp.max(icv, axis=1, keepdims=True)
    cand = jnp.where(icv == m, t, NBINS)
    best = jnp.min(cand, axis=1, keepdims=True)
    tidx = jnp.clip(best + 1, 0, NBINS - 1)
    mn = mn_ref[0, 0]
    mx = mx_ref[0, 0]
    s = tidx.astype(jnp.float32) / float(NBINS - 1)
    thr = mn * (1.0 - s) + mx * s
    return jnp.where(tidx == NBINS - 1, mx, thr)


def _mask_body(p_ref, mn_ref, mx_ref, x_ref, o_ref, thr_out_ref, thr_s):
    i = pl.program_id(0)
    j = pl.program_id(1)

    @pl.when((i == 0) & (j == 0))
    def _():
        thr = _compute_thresholds(p_ref, mn_ref, mx_ref)
        thr_s[...] = thr
        thr_out_ref[...] = thr

    row = i * 3 + j
    rid = lax.broadcasted_iota(jnp.int32, (NROWS, 1), 0)
    tval = jnp.sum(jnp.where(rid == row, thr_s[...], 0.0))
    x = x_ref[...]
    o_ref[...] = jnp.where(x <= tval, 0.0, x)


def _mask(x, partials, mn16, mx16):
    b, c, h, w = x.shape
    return pl.pallas_call(
        _mask_body,
        grid=(b, c),
        in_specs=[
            pl.BlockSpec(partials.shape, lambda i, j: (0,)),
            pl.BlockSpec((1, 16), lambda i, j: (0, 0)),
            pl.BlockSpec((1, 16), lambda i, j: (0, 0)),
            pl.BlockSpec((1, 1, h, w), lambda i, j: (i, j, 0, 0)),
        ],
        out_specs=[
            pl.BlockSpec((1, 1, h, w), lambda i, j: (i, j, 0, 0)),
            pl.BlockSpec((NROWS, 1), lambda i, j: (0, 0)),
        ],
        out_shape=[
            jax.ShapeDtypeStruct(x.shape, jnp.float32),
            jax.ShapeDtypeStruct((NROWS, 1), jnp.float32),
        ],
        scratch_shapes=[pltpu.VMEM((NROWS, 1), jnp.float32)],
    )(partials, mn16, mx16, x)


@jax.jit
def _run(x):
    mn16, mx16 = _minmax(x)
    partials = _hist_partials(
        x.reshape(NROWS, 512, 512), mn16.reshape(16), mx16.reshape(16)
    )
    out, thr = _mask(x, partials, mn16, mx16)
    return out, thr.reshape(NROWS)


def kernel(x, nbins):
    return _run(x)

# --- scband reference (transcript-rebuilt; emitter-appended) ---
"""Pipeline reference for scband-otsu-threshold-55877524521192 (READ-ONLY COPY).

The authoritative reference and input builder live on the scoring server;
editing this copy changes nothing except your own understanding.
"""

import jax, jax.numpy as jnp
import numpy as np


def setup_inputs(seed: int = 0) -> dict:
    key = jax.random.key(seed)
    x = jax.random.uniform(key, (8, 3, 512, 512), dtype=jnp.float32)
    return {"x": x, "nbins": 256}


def _otsu_forward(x, nbins):
    nbins_static = 256
    orig_shape = x.shape
    b, c, h, w = x.shape
    xf = x.reshape(b * c, h * w)
    n, N = xf.shape
    min_val = jnp.min(xf)
    max_val = jnp.max(xf)
    # kornia quirk: bin_edges has `nbins` points (linspace with num=nbins)
    bin_edges = jnp.linspace(min_val, max_val, nbins_static)
    # torch.histc semantics: bin width = (max-min)/nbins, last edge inclusive
    scale = max_val - min_val
    idx = jnp.floor((xf - min_val) / scale * nbins).astype(jnp.int32)
    idx = jnp.clip(idx, 0, nbins - 1)
    rows = jnp.arange(n)[:, None]
    hist = jnp.zeros((n, nbins_static), dtype=jnp.float32).at[rows, idx].add(1.0)
    hist = hist / jnp.sum(hist, axis=1, keepdims=True)
    t_arr = jnp.arange(nbins_static, dtype=jnp.float32)
    omega = jnp.cumsum(hist, axis=1)               # weight_bg after bin t
    mu = jnp.cumsum(hist * t_arr[None, :], axis=1)  # sum_bg after bin t
    mu_total = mu[:, -1:]
    weight_fg = 1.0 - omega
    valid = (omega > 0.0) & (weight_fg > 0.0)
    mean_bg = mu / jnp.where(omega > 0.0, omega, 1.0)
    mean_fg = (mu_total - mu) / jnp.where(weight_fg > 0.0, weight_fg, 1.0)
    icv = omega * weight_fg * (mean_bg - mean_fg) ** 2
    icv = jnp.where(valid, icv, -jnp.inf)
    best_t = jnp.argmax(icv, axis=1)  # first max, matching strict > in torch loop
    thresh_idx = jnp.clip(best_t + 1, 0, nbins - 1)
    best_thresholds = bin_edges[thresh_idx]
    x_out = jnp.where(xf <= best_thresholds[:, None], 0.0, xf)
    return x_out.reshape(orig_shape), best_thresholds


def reference(x, nbins):
    return _otsu_forward(x, nbins)

if __name__ == "__main__":
    import jax
    _d = setup_inputs()
    print(jax.jit(kernel)(*tuple(_d.values())))

</pallas_src>

<mosaic_0001>
#map = affine_map<(d0, d1) -> (0, 0, 0)>
#map1 = affine_map<(d0, d1) -> (0)>
module attributes {stable_mosaic.version = 14 : i64} {
  func.func @_hist_body(%arg0: i32, %arg1: i32, %arg2: memref<24x512x512xf32, #tpu.memory_space<hbm>>, %arg3: memref<16xf32, #tpu.memory_space<hbm>>, %arg4: memref<16xf32, #tpu.memory_space<hbm>>, %arg5: memref<196608xf32, #tpu.memory_space<hbm>>, %arg6: memref<32x512xf32, #tpu.memory_space<vmem>>, %arg7: memref<32x512xf32, #tpu.memory_space<vmem>>, %arg8: memref<6144xf32, #tpu.memory_space<vmem>>, %arg9: memref<16xf32, #tpu.memory_space<vmem>>, %arg10: memref<16xf32, #tpu.memory_space<vmem>>, %arg11: memref<!tpu.dma_semaphore, #tpu.memory_space<semaphore_mem>>, %arg12: memref<!tpu.dma_semaphore, #tpu.memory_space<semaphore_mem>>) attributes {dimension_semantics = [#tpu.dimension_semantics<core_parallel>, #tpu.dimension_semantics<subcore_parallel>], iteration_bounds = array<i64: 2, 16>, scalar_prefetch = 0 : i64, scratch_operands = 7 : i64, tpu.core_type = #tpu.core_type<sc_vector_subcore>, window_params = [{transform_indices = #map}, {transform_indices = #map1}, {transform_indices = #map1}, {transform_indices = #map1}]} {
    %mul3A = arith.constant 2 : i32
    %mul3A_0 = arith.muli %arg1, %mul3A : i32
    %add3A = arith.addi %mul3A_0, %arg0 : i32
    "tpu.region"() ({
      %run_scoped3A = tpu.sem_alloc : memref<!tpu.dma_semaphore, #tpu.memory_space<semaphore_mem>>
      tpu.enqueue_dma source(%arg3 : memref<16xf32, #tpu.memory_space<hbm>>) target(%arg9 : memref<16xf32, #tpu.memory_space<vmem>>) target_semaphore(%run_scoped3A : memref<!tpu.dma_semaphore, #tpu.memory_space<semaphore_mem>>)
      tpu.wait_dma2 semaphore(%run_scoped3A : memref<!tpu.dma_semaphore, #tpu.memory_space<semaphore_mem>>) src(%arg3 : memref<16xf32, #tpu.memory_space<hbm>>) dst(%arg9 : memref<16xf32, #tpu.memory_space<vmem>>)
      tpu.yield
    }) : () -> ()
    "tpu.region"() ({
      %run_scoped3A = tpu.sem_alloc : memref<!tpu.dma_semaphore, #tpu.memory_space<semaphore_mem>>
      tpu.enqueue_dma source(%arg4 : memref<16xf32, #tpu.memory_space<hbm>>) target(%arg10 : memref<16xf32, #tpu.memory_space<vmem>>) target_semaphore(%run_scoped3A : memref<!tpu.dma_semaphore, #tpu.memory_space<semaphore_mem>>)
      tpu.wait_dma2 semaphore(%run_scoped3A : memref<!tpu.dma_semaphore, #tpu.memory_space<semaphore_mem>>) src(%arg4 : memref<16xf32, #tpu.memory_space<hbm>>) dst(%arg10 : memref<16xf32, #tpu.memory_space<vmem>>)
      tpu.yield
    }) : () -> ()
    %get3A = arith.constant 0 : index
    %get3A_1 = tpu.vector_load %arg9[%get3A] {strides = array<i32>} : memref<16xf32, #tpu.memory_space<vmem>>, vector<16xf32>,
    %get3A_2 = arith.constant 0 : index
    %get3A_3 = tpu.vector_load %arg10[%get3A_2] {strides = array<i32>} : memref<16xf32, #tpu.memory_space<vmem>>, vector<16xf32>,
    %sub3A = arith.subf %get3A_3, %get3A_1 : vector<16xf32>
    %scan3A = arith.constant 0 : i32
    %scan3A_4 = arith.constant 0 : i32
    %scan3A_5 = arith.constant 48 : i32
    %scan3A_6 = arith.addi %scan3A_4, %scan3A_5 : i32
    %scan3A_7 = arith.constant 1 : i32
    %scan3A_8 = scf.for %scan3A_404 = %scan3A_4 to %scan3A_6 step %scan3A_7 iter_args(%scan3A_405 = %scan3A) -> (i32)  : i32 {
      %mul3A_406 = arith.constant 128 : i32
      %mul3A_407 = arith.muli %scan3A_404, %mul3A_406 : i32
      %broadcast_in_dim3A_408 = arith.constant 0.000000e+00 : f32
      %broadcast_in_dim3A_409 = vector.broadcast %broadcast_in_dim3A_408 : f32 to vector<16xf32>
      %add3A_410 = arith.constant 0 : i32
      %add3A_411 = arith.addi %mul3A_407, %add3A_410 : i32
      %swap3A = arith.index_cast %add3A_411 : i32 to index
      %swap3A_412 = tpu.vector_load %arg8[%swap3A] {strides = array<i32>} : memref<6144xf32, #tpu.memory_space<vmem>>, vector<16xf32>,
      tpu.vector_store %arg8[%swap3A], %broadcast_in_dim3A_409 {strides = array<i32>} : memref<6144xf32, #tpu.memory_space<vmem>>, vector<16xf32>,
      %broadcast_in_dim3A_413 = arith.constant 0.000000e+00 : f32
      %broadcast_in_dim3A_414 = vector.broadcast %broadcast_in_dim3A_413 : f32 to vector<16xf32>
      %add3A_415 = arith.constant 16 : i32
      %add3A_416 = arith.addi %mul3A_407, %add3A_415 : i32
      %swap3A_417 = arith.index_cast %add3A_416 : i32 to index
      %swap3A_418 = tpu.vector_load %arg8[%swap3A_417] {strides = array<i32>} : memref<6144xf32, #tpu.memory_space<vmem>>, vector<16xf32>,
      tpu.vector_store %arg8[%swap3A_417], %broadcast_in_dim3A_414 {strides = array<i32>} : memref<6144xf32, #tpu.memory_space<vmem>>, vector<16xf32>,
      %broadcast_in_dim3A_419 = arith.constant 0.000000e+00 : f32
      %broadcast_in_dim3A_420 = vector.broadcast %broadcast_in_dim3A_419 : f32 to vector<16xf32>
      %add3A_421 = arith.constant 32 : i32
      %add3A_422 = arith.addi %mul3A_407, %add3A_421 : i32
      %swap3A_423 = arith.index_cast %add3A_422 : i32 to index
      %swap3A_424 = tpu.vector_load %arg8[%swap3A_423] {strides = array<i32>} : memref<6144xf32, #tpu.memory_space<vmem>>, vector<16xf32>,
      tpu.vector_store %arg8[%swap3A_423], %broadcast_in_dim3A_420 {strides = array<i32>} : memref<6144xf32, #tpu.memory_space<vmem>>, vector<16xf32>,
      %broadcast_in_dim3A_425 = arith.constant 0.000000e+00 : f32
      %broadcast_in_dim3A_426 = vector.broadcast %broadcast_in_dim3A_425 : f32 to vector<16xf32>
      %add3A_427 = arith.constant 48 : i32
      %add3A_428 = arith.addi %mul3A_407, %add3A_427 : i32
      %swap3A_429 = arith.index_cast %add3A_428 : i32 to index
      %swap3A_430 = tpu.vector_load %arg8[%swap3A_429] {strides = array<i32>} : memref<6144xf32, #tpu.memory_space<vmem>>, vector<16xf32>,
      tpu.vector_store %arg8[%swap3A_429], %broadcast_in_dim3A_426 {strides = array<i32>} : memref<6144xf32, #tpu.memory_space<vmem>>, vector<16xf32>,
      %broadcast_in_dim3A_431 = arith.constant 0.000000e+00 : f32
      %broadcast_in_dim3A_432 = vector.broadcast %broadcast_in_dim3A_431 : f32 to vector<16xf32>
      %add3A_433 = arith.constant 64 : i32
      %add3A_434 = arith.addi %mul3A_407, %add3A_433 : i32
      %swap3A_435 = arith.index_cast %add3A_434 : i32 to index
      %swap3A_436 = tpu.vector_load %arg8[%swap3A_435] {strides = array<i32>} : memref<6144xf32, #tpu.memory_space<vmem>>, vector<16xf32>,
      tpu.vector_store %arg8[%swap3A_435], %broadcast_in_dim3A_432 {strides = array<i32>} : memref<6144xf32, #tpu.memory_space<vmem>>, vector<16xf32>,
      %broadcast_in_dim3A_437 = arith.constant 0.000000e+00 : f32
      %broadcast_in_dim3A_438 = vector.broadcast %broadcast_in_dim3A_437 : f32 to vector<16xf32>
      %add3A_439 = arith.constant 80 : i32
      %add3A_440 = arith.addi %mul3A_407, %add3A_439 : i32
      %swap3A_441 = arith.index_cast %add3A_440 : i32 to index
      %swap3A_442 = tpu.vector_load %arg8[%swap3A_441] {strides = array<i32>} : memref<6144xf32, #tpu.memory_space<vmem>>, vector<16xf32>,
      tpu.vector_store %arg8[%swap3A_441], %broadcast_in_dim3A_438 {strides = array<i32>} : memref<6144xf32, #tpu.memory_space<vmem>>, vector<16xf32>,
      %broadcast_in_dim3A_443 = arith.constant 0.000000e+00 : f32
      %broadcast_in_dim3A_444 = vector.broadcast %broadcast_in_dim3A_443 : f32 to vector<16xf32>
      %add3A_445 = arith.constant 96 : i32
      %add3A_446 = arith.addi %mul3A_407, %add3A_445 : i32
      %swap3A_447 = arith.index_cast %add3A_446 : i32 to index
      %swap3A_448 = tpu.vector_load %arg8[%swap3A_447] {strides = array<i32>} : memref<6144xf32, #tpu.memory_space<vmem>>, vector<16xf32>,
      tpu.vector_store %arg8[%swap3A_447], %broadcast_in_dim3A_444 {strides = array<i32>} : memref<6144xf32, #tpu.memory_space<vmem>>, vector<16xf32>,
      %broadcast_in_dim3A_449 = arith.constant 0.000000e+00 : f32
      %broadcast_in_dim3A_450 = vector.broadcast %broadcast_in_dim3A_449 : f32 to vector<16xf32>
      %add3A_451 = arith.constant 112 : i32
      %add3A_452 = arith.addi %mul3A_407, %add3A_451 : i32
      %swap3A_453 = arith.index_cast %add3A_452 : i32 to index
      %swap3A_454 = tpu.vector_load %arg8[%swap3A_453] {strides = array<i32>} : memref<6144xf32, #tpu.memory_space<vmem>>, vector<16xf32>,
      tpu.vector_store %arg8[%swap3A_453], %broadcast_in_dim3A_450 {strides = array<i32>} : memref<6144xf32, #tpu.memory_space<vmem>>, vector<16xf32>,
      %scan3A_455 = arith.constant 0 : i32
      scf.yield %scan3A_455 : i32
    }
    %scan3A_9 = arith.constant 48 : i32
    %broadcast_in_dim3A = arith.constant 1.000000e+00 : f32
    %broadcast_in_dim3A_10 = vector.broadcast %broadcast_in_dim3A : f32 to vector<16xf32>
    %mul3A_11 = arith.constant 12 : i32
    %mul3A_12 = arith.muli %add3A, %mul3A_11 : i32
    %add3A_13 = arith.constant 0 : i32
    %add3A_14 = arith.addi %mul3A_12, %add3A_13 : i32
    %shift_right_arithmetic3A = arith.constant 4 : i32
    %shift_right_arithmetic3A_15 = arith.shrsi %add3A_14, %shift_right_arithmetic3A : i32
    %and3A = arith.constant 15 : i32
    %and3A_16 = arith.andi %add3A_14, %and3A : i32
    %mul3A_17 = arith.constant 32 : i32
    %mul3A_18 = arith.muli %and3A_16, %mul3A_17 : i32
    %dma_start3A = arith.constant 0 : i32
    %dma_start3A_19 = tpu.memref_slice %arg2[%shift_right_arithmetic3A_15, %mul3A_18, %dma_start3A] : memref<24x512x512xf32, #tpu.memory_space<hbm>> -> memref<1x32x512xf32, #tpu.memory_space<hbm>>
    %dma_start3A_20 = tpu.memref_squeeze %dma_start3A_19 : memref<1x32x512xf32, #tpu.memory_space<hbm>> -> memref<32x512xf32, #tpu.memory_space<hbm>>
    %dma_start3A_21 = arith.constant 0 : i32
    %dma_start3A_22 = tpu.memref_slice %arg2[%shift_right_arithmetic3A_15, %mul3A_18, %dma_start3A_21] : memref<24x512x512xf32, #tpu.memory_space<hbm>> -> memref<1x32x512xf32, #tpu.memory_space<hbm>>
    %dma_start3A_23 = tpu.memref_squeeze %dma_start3A_22 : memref<1x32x512xf32, #tpu.memory_space<hbm>> -> memref<32x512xf32, #tpu.memory_space<hbm>>
    tpu.enqueue_dma source(%dma_start3A_23 : memref<32x512xf32, #tpu.memory_space<hbm>>) target(%arg6 : memref<32x512xf32, #tpu.memory_space<vmem>>) target_semaphore(%arg11 : memref<!tpu.dma_semaphore, #tpu.memory_space<semaphore_mem>>)
    %mul3A_24 = arith.constant 12 : i32
    %mul3A_25 = arith.muli %add3A, %mul3A_24 : i32
    %add3A_26 = arith.constant 1 : i32
    %add3A_27 = arith.addi %mul3A_25, %add3A_26 : i32
    %shift_right_arithmetic3A_28 = arith.constant 4 : i32
    %shift_right_arithmetic3A_29 = arith.shrsi %add3A_27, %shift_right_arithmetic3A_28 : i32
    %and3A_30 = arith.constant 15 : i32
    %and3A_31 = arith.andi %add3A_27, %and3A_30 : i32
    %mul3A_32 = arith.constant 32 : i32
    %mul3A_33 = arith.muli %and3A_31, %mul3A_32 : i32
    %dma_start3A_34 = arith.constant 0 : i32
    %dma_start3A_35 = tpu.memref_slice %arg2[%shift_right_arithmetic3A_29, %mul3A_33, %dma_start3A_34] : memref<24x512x512xf32, #tpu.memory_space<hbm>> -> memref<1x32x512xf32, #tpu.memory_space<hbm>>
    %dma_start3A_36 = tpu.memref_squeeze %dma_start3A_35 : memref<1x32x512xf32, #tpu.memory_space<hbm>> -> memref<32x512xf32, #tpu.memory_space<hbm>>
    %dma_start3A_37 = arith.constant 0 : i32
    %dma_start3A_38 = tpu.memref_slice %arg2[%shift_right_arithmetic3A_29, %mul3A_33, %dma_start3A_37] : memref<24x512x512xf32, #tpu.memory_space<hbm>> -> memref<1x32x512xf32, #tpu.memory_space<hbm>>
    %dma_start3A_39 = tpu.memref_squeeze %dma_start3A_38 : memref<1x32x512xf32, #tpu.memory_space<hbm>> -> memref<32x512xf32, #tpu.memory_space<hbm>>
    tpu.enqueue_dma source(%dma_start3A_39 : memref<32x512xf32, #tpu.memory_space<hbm>>) target(%arg7 : memref<32x512xf32, #tpu.memory_space<vmem>>) target_semaphore(%arg12 : memref<!tpu.dma_semaphore, #tpu.memory_space<semaphore_mem>>)
    %dma_wait3A = arith.constant 0 : i32
    %dma_wait3A_40 = tpu.memref_slice %arg2[%shift_right_arithmetic3A_15, %mul3A_18, %dma_wait3A] : memref<24x512x512xf32, #tpu.memory_space<hbm>> -> memref<1x32x512xf32, #tpu.memory_space<hbm>>
    %dma_wait3A_41 = tpu.memref_squeeze %dma_wait3A_40 : memref<1x32x512xf32, #tpu.memory_space<hbm>> -> memref<32x512xf32, #tpu.memory_space<hbm>>
    %dma_wait3A_42 = arith.constant 0 : i32
    %dma_wait3A_43 = tpu.memref_slice %arg2[%shift_right_arithmetic3A_15, %mul3A_18, %dma_wait3A_42] : memref<24x512x512xf32, #tpu.memory_space<hbm>> -> memref<1x32x512xf32, #tpu.memory_space<hbm>>
    %dma_wait3A_44 = tpu.memref_squeeze %dma_wait3A_43 : memref<1x32x512xf32, #tpu.memory_space<hbm>> -> memref<32x512xf32, #tpu.memory_space<hbm>>
    tpu.wait_dma2 semaphore(%arg11 : memref<!tpu.dma_semaphore, #tpu.memory_space<semaphore_mem>>) src(%dma_wait3A_44 : memref<32x512xf32, #tpu.memory_space<hbm>>) dst(%arg6 : memref<32x512xf32, #tpu.memory_space<vmem>>)
    %mul3A_45 = arith.constant 12 : i32
    %mul3A_46 = arith.muli %add3A, %mul3A_45 : i32
    %add3A_47 = arith.constant 0 : i32
    %add3A_48 = arith.addi %mul3A_46, %add3A_47 : i32
    %shift_right_arithmetic3A_49 = arith.constant 4 : i32
    %shift_right_arithmetic3A_50 = arith.shrsi %add3A_48, %shift_right_arithmetic3A_49 : i32
    %mul3A_51 = arith.constant 256 : i32
    %mul3A_52 = arith.muli %shift_right_arithmetic3A_50, %mul3A_51 : i32
    %parallel_loop3A = arith.constant 0 : i32
    %parallel_loop3A_53 = arith.constant 1024 : i32
    %parallel_loop3A_54 = arith.constant 1 : i32
    scf.for %parallel_loop3A_404 = %parallel_loop3A to %parallel_loop3A_53 step %parallel_loop3A_54  : i32 {
      %parallel_loop3A_405 = arith.constant 5 : i32
      %parallel_loop3A_406 = arith.shrsi %parallel_loop3A_404, %parallel_loop3A_405 : i32
      %parallel_loop3A_407 = arith.constant 31 : i32
      %parallel_loop3A_408 = arith.andi %parallel_loop3A_404, %parallel_loop3A_407 : i32
      %parallel_loop3A_409 = arith.constant 16 : i32
      %parallel_loop3A_410 = arith.muli %parallel_loop3A_408, %parallel_loop3A_409 : i32
      %parallel_loop3A_411 = arith.index_cast %parallel_loop3A_406 : i32 to index
      %parallel_loop3A_412 = arith.index_cast %parallel_loop3A_410 : i32 to index
      %parallel_loop3A_413 = tpu.vector_load %arg6[%parallel_loop3A_411, %parallel_loop3A_412] {strides = array<i32>} : memref<32x512xf32, #tpu.memory_space<vmem>>, vector<16xf32>,
      %parallel_loop3A_414 = arith.subf %parallel_loop3A_413, %get3A_1 : vector<16xf32>
      %parallel_loop3A_415 = arith.divf %parallel_loop3A_414, %sub3A : vector<16xf32>
      %parallel_loop3A_416 = arith.constant 2.560000e+02 : f32
      %parallel_loop3A_417 = vector.broadcast %parallel_loop3A_416 : f32 to vector<16xf32>
      %parallel_loop3A_418 = arith.mulf %parallel_loop3A_415, %parallel_loop3A_417 : vector<16xf32>
      %parallel_loop3A_419 = arith.constant 2.550000e+02 : f32
      %parallel_loop3A_420 = vector.broadcast %parallel_loop3A_419 : f32 to vector<16xf32>
      %parallel_loop3A_421 = arith.minimumf %parallel_loop3A_418, %parallel_loop3A_420 : vector<16xf32>
      %parallel_loop3A_422 = arith.fptosi %parallel_loop3A_421 : vector<16xf32> to vector<16xi32>
      %parallel_loop3A_423 = vector.broadcast %mul3A_52 : i32 to vector<16xi32>
      %parallel_loop3A_424 = arith.addi %parallel_loop3A_422, %parallel_loop3A_423 : vector<16xi32>
      tpu.vector_store_idx %arg8[%parallel_loop3A_424], %broadcast_in_dim3A_10 {add = true} : memref<6144xf32, #tpu.memory_space<vmem>>[vector<16xi32>], vector<16xf32>,
    } {sc.loop_unroll_factor = 8 : i64, sc.parallel_access}
    %mul3A_55 = arith.constant 12 : i32
    %mul3A_56 = arith.muli %add3A, %mul3A_55 : i32
    %add3A_57 = arith.constant 2 : i32
    %add3A_58 = arith.addi %mul3A_56, %add3A_57 : i32
    %shift_right_arithmetic3A_59 = arith.constant 4 : i32
    %shift_right_arithmetic3A_60 = arith.shrsi %add3A_58, %shift_right_arithmetic3A_59 : i32
    %and3A_61 = arith.constant 15 : i32
    %and3A_62 = arith.andi %add3A_58, %and3A_61 : i32
    %mul3A_63 = arith.constant 32 : i32
    %mul3A_64 = arith.muli %and3A_62, %mul3A_63 : i32
    %dma_start3A_65 = arith.constant 0 : i32
    %dma_start3A_66 = tpu.memref_slice %arg2[%shift_right_arithmetic3A_60, %mul3A_64, %dma_start3A_65] : memref<24x512x512xf32, #tpu.memory_space<hbm>> -> memref<1x32x512xf32, #tpu.memory_space<hbm>>
    %dma_start3A_67 = tpu.memref_squeeze %dma_start3A_66 : memref<1x32x512xf32, #tpu.memory_space<hbm>> -> memref<32x512xf32, #tpu.memory_space<hbm>>
    %dma_start3A_68 = arith.constant 0 : i32
    %dma_start3A_69 = tpu.memref_slice %arg2[%shift_right_arithmetic3A_60, %mul3A_64, %dma_start3A_68] : memref<24x512x512xf32, #tpu.memory_space<hbm>> -> memref<1x32x512xf32, #tpu.memory_space<hbm>>
    %dma_start3A_70 = tpu.memref_squeeze %dma_start3A_69 : memref<1x32x512xf32, #tpu.memory_space<hbm>> -> memref<32x512xf32, #tpu.memory_space<hbm>>
    tpu.enqueue_dma source(%dma_start3A_70 : memref<32x512xf32, #tpu.memory_space<hbm>>) target(%arg6 : memref<32x512xf32, #tpu.memory_space<vmem>>) target_semaphore(%arg11 : memref<!tpu.dma_semaphore, #tpu.memory_space<semaphore_mem>>)
    %dma_wait3A_71 = arith.constant 0 : i32
    %dma_wait3A_72 = tpu.memref_slice %arg2[%shift_right_arithmetic3A_29, %mul3A_33, %dma_wait3A_71] : memref<24x512x512xf32, #tpu.memory_space<hbm>> -> memref<1x32x512xf32, #tpu.memory_space<hbm>>
    %dma_wait3A_73 = tpu.memref_squeeze %dma_wait3A_72 : memref<1x32x512xf32, #tpu.memory_space<hbm>> -> memref<32x512xf32, #tpu.memory_space<hbm>>
    %dma_wait3A_74 = arith.constant 0 : i32
    %dma_wait3A_75 = tpu.memref_slice %arg2[%shift_right_arithmetic3A_29, %mul3A_33, %dma_wait3A_74] : memref<24x512x512xf32, #tpu.memory_space<hbm>> -> memref<1x32x512xf32, #tpu.memory_space<hbm>>
    %dma_wait3A_76 = tpu.memref_squeeze %dma_wait3A_75 : memref<1x32x512xf32, #tpu.memory_space<hbm>> -> memref<32x512xf32, #tpu.memory_space<hbm>>
    tpu.wait_dma2 semaphore(%arg12 : memref<!tpu.dma_semaphore, #tpu.memory_space<semaphore_mem>>) src(%dma_wait3A_76 : memref<32x512xf32, #tpu.memory_space<hbm>>) dst(%arg7 : memref<32x512xf32, #tpu.memory_space<vmem>>)
    %mul3A_77 = arith.constant 12 : i32
    %mul3A_78 = arith.muli %add3A, %mul3A_77 : i32
    %add3A_79 = arith.constant 1 : i32
    %add3A_80 = arith.addi %mul3A_78, %add3A_79 : i32
    %shift_right_arithmetic3A_81 = arith.constant 4 : i32
    %shift_right_arithmetic3A_82 = arith.shrsi %add3A_80, %shift_right_arithmetic3A_81 : i32
    %mul3A_83 = arith.constant 256 : i32
    %mul3A_84 = arith.muli %shift_right_arithmetic3A_82, %mul3A_83 : i32
    %parallel_loop3A_85 = arith.constant 0 : i32
    %parallel_loop3A_86 = arith.constant 1024 : i32
    %parallel_loop3A_87 = arith.constant 1 : i32
    scf.for %parallel_loop3A_404 = %parallel_loop3A_85 to %parallel_loop3A_86 step %parallel_loop3A_87  : i32 {
      %parallel_loop3A_405 = arith.constant 5 : i32
      %parallel_loop3A_406 = arith.shrsi %parallel_loop3A_404, %parallel_loop3A_405 : i32
      %parallel_loop3A_407 = arith.constant 31 : i32
      %parallel_loop3A_408 = arith.andi %parallel_loop3A_404, %parallel_loop3A_407 : i32
      %parallel_loop3A_409 = arith.constant 16 : i32
      %parallel_loop3A_410 = arith.muli %parallel_loop3A_408, %parallel_loop3A_409 : i32
      %parallel_loop3A_411 = arith.index_cast %parallel_loop3A_406 : i32 to index
      %parallel_loop3A_412 = arith.index_cast %parallel_loop3A_410 : i32 to index
      %parallel_loop3A_413 = tpu.vector_load %arg7[%parallel_loop3A_411, %parallel_loop3A_412] {strides = array<i32>} : memref<32x512xf32, #tpu.memory_space<vmem>>, vector<16xf32>,
      %parallel_loop3A_414 = arith.subf %parallel_loop3A_413, %get3A_1 : vector<16xf32>
      %parallel_loop3A_415 = arith.divf %parallel_loop3A_414, %sub3A : vector<16xf32>
      %parallel_loop3A_416 = arith.constant 2.560000e+02 : f32
      %parallel_loop3A_417 = vector.broadcast %parallel_loop3A_416 : f32 to vector<16xf32>
      %parallel_loop3A_418 = arith.mulf %parallel_loop3A_415, %parallel_loop3A_417 : vector<16xf32>
      %parallel_loop3A_419 = arith.constant 2.550000e+02 : f32
      %parallel_loop3A_420 = vector.broadcast %parallel_loop3A_419 : f32 to vector<16xf32>
      %parallel_loop3A_421 = arith.minimumf %parallel_loop3A_418, %parallel_loop3A_420 : vector<16xf32>
      %parallel_loop3A_422 = arith.fptosi %parallel_loop3A_421 : vector<16xf32> to vector<16xi32>
      %parallel_loop3A_423 = vector.broadcast %mul3A_84 : i32 to vector<16xi32>
      %parallel_loop3A_424 = arith.addi %parallel_loop3A_422, %parallel_loop3A_423 : vector<16xi32>
      tpu.vector_store_idx %arg8[%parallel_loop3A_424], %broadcast_in_dim3A_10 {add = true} : memref<6144xf32, #tpu.memory_space<vmem>>[vector<16xi32>], vector<16xf32>,
    } {sc.loop_unroll_factor = 8 : i64, sc.parallel_access}
    %mul3A_88 = arith.constant 12 : i32
    %mul3A_89 = arith.muli %add3A, %mul3A_88 : i32
    %add3A_90 = arith.constant 3 : i32
    %add3A_91 = arith.addi %mul3A_89, %add3A_90 : i32
    %shift_right_arithmetic3A_92 = arith.constant 4 : i32
    %shift_right_arithmetic3A_93 = arith.shrsi %add3A_91, %shift_right_arithmetic3A_92 : i32
    %and3A_94 = arith.constant 15 : i32
    %and3A_95 = arith.andi %add3A_91, %and3A_94 : i32
    %mul3A_96 = arith.constant 32 : i32
    %mul3A_97 = arith.muli %and3A_95, %mul3A_96 : i32
    %dma_start3A_98 = arith.constant 0 : i32
    %dma_start3A_99 = tpu.memref_slice %arg2[%shift_right_arithmetic3A_93, %mul3A_97, %dma_start3A_98] : memref<24x512x512xf32, #tpu.memory_space<hbm>> -> memref<1x32x512xf32, #tpu.memory_space<hbm>>
    %dma_start3A_100 = tpu.memref_squeeze %dma_start3A_99 : memref<1x32x512xf32, #tpu.memory_space<hbm>> -> memref<32x512xf32, #tpu.memory_space<hbm>>
    %dma_start3A_101 = arith.constant 0 : i32
    %dma_start3A_102 = tpu.memref_slice %arg2[%shift_right_arithmetic3A_93, %mul3A_97, %dma_start3A_101] : memref<24x512x512xf32, #tpu.memory_space<hbm>> -> memref<1x32x512xf32, #tpu.memory_space<hbm>>
    %dma_start3A_103 = tpu.memref_squeeze %dma_start3A_102 : memref<1x32x512xf32, #tpu.memory_space<hbm>> -> memref<32x512xf32, #tpu.memory_space<hbm>>
    tpu.enqueue_dma source(%dma_start3A_103 : memref<32x512xf32, #tpu.memory_space<hbm>>) target(%arg7 : memref<32x512xf32, #tpu.memory_space<vmem>>) target_semaphore(%arg12 : memref<!tpu.dma_semaphore, #tpu.memory_space<semaphore_mem>>)
    %dma_wait3A_104 = arith.constant 0 : i32
    %dma_wait3A_105 = tpu.memref_slice %arg2[%shift_right_arithmetic3A_60, %mul3A_64, %dma_wait3A_104] : memref<24x512x512xf32, #tpu.memory_space<hbm>> -> memref<1x32x512xf32, #tpu.memory_space<hbm>>
    %dma_wait3A_106 = tpu.memref_squeeze %dma_wait3A_105 : memref<1x32x512xf32, #tpu.memory_space<hbm>> -> memref<32x512xf32, #tpu.memory_space<hbm>>
    %dma_wait3A_107 = arith.constant 0 : i32
    %dma_wait3A_108 = tpu.memref_slice %arg2[%shift_right_arithmetic3A_60, %mul3A_64, %dma_wait3A_107] : memref<24x512x512xf32, #tpu.memory_space<hbm>> -> memref<1x32x512xf32, #tpu.memory_space<hbm>>
    %dma_wait3A_109 = tpu.memref_squeeze %dma_wait3A_108 : memref<1x32x512xf32, #tpu.memory_space<hbm>> -> memref<32x512xf32, #tpu.memory_space<hbm>>
    tpu.wait_dma2 semaphore(%arg11 : memref<!tpu.dma_semaphore, #tpu.memory_space<semaphore_mem>>) src(%dma_wait3A_109 : memref<32x512xf32, #tpu.memory_space<hbm>>) dst(%arg6 : memref<32x512xf32, #tpu.memory_space<vmem>>)
    %mul3A_110 = arith.constant 12 : i32
    %mul3A_111 = arith.muli %add3A, %mul3A_110 : i32
    %add3A_112 = arith.constant 2 : i32
    %add3A_113 = arith.addi %mul3A_111, %add3A_112 : i32
    %shift_right_arithmetic3A_114 = arith.constant 4 : i32
    %shift_right_arithmetic3A_115 = arith.shrsi %add3A_113, %shift_right_arithmetic3A_114 : i32
    %mul3A_116 = arith.constant 256 : i32
    %mul3A_117 = arith.muli %shift_right_arithmetic3A_115, %mul3A_116 : i32
    %parallel_loop3A_118 = arith.constant 0 : i32
    %parallel_loop3A_119 = arith.constant 1024 : i32
    %parallel_loop3A_120 = arith.constant 1 : i32
    scf.for %parallel_loop3A_404 = %parallel_loop3A_118 to %parallel_loop3A_119 step %parallel_loop3A_120  : i32 {
      %parallel_loop3A_405 = arith.constant 5 : i32
      %parallel_loop3A_406 = arith.shrsi %parallel_loop3A_404, %parallel_loop3A_405 : i32
      %parallel_loop3A_407 = arith.constant 31 : i32
      %parallel_loop3A_408 = arith.andi %parallel_loop3A_404, %parallel_loop3A_407 : i32
      %parallel_loop3A_409 = arith.constant 16 : i32
      %parallel_loop3A_410 = arith.muli %parallel_loop3A_408, %parallel_loop3A_409 : i32
      %parallel_loop3A_411 = arith.index_cast %parallel_loop3A_406 : i32 to index
      %parallel_loop3A_412 = arith.index_cast %parallel_loop3A_410 : i32 to index
      %parallel_loop3A_413 = tpu.vector_load %arg6[%parallel_loop3A_411, %parallel_loop3A_412] {strides = array<i32>} : memref<32x512xf32, #tpu.memory_space<vmem>>, vector<16xf32>,
      %parallel_loop3A_414 = arith.subf %parallel_loop3A_413, %get3A_1 : vector<16xf32>
      %parallel_loop3A_415 = arith.divf %parallel_loop3A_414, %sub3A : vector<16xf32>
      %parallel_loop3A_416 = arith.constant 2.560000e+02 : f32
      %parallel_loop3A_417 = vector.broadcast %parallel_loop3A_416 : f32 to vector<16xf32>
      %parallel_loop3A_418 = arith.mulf %parallel_loop3A_415, %parallel_loop3A_417 : vector<16xf32>
      %parallel_loop3A_419 = arith.constant 2.550000e+02 : f32
      %parallel_loop3A_420 = vector.broadcast %parallel_loop3A_419 : f32 to vector<16xf32>
      %parallel_loop3A_421 = arith.minimumf %parallel_loop3A_418, %parallel_loop3A_420 : vector<16xf32>
      %parallel_loop3A_422 = arith.fptosi %parallel_loop3A_421 : vector<16xf32> to vector<16xi32>
      %parallel_loop3A_423 = vector.broadcast %mul3A_117 : i32 to vector<16xi32>
      %parallel_loop3A_424 = arith.addi %parallel_loop3A_422, %parallel_loop3A_423 : vector<16xi32>
      tpu.vector_store_idx %arg8[%parallel_loop3A_424], %broadcast_in_dim3A_10 {add = true} : memref<6144xf32, #tpu.memory_space<vmem>>[vector<16xi32>], vector<16xf32>,
    } {sc.loop_unroll_factor = 8 : i64, sc.parallel_access}
    %mul3A_121 = arith.constant 12 : i32
    %mul3A_122 = arith.muli %add3A, %mul3A_121 : i32
    %add3A_123 = arith.constant 4 : i32
    %add3A_124 = arith.addi %mul3A_122, %add3A_123 : i32
    %shift_right_arithmetic3A_125 = arith.constant 4 : i32
    %shift_right_arithmetic3A_126 = arith.shrsi %add3A_124, %shift_right_arithmetic3A_125 : i32
    %and3A_127 = arith.constant 15 : i32
    %and3A_128 = arith.andi %add3A_124, %and3A_127 : i32
    %mul3A_129 = arith.constant 32 : i32
    %mul3A_130 = arith.muli %and3A_128, %mul3A_129 : i32
    %dma_start3A_131 = arith.constant 0 : i32
    %dma_start3A_132 = tpu.memref_slice %arg2[%shift_right_arithmetic3A_126, %mul3A_130, %dma_start3A_131] : memref<24x512x512xf32, #tpu.memory_space<hbm>> -> memref<1x32x512xf32, #tpu.memory_space<hbm>>
    %dma_start3A_133 = tpu.memref_squeeze %dma_start3A_132 : memref<1x32x512xf32, #tpu.memory_space<hbm>> -> memref<32x512xf32, #tpu.memory_space<hbm>>
    %dma_start3A_134 = arith.constant 0 : i32
    %dma_start3A_135 = tpu.memref_slice %arg2[%shift_right_arithmetic3A_126, %mul3A_130, %dma_start3A_134] : memref<24x512x512xf32, #tpu.memory_space<hbm>> -> memref<1x32x512xf32, #tpu.memory_space<hbm>>
    %dma_start3A_136 = tpu.memref_squeeze %dma_start3A_135 : memref<1x32x512xf32, #tpu.memory_space<hbm>> -> memref<32x512xf32, #tpu.memory_space<hbm>>
    tpu.enqueue_dma source(%dma_start3A_136 : memref<32x512xf32, #tpu.memory_space<hbm>>) target(%arg6 : memref<32x512xf32, #tpu.memory_space<vmem>>) target_semaphore(%arg11 : memref<!tpu.dma_semaphore, #tpu.memory_space<semaphore_mem>>)
    %dma_wait3A_137 = arith.constant 0 : i32
    %dma_wait3A_138 = tpu.memref_slice %arg2[%shift_right_arithmetic3A_93, %mul3A_97, %dma_wait3A_137] : memref<24x512x512xf32, #tpu.memory_space<hbm>> -> memref<1x32x512xf32, #tpu.memory_space<hbm>>
    %dma_wait3A_139 = tpu.memref_squeeze %dma_wait3A_138 : memref<1x32x512xf32, #tpu.memory_space<hbm>> -> memref<32x512xf32, #tpu.memory_space<hbm>>
    %dma_wait3A_140 = arith.constant 0 : i32
    %dma_wait3A_141 = tpu.memref_slice %arg2[%shift_right_arithmetic3A_93, %mul3A_97, %dma_wait3A_140] : memref<24x512x512xf32, #tpu.memory_space<hbm>> -> memref<1x32x512xf32, #tpu.memory_space<hbm>>
    %dma_wait3A_142 = tpu.memref_squeeze %dma_wait3A_141 : memref<1x32x512xf32, #tpu.memory_space<hbm>> -> memref<32x512xf32, #tpu.memory_space<hbm>>
    tpu.wait_dma2 semaphore(%arg12 : memref<!tpu.dma_semaphore, #tpu.memory_space<semaphore_mem>>) src(%dma_wait3A_142 : memref<32x512xf32, #tpu.memory_space<hbm>>) dst(%arg7 : memref<32x512xf32, #tpu.memory_space<vmem>>)
    %mul3A_143 = arith.constant 12 : i32
    %mul3A_144 = arith.muli %add3A, %mul3A_143 : i32
    %add3A_145 = arith.constant 3 : i32
    %add3A_146 = arith.addi %mul3A_144, %add3A_145 : i32
    %shift_right_arithmetic3A_147 = arith.constant 4 : i32
    %shift_right_arithmetic3A_148 = arith.shrsi %add3A_146, %shift_right_arithmetic3A_147 : i32
    %mul3A_149 = arith.constant 256 : i32
    %mul3A_150 = arith.muli %shift_right_arithmetic3A_148, %mul3A_149 : i32
    %parallel_loop3A_151 = arith.constant 0 : i32
    %parallel_loop3A_152 = arith.constant 1024 : i32
    %parallel_loop3A_153 = arith.constant 1 : i32
    scf.for %parallel_loop3A_404 = %parallel_loop3A_151 to %parallel_loop3A_152 step %parallel_loop3A_153  : i32 {
      %parallel_loop3A_405 = arith.constant 5 : i32
      %parallel_loop3A_406 = arith.shrsi %parallel_loop3A_404, %parallel_loop3A_405 : i32
      %parallel_loop3A_407 = arith.constant 31 : i32
      %parallel_loop3A_408 = arith.andi %parallel_loop3A_404, %parallel_loop3A_407 : i32
      %parallel_loop3A_409 = arith.constant 16 : i32
      %parallel_loop3A_410 = arith.muli %parallel_loop3A_408, %parallel_loop3A_409 : i32
      %parallel_loop3A_411 = arith.index_cast %parallel_loop3A_406 : i32 to index
      %parallel_loop3A_412 = arith.index_cast %parallel_loop3A_410 : i32 to index
      %parallel_loop3A_413 = tpu.vector_load %arg7[%parallel_loop3A_411, %parallel_loop3A_412] {strides = array<i32>} : memref<32x512xf32, #tpu.memory_space<vmem>>, vector<16xf32>,
      %parallel_loop3A_414 = arith.subf %parallel_loop3A_413, %get3A_1 : vector<16xf32>
      %parallel_loop3A_415 = arith.divf %parallel_loop3A_414, %sub3A : vector<16xf32>
      %parallel_loop3A_416 = arith.constant 2.560000e+02 : f32
      %parallel_loop3A_417 = vector.broadcast %parallel_loop3A_416 : f32 to vector<16xf32>
      %parallel_loop3A_418 = arith.mulf %parallel_loop3A_415, %parallel_loop3A_417 : vector<16xf32>
      %parallel_loop3A_419 = arith.constant 2.550000e+02 : f32
      %parallel_loop3A_420 = vector.broadcast %parallel_loop3A_419 : f32 to vector<16xf32>
      %parallel_loop3A_421 = arith.minimumf %parallel_loop3A_418, %parallel_loop3A_420 : vector<16xf32>
      %parallel_loop3A_422 = arith.fptosi %parallel_loop3A_421 : vector<16xf32> to vector<16xi32>
      %parallel_loop3A_423 = vector.broadcast %mul3A_150 : i32 to vector<16xi32>
      %parallel_loop3A_424 = arith.addi %parallel_loop3A_422, %parallel_loop3A_423 : vector<16xi32>
      tpu.vector_store_idx %arg8[%parallel_loop3A_424], %broadcast_in_dim3A_10 {add = true} : memref<6144xf32, #tpu.memory_space<vmem>>[vector<16xi32>], vector<16xf32>,
    } {sc.loop_unroll_factor = 8 : i64, sc.parallel_access}
    %mul3A_154 = arith.constant 12 : i32
    %mul3A_155 = arith.muli %add3A, %mul3A_154 : i32
    %add3A_156 = arith.constant 5 : i32
    %add3A_157 = arith.addi %mul3A_155, %add3A_156 : i32
    %shift_right_arithmetic3A_158 = arith.constant 4 : i32
    %shift_right_arithmetic3A_159 = arith.shrsi %add3A_157, %shift_right_arithmetic3A_158 : i32
    %and3A_160 = arith.constant 15 : i32
    %and3A_161 = arith.andi %add3A_157, %and3A_160 : i32
    %mul3A_162 = arith.constant 32 : i32
    %mul3A_163 = arith.muli %and3A_161, %mul3A_162 : i32
    %dma_start3A_164 = arith.constant 0 : i32
    %dma_start3A_165 = tpu.memref_slice %arg2[%shift_right_arithmetic3A_159, %mul3A_163, %dma_start3A_164] : memref<24x512x512xf32, #tpu.memory_space<hbm>> -> memref<1x32x512xf32, #tpu.memory_space<hbm>>
    %dma_start3A_166 = tpu.memref_squeeze %dma_start3A_165 : memref<1x32x512xf32, #tpu.memory_space<hbm>> -> memref<32x512xf32, #tpu.memory_space<hbm>>
    %dma_start3A_167 = arith.constant 0 : i32
    %dma_start3A_168 = tpu.memref_slice %arg2[%shift_right_arithmetic3A_159, %mul3A_163, %dma_start3A_167] : memref<24x512x512xf32, #tpu.memory_space<hbm>> -> memref<1x32x512xf32, #tpu.memory_space<hbm>>
    %dma_start3A_169 = tpu.memref_squeeze %dma_start3A_168 : memref<1x32x512xf32, #tpu.memory_space<hbm>> -> memref<32x512xf32, #tpu.memory_space<hbm>>
    tpu.enqueue_dma source(%dma_start3A_169 : memref<32x512xf32, #tpu.memory_space<hbm>>) target(%arg7 : memref<32x512xf32, #tpu.memory_space<vmem>>) target_semaphore(%arg12 : memref<!tpu.dma_semaphore, #tpu.memory_space<semaphore_mem>>)
    %dma_wait3A_170 = arith.constant 0 : i32
    %dma_wait3A_171 = tpu.memref_slice %arg2[%shift_right_arithmetic3A_126, %mul3A_130, %dma_wait3A_170] : memref<24x512x512xf32, #tpu.memory_space<hbm>> -> memref<1x32x512xf32, #tpu.memory_space<hbm>>
    %dma_wait3A_172 = tpu.memref_squeeze %dma_wait3A_171 : memref<1x32x512xf32, #tpu.memory_space<hbm>> -> memref<32x512xf32, #tpu.memory_space<hbm>>
    %dma_wait3A_173 = arith.constant 0 : i32
    %dma_wait3A_174 = tpu.memref_slice %arg2[%shift_right_arithmetic3A_126, %mul3A_130, %dma_wait3A_173] : memref<24x512x512xf32, #tpu.memory_space<hbm>> -> memref<1x32x512xf32, #tpu.memory_space<hbm>>
    %dma_wait3A_175 = tpu.memref_squeeze %dma_wait3A_174 : memref<1x32x512xf32, #tpu.memory_space<hbm>> -> memref<32x512xf32, #tpu.memory_space<hbm>>
    tpu.wait_dma2 semaphore(%arg11 : memref<!tpu.dma_semaphore, #tpu.memory_space<semaphore_mem>>) src(%dma_wait3A_175 : memref<32x512xf32, #tpu.memory_space<hbm>>) dst(%arg6 : memref<32x512xf32, #tpu.memory_space<vmem>>)
    %mul3A_176 = arith.constant 12 : i32
    %mul3A_177 = arith.muli %add3A, %mul3A_176 : i32
    %add3A_178 = arith.constant 4 : i32
    %add3A_179 = arith.addi %mul3A_177, %add3A_178 : i32
    %shift_right_arithmetic3A_180 = arith.constant 4 : i32
    %shift_right_arithmetic3A_181 = arith.shrsi %add3A_179, %shift_right_arithmetic3A_180 : i32
    %mul3A_182 = arith.constant 256 : i32
    %mul3A_183 = arith.muli %shift_right_arithmetic3A_181, %mul3A_182 : i32
    %parallel_loop3A_184 = arith.constant 0 : i32
    %parallel_loop3A_185 = arith.constant 1024 : i32
    %parallel_loop3A_186 = arith.constant 1 : i32
    scf.for %parallel_loop3A_404 = %parallel_loop3A_184 to %parallel_loop3A_185 step %parallel_loop3A_186  : i32 {
      %parallel_loop3A_405 = arith.constant 5 : i32
      %parallel_loop3A_406 = arith.shrsi %parallel_loop3A_404, %parallel_loop3A_405 : i32
      %parallel_loop3A_407 = arith.constant 31 : i32
      %parallel_loop3A_408 = arith.andi %parallel_loop3A_404, %parallel_loop3A_407 : i32
      %parallel_loop3A_409 = arith.constant 16 : i32
      %parallel_loop3A_410 = arith.muli %parallel_loop3A_408, %parallel_loop3A_409 : i32
      %parallel_loop3A_411 = arith.index_cast %parallel_loop3A_406 : i32 to index
      %parallel_loop3A_412 = arith.index_cast %parallel_loop3A_410 : i32 to index
      %parallel_loop3A_413 = tpu.vector_load %arg6[%parallel_loop3A_411, %parallel_loop3A_412] {strides = array<i32>} : memref<32x512xf32, #tpu.memory_space<vmem>>, vector<16xf32>,
      %parallel_loop3A_414 = arith.subf %parallel_loop3A_413, %get3A_1 : vector<16xf32>
      %parallel_loop3A_415 = arith.divf %parallel_loop3A_414, %sub3A : vector<16xf32>
      %parallel_loop3A_416 = arith.constant 2.560000e+02 : f32
      %parallel_loop3A_417 = vector.broadcast %parallel_loop3A_416 : f32 to vector<16xf32>
      %parallel_loop3A_418 = arith.mulf %parallel_loop3A_415, %parallel_loop3A_417 : vector<16xf32>
      %parallel_loop3A_419 = arith.constant 2.550000e+02 : f32
      %parallel_loop3A_420 = vector.broadcast %parallel_loop3A_419 : f32 to vector<16xf32>
      %parallel_loop3A_421 = arith.minimumf %parallel_loop3A_418, %parallel_loop3A_420 : vector<16xf32>
      %parallel_loop3A_422 = arith.fptosi %parallel_loop3A_421 : vector<16xf32> to vector<16xi32>
      %parallel_loop3A_423 = vector.broadcast %mul3A_183 : i32 to vector<16xi32>
      %parallel_loop3A_424 = arith.addi %parallel_loop3A_422, %parallel_loop3A_423 : vector<16xi32>
      tpu.vector_store_idx %arg8[%parallel_loop3A_424], %broadcast_in_dim3A_10 {add = true} : memref<6144xf32, #tpu.memory_space<vmem>>[vector<16xi32>], vector<16xf32>,
    } {sc.loop_unroll_factor = 8 : i64, sc.parallel_access}
    %mul3A_187 = arith.constant 12 : i32
    %mul3A_188 = arith.muli %add3A, %mul3A_187 : i32
    %add3A_189 = arith.constant 6 : i32
    %add3A_190 = arith.addi %mul3A_188, %add3A_189 : i32
    %shift_right_arithmetic3A_191 = arith.constant 4 : i32
    %shift_right_arithmetic3A_192 = arith.shrsi %add3A_190, %shift_right_arithmetic3A_191 : i32
    %and3A_193 = arith.constant 15 : i32
    %and3A_194 = arith.andi %add3A_190, %and3A_193 : i32
    %mul3A_195 = arith.constant 32 : i32
    %mul3A_196 = arith.muli %and3A_194, %mul3A_195 : i32
    %dma_start3A_197 = arith.constant 0 : i32
    %dma_start3A_198 = tpu.memref_slice %arg2[%shift_right_arithmetic3A_192, %mul3A_196, %dma_start3A_197] : memref<24x512x512xf32, #tpu.memory_space<hbm>> -> memref<1x32x512xf32, #tpu.memory_space<hbm>>
    %dma_start3A_199 = tpu.memref_squeeze %dma_start3A_198 : memref<1x32x512xf32, #tpu.memory_space<hbm>> -> memref<32x512xf32, #tpu.memory_space<hbm>>
    %dma_start3A_200 = arith.constant 0 : i32
    %dma_start3A_201 = tpu.memref_slice %arg2[%shift_right_arithmetic3A_192, %mul3A_196, %dma_start3A_200] : memref<24x512x512xf32, #tpu.memory_space<hbm>> -> memref<1x32x512xf32, #tpu.memory_space<hbm>>
    %dma_start3A_202 = tpu.memref_squeeze %dma_start3A_201 : memref<1x32x512xf32, #tpu.memory_space<hbm>> -> memref<32x512xf32, #tpu.memory_space<hbm>>
    tpu.enqueue_dma source(%dma_start3A_202 : memref<32x512xf32, #tpu.memory_space<hbm>>) target(%arg6 : memref<32x512xf32, #tpu.memory_space<vmem>>) target_semaphore(%arg11 : memref<!tpu.dma_semaphore, #tpu.memory_space<semaphore_mem>>)
    %dma_wait3A_203 = arith.constant 0 : i32
    %dma_wait3A_204 = tpu.memref_slice %arg2[%shift_right_arithmetic3A_159, %mul3A_163, %dma_wait3A_203] : memref<24x512x512xf32, #tpu.memory_space<hbm>> -> memref<1x32x512xf32, #tpu.memory_space<hbm>>
    %dma_wait3A_205 = tpu.memref_squeeze %dma_wait3A_204 : memref<1x32x512xf32, #tpu.memory_space<hbm>> -> memref<32x512xf32, #tpu.memory_space<hbm>>
    %dma_wait3A_206 = arith.constant 0 : i32
    %dma_wait3A_207 = tpu.memref_slice %arg2[%shift_right_arithmetic3A_159, %mul3A_163, %dma_wait3A_206] : memref<24x512x512xf32, #tpu.memory_space<hbm>> -> memref<1x32x512xf32, #tpu.memory_space<hbm>>
    %dma_wait3A_208 = tpu.memref_squeeze %dma_wait3A_207 : memref<1x32x512xf32, #tpu.memory_space<hbm>> -> memref<32x512xf32, #tpu.memory_space<hbm>>
    tpu.wait_dma2 semaphore(%arg12 : memref<!tpu.dma_semaphore, #tpu.memory_space<semaphore_mem>>) src(%dma_wait3A_208 : memref<32x512xf32, #tpu.memory_space<hbm>>) dst(%arg7 : memref<32x512xf32, #tpu.memory_space<vmem>>)
    %mul3A_209 = arith.constant 12 : i32
    %mul3A_210 = arith.muli %add3A, %mul3A_209 : i32
    %add3A_211 = arith.constant 5 : i32
    %add3A_212 = arith.addi %mul3A_210, %add3A_211 : i32
    %shift_right_arithmetic3A_213 = arith.constant 4 : i32
    %shift_right_arithmetic3A_214 = arith.shrsi %add3A_212, %shift_right_arithmetic3A_213 : i32
    %mul3A_215 = arith.constant 256 : i32
    %mul3A_216 = arith.muli %shift_right_arithmetic3A_214, %mul3A_215 : i32
    %parallel_loop3A_217 = arith.constant 0 : i32
    %parallel_loop3A_218 = arith.constant 1024 : i32
    %parallel_loop3A_219 = arith.constant 1 : i32
    scf.for %parallel_loop3A_404 = %parallel_loop3A_217 to %parallel_loop3A_218 step %parallel_loop3A_219  : i32 {
      %parallel_loop3A_405 = arith.constant 5 : i32
      %parallel_loop3A_406 = arith.shrsi %parallel_loop3A_404, %parallel_loop3A_405 : i32
      %parallel_loop3A_407 = arith.constant 31 : i32
      %parallel_loop3A_408 = arith.andi %parallel_loop3A_404, %parallel_loop3A_407 : i32
      %parallel_loop3A_409 = arith.constant 16 : i32
      %parallel_loop3A_410 = arith.muli %parallel_loop3A_408, %parallel_loop3A_409 : i32
      %parallel_loop3A_411 = arith.index_cast %parallel_loop3A_406 : i32 to index
      %parallel_loop3A_412 = arith.index_cast %parallel_loop3A_410 : i32 to index
      %parallel_loop3A_413 = tpu.vector_load %arg7[%parallel_loop3A_411, %parallel_loop3A_412] {strides = array<i32>} : memref<32x512xf32, #tpu.memory_space<vmem>>, vector<16xf32>,
      %parallel_loop3A_414 = arith.subf %parallel_loop3A_413, %get3A_1 : vector<16xf32>
      %parallel_loop3A_415 = arith.divf %parallel_loop3A_414, %sub3A : vector<16xf32>
      %parallel_loop3A_416 = arith.constant 2.560000e+02 : f32
      %parallel_loop3A_417 = vector.broadcast %parallel_loop3A_416 : f32 to vector<16xf32>
      %parallel_loop3A_418 = arith.mulf %parallel_loop3A_415, %parallel_loop3A_417 : vector<16xf32>
      %parallel_loop3A_419 = arith.constant 2.550000e+02 : f32
      %parallel_loop3A_420 = vector.broadcast %parallel_loop3A_419 : f32 to vector<16xf32>
      %parallel_loop3A_421 = arith.minimumf %parallel_loop3A_418, %parallel_loop3A_420 : vector<16xf32>
      %parallel_loop3A_422 = arith.fptosi %parallel_loop3A_421 : vector<16xf32> to vector<16xi32>
      %parallel_loop3A_423 = vector.broadcast %mul3A_216 : i32 to vector<16xi32>
      %parallel_loop3A_424 = arith.addi %parallel_loop3A_422, %parallel_loop3A_423 : vector<16xi32>
      tpu.vector_store_idx %arg8[%parallel_loop3A_424], %broadcast_in_dim3A_10 {add = true} : memref<6144xf32, #tpu.memory_space<vmem>>[vector<16xi32>], vector<16xf32>,
    } {sc.loop_unroll_factor = 8 : i64, sc.parallel_access}
    %mul3A_220 = arith.constant 12 : i32
    %mul3A_221 = arith.muli %add3A, %mul3A_220 : i32
    %add3A_222 = arith.constant 7 : i32
    %add3A_223 = arith.addi %mul3A_221, %add3A_222 : i32
    %shift_right_arithmetic3A_224 = arith.constant 4 : i32
    %shift_right_arithmetic3A_225 = arith.shrsi %add3A_223, %shift_right_arithmetic3A_224 : i32
    %and3A_226 = arith.constant 15 : i32
    %and3A_227 = arith.andi %add3A_223, %and3A_226 : i32
    %mul3A_228 = arith.constant 32 : i32
    %mul3A_229 = arith.muli %and3A_227, %mul3A_228 : i32
    %dma_start3A_230 = arith.constant 0 : i32
    %dma_start3A_231 = tpu.memref_slice %arg2[%shift_right_arithmetic3A_225, %mul3A_229, %dma_start3A_230] : memref<24x512x512xf32, #tpu.memory_space<hbm>> -> memref<1x32x512xf32, #tpu.memory_space<hbm>>
    %dma_start3A_232 = tpu.memref_squeeze %dma_start3A_231 : memref<1x32x512xf32, #tpu.memory_space<hbm>> -> memref<32x512xf32, #tpu.memory_space<hbm>>
    %dma_start3A_233 = arith.constant 0 : i32
    %dma_start3A_234 = tpu.memref_slice %arg2[%shift_right_arithmetic3A_225, %mul3A_229, %dma_start3A_233] : memref<24x512x512xf32, #tpu.memory_space<hbm>> -> memref<1x32x512xf32, #tpu.memory_space<hbm>>
    %dma_start3A_235 = tpu.memref_squeeze %dma_start3A_234 : memref<1x32x512xf32, #tpu.memory_space<hbm>> -> memref<32x512xf32, #tpu.memory_space<hbm>>
    tpu.enqueue_dma source(%dma_start3A_235 : memref<32x512xf32, #tpu.memory_space<hbm>>) target(%arg7 : memref<32x512xf32, #tpu.memory_space<vmem>>) target_semaphore(%arg12 : memref<!tpu.dma_semaphore, #tpu.memory_space<semaphore_mem>>)
    %dma_wait3A_236 = arith.constant 0 : i32
    %dma_wait3A_237 = tpu.memref_slice %arg2[%shift_right_arithmetic3A_192, %mul3A_196, %dma_wait3A_236] : memref<24x512x512xf32, #tpu.memory_space<hbm>> -> memref<1x32x512xf32, #tpu.memory_space<hbm>>
    %dma_wait3A_238 = tpu.memref_squeeze %dma_wait3A_237 : memref<1x32x512xf32, #tpu.memory_space<hbm>> -> memref<32x512xf32, #tpu.memory_space<hbm>>
    %dma_wait3A_239 = arith.constant 0 : i32
    %dma_wait3A_240 = tpu.memref_slice %arg2[%shift_right_arithmetic3A_192, %mul3A_196, %dma_wait3A_239] : memref<24x512x512xf32, #tpu.memory_space<hbm>> -> memref<1x32x512xf32, #tpu.memory_space<hbm>>
    %dma_wait3A_241 = tpu.memref_squeeze %dma_wait3A_240 : memref<1x32x512xf32, #tpu.memory_space<hbm>> -> memref<32x512xf32, #tpu.memory_space<hbm>>
    tpu.wait_dma2 semaphore(%arg11 : memref<!tpu.dma_semaphore, #tpu.memory_space<semaphore_mem>>) src(%dma_wait3A_241 : memref<32x512xf32, #tpu.memory_space<hbm>>) dst(%arg6 : memref<32x512xf32, #tpu.memory_space<vmem>>)
    %mul3A_242 = arith.constant 12 : i32
    %mul3A_243 = arith.muli %add3A, %mul3A_242 : i32
    %add3A_244 = arith.constant 6 : i32
    %add3A_245 = arith.addi %mul3A_243, %add3A_244 : i32
    %shift_right_arithmetic3A_246 = arith.constant 4 : i32
    %shift_right_arithmetic3A_247 = arith.shrsi %add3A_245, %shift_right_arithmetic3A_246 : i32
    %mul3A_248 = arith.constant 256 : i32
    %mul3A_249 = arith.muli %shift_right_arithmetic3A_247, %mul3A_248 : i32
    %parallel_loop3A_250 = arith.constant 0 : i32
    %parallel_loop3A_251 = arith.constant 1024 : i32
    %parallel_loop3A_252 = arith.constant 1 : i32
    scf.for %parallel_loop3A_404 = %parallel_loop3A_250 to %parallel_loop3A_251 step %parallel_loop3A_252  : i32 {
      %parallel_loop3A_405 = arith.constant 5 : i32
      %parallel_loop3A_406 = arith.shrsi %parallel_loop3A_404, %parallel_loop3A_405 : i32
      %parallel_loop3A_407 = arith.constant 31 : i32
      %parallel_loop3A_408 = arith.andi %parallel_loop3A_404, %parallel_loop3A_407 : i32
      %parallel_loop3A_409 = arith.constant 16 : i32
      %parallel_loop3A_410 = arith.muli %parallel_loop3A_408, %parallel_loop3A_409 : i32
      %parallel_loop3A_411 = arith.index_cast %parallel_loop3A_406 : i32 to index
      %parallel_loop3A_412 = arith.index_cast %parallel_loop3A_410 : i32 to index
      %parallel_loop3A_413 = tpu.vector_load %arg6[%parallel_loop3A_411, %parallel_loop3A_412] {strides = array<i32>} : memref<32x512xf32, #tpu.memory_space<vmem>>, vector<16xf32>,
      %parallel_loop3A_414 = arith.subf %parallel_loop3A_413, %get3A_1 : vector<16xf32>
      %parallel_loop3A_415 = arith.divf %parallel_loop3A_414, %sub3A : vector<16xf32>
      %parallel_loop3A_416 = arith.constant 2.560000e+02 : f32
      %parallel_loop3A_417 = vector.broadcast %parallel_loop3A_416 : f32 to vector<16xf32>
      %parallel_loop3A_418 = arith.mulf %parallel_loop3A_415, %parallel_loop3A_417 : vector<16xf32>
      %parallel_loop3A_419 = arith.constant 2.550000e+02 : f32
      %parallel_loop3A_420 = vector.broadcast %parallel_loop3A_419 : f32 to vector<16xf32>
      %parallel_loop3A_421 = arith.minimumf %parallel_loop3A_418, %parallel_loop3A_420 : vector<16xf32>
      %parallel_loop3A_422 = arith.fptosi %parallel_loop3A_421 : vector<16xf32> to vector<16xi32>
      %parallel_loop3A_423 = vector.broadcast %mul3A_249 : i32 to vector<16xi32>
      %parallel_loop3A_424 = arith.addi %parallel_loop3A_422, %parallel_loop3A_423 : vector<16xi32>
      tpu.vector_store_idx %arg8[%parallel_loop3A_424], %broadcast_in_dim3A_10 {add = true} : memref<6144xf32, #tpu.memory_space<vmem>>[vector<16xi32>], vector<16xf32>,
    } {sc.loop_unroll_factor = 8 : i64, sc.parallel_access}
    %mul3A_253 = arith.constant 12 : i32
    %mul3A_254 = arith.muli %add3A, %mul3A_253 : i32
    %add3A_255 = arith.constant 8 : i32
    %add3A_256 = arith.addi %mul3A_254, %add3A_255 : i32
    %shift_right_arithmetic3A_257 = arith.constant 4 : i32
    %shift_right_arithmetic3A_258 = arith.shrsi %add3A_256, %shift_right_arithmetic3A_257 : i32
    %and3A_259 = arith.constant 15 : i32
    %and3A_260 = arith.andi %add3A_256, %and3A_259 : i32
    %mul3A_261 = arith.constant 32 : i32
    %mul3A_262 = arith.muli %and3A_260, %mul3A_261 : i32
    %dma_start3A_263 = arith.constant 0 : i32
    %dma_start3A_264 = tpu.memref_slice %arg2[%shift_right_arithmetic3A_258, %mul3A_262, %dma_start3A_263] : memref<24x512x512xf32, #tpu.memory_space<hbm>> -> memref<1x32x512xf32, #tpu.memory_space<hbm>>
    %dma_start3A_265 = tpu.memref_squeeze %dma_start3A_264 : memref<1x32x512xf32, #tpu.memory_space<hbm>> -> memref<32x512xf32, #tpu.memory_space<hbm>>
    %dma_start3A_266 = arith.constant 0 : i32
    %dma_start3A_267 = tpu.memref_slice %arg2[%shift_right_arithmetic3A_258, %mul3A_262, %dma_start3A_266] : memref<24x512x512xf32, #tpu.memory_space<hbm>> -> memref<1x32x512xf32, #tpu.memory_space<hbm>>
    %dma_start3A_268 = tpu.memref_squeeze %dma_start3A_267 : memref<1x32x512xf32, #tpu.memory_space<hbm>> -> memref<32x512xf32, #tpu.memory_space<hbm>>
    tpu.enqueue_dma source(%dma_start3A_268 : memref<32x512xf32, #tpu.memory_space<hbm>>) target(%arg6 : memref<32x512xf32, #tpu.memory_space<vmem>>) target_semaphore(%arg11 : memref<!tpu.dma_semaphore, #tpu.memory_space<semaphore_mem>>)
    %dma_wait3A_269 = arith.constant 0 : i32
    %dma_wait3A_270 = tpu.memref_slice %arg2[%shift_right_arithmetic3A_225, %mul3A_229, %dma_wait3A_269] : memref<24x512x512xf32, #tpu.memory_space<hbm>> -> memref<1x32x512xf32, #tpu.memory_space<hbm>>
    %dma_wait3A_271 = tpu.memref_squeeze %dma_wait3A_270 : memref<1x32x512xf32, #tpu.memory_space<hbm>> -> memref<32x512xf32, #tpu.memory_space<hbm>>
    %dma_wait3A_272 = arith.constant 0 : i32
    %dma_wait3A_273 = tpu.memref_slice %arg2[%shift_right_arithmetic3A_225, %mul3A_229, %dma_wait3A_272] : memref<24x512x512xf32, #tpu.memory_space<hbm>> -> memref<1x32x512xf32, #tpu.memory_space<hbm>>
    %dma_wait3A_274 = tpu.memref_squeeze %dma_wait3A_273 : memref<1x32x512xf32, #tpu.memory_space<hbm>> -> memref<32x512xf32, #tpu.memory_space<hbm>>
    tpu.wait_dma2 semaphore(%arg12 : memref<!tpu.dma_semaphore, #tpu.memory_space<semaphore_mem>>) src(%dma_wait3A_274 : memref<32x512xf32, #tpu.memory_space<hbm>>) dst(%arg7 : memref<32x512xf32, #tpu.memory_space<vmem>>)
    %mul3A_275 = arith.constant 12 : i32
    %mul3A_276 = arith.muli %add3A, %mul3A_275 : i32
    %add3A_277 = arith.constant 7 : i32
    %add3A_278 = arith.addi %mul3A_276, %add3A_277 : i32
    %shift_right_arithmetic3A_279 = arith.constant 4 : i32
    %shift_right_arithmetic3A_280 = arith.shrsi %add3A_278, %shift_right_arithmetic3A_279 : i32
    %mul3A_281 = arith.constant 256 : i32
    %mul3A_282 = arith.muli %shift_right_arithmetic3A_280, %mul3A_281 : i32
    %parallel_loop3A_283 = arith.constant 0 : i32
    %parallel_loop3A_284 = arith.constant 1024 : i32
    %parallel_loop3A_285 = arith.constant 1 : i32
    scf.for %parallel_loop3A_404 = %parallel_loop3A_283 to %parallel_loop3A_284 step %parallel_loop3A_285  : i32 {
      %parallel_loop3A_405 = arith.constant 5 : i32
      %parallel_loop3A_406 = arith.shrsi %parallel_loop3A_404, %parallel_loop3A_405 : i32
      %parallel_loop3A_407 = arith.constant 31 : i32
      %parallel_loop3A_408 = arith.andi %parallel_loop3A_404, %parallel_loop3A_407 : i32
      %parallel_loop3A_409 = arith.constant 16 : i32
      %parallel_loop3A_410 = arith.muli %parallel_loop3A_408, %parallel_loop3A_409 : i32
      %parallel_loop3A_411 = arith.index_cast %parallel_loop3A_406 : i32 to index
      %parallel_loop3A_412 = arith.index_cast %parallel_loop3A_410 : i32 to index
      %parallel_loop3A_413 = tpu.vector_load %arg7[%parallel_loop3A_411, %parallel_loop3A_412] {strides = array<i32>} : memref<32x512xf32, #tpu.memory_space<vmem>>, vector<16xf32>,
      %parallel_loop3A_414 = arith.subf %parallel_loop3A_413, %get3A_1 : vector<16xf32>
      %parallel_loop3A_415 = arith.divf %parallel_loop3A_414, %sub3A : vector<16xf32>
      %parallel_loop3A_416 = arith.constant 2.560000e+02 : f32
      %parallel_loop3A_417 = vector.broadcast %parallel_loop3A_416 : f32 to vector<16xf32>
      %parallel_loop3A_418 = arith.mulf %parallel_loop3A_415, %parallel_loop3A_417 : vector<16xf32>
      %parallel_loop3A_419 = arith.constant 2.550000e+02 : f32
      %parallel_loop3A_420 = vector.broadcast %parallel_loop3A_419 : f32 to vector<16xf32>
      %parallel_loop3A_421 = arith.minimumf %parallel_loop3A_418, %parallel_loop3A_420 : vector<16xf32>
      %parallel_loop3A_422 = arith.fptosi %parallel_loop3A_421 : vector<16xf32> to vector<16xi32>
      %parallel_loop3A_423 = vector.broadcast %mul3A_282 : i32 to vector<16xi32>
      %parallel_loop3A_424 = arith.addi %parallel_loop3A_422, %parallel_loop3A_423 : vector<16xi32>
      tpu.vector_store_idx %arg8[%parallel_loop3A_424], %broadcast_in_dim3A_10 {add = true} : memref<6144xf32, #tpu.memory_space<vmem>>[vector<16xi32>], vector<16xf32>,
    } {sc.loop_unroll_factor = 8 : i64, sc.parallel_access}
    %mul3A_286 = arith.constant 12 : i32
    %mul3A_287 = arith.muli %add3A, %mul3A_286 : i32
    %add3A_288 = arith.constant 9 : i32
    %add3A_289 = arith.addi %mul3A_287, %add3A_288 : i32
    %shift_right_arithmetic3A_290 = arith.constant 4 : i32
    %shift_right_arithmetic3A_291 = arith.shrsi %add3A_289, %shift_right_arithmetic3A_290 : i32
    %and3A_292 = arith.constant 15 : i32
    %and3A_293 = arith.andi %add3A_289, %and3A_292 : i32
    %mul3A_294 = arith.constant 32 : i32
    %mul3A_295 = arith.muli %and3A_293, %mul3A_294 : i32
    %dma_start3A_296 = arith.constant 0 : i32
    %dma_start3A_297 = tpu.memref_slice %arg2[%shift_right_arithmetic3A_291, %mul3A_295, %dma_start3A_296] : memref<24x512x512xf32, #tpu.memory_space<hbm>> -> memref<1x32x512xf32, #tpu.memory_space<hbm>>
    %dma_start3A_298 = tpu.memref_squeeze %dma_start3A_297 : memref<1x32x512xf32, #tpu.memory_space<hbm>> -> memref<32x512xf32, #tpu.memory_space<hbm>>
    %dma_start3A_299 = arith.constant 0 : i32
    %dma_start3A_300 = tpu.memref_slice %arg2[%shift_right_arithmetic3A_291, %mul3A_295, %dma_start3A_299] : memref<24x512x512xf32, #tpu.memory_space<hbm>> -> memref<1x32x512xf32, #tpu.memory_space<hbm>>
    %dma_start3A_301 = tpu.memref_squeeze %dma_start3A_300 : memref<1x32x512xf32, #tpu.memory_space<hbm>> -> memref<32x512xf32, #tpu.memory_space<hbm>>
    tpu.enqueue_dma source(%dma_start3A_301 : memref<32x512xf32, #tpu.memory_space<hbm>>) target(%arg7 : memref<32x512xf32, #tpu.memory_space<vmem>>) target_semaphore(%arg12 : memref<!tpu.dma_semaphore, #tpu.memory_space<semaphore_mem>>)
    %dma_wait3A_302 = arith.constant 0 : i32
    %dma_wait3A_303 = tpu.memref_slice %arg2[%shift_right_arithmetic3A_258, %mul3A_262, %dma_wait3A_302] : memref<24x512x512xf32, #tpu.memory_space<hbm>> -> memref<1x32x512xf32, #tpu.memory_space<hbm>>
    %dma_wait3A_304 = tpu.memref_squeeze %dma_wait3A_303 : memref<1x32x512xf32, #tpu.memory_space<hbm>> -> memref<32x512xf32, #tpu.memory_space<hbm>>
    %dma_wait3A_305 = arith.constant 0 : i32
    %dma_wait3A_306 = tpu.memref_slice %arg2[%shift_right_arithmetic3A_258, %mul3A_262, %dma_wait3A_305] : memref<24x512x512xf32, #tpu.memory_space<hbm>> -> memref<1x32x512xf32, #tpu.memory_space<hbm>>
    %dma_wait3A_307 = tpu.memref_squeeze %dma_wait3A_306 : memref<1x32x512xf32, #tpu.memory_space<hbm>> -> memref<32x512xf32, #tpu.memory_space<hbm>>
    tpu.wait_dma2 semaphore(%arg11 : memref<!tpu.dma_semaphore, #tpu.memory_space<semaphore_mem>>) src(%dma_wait3A_307 : memref<32x512xf32, #tpu.memory_space<hbm>>) dst(%arg6 : memref<32x512xf32, #tpu.memory_space<vmem>>)
    %mul3A_308 = arith.constant 12 : i32
    %mul3A_309 = arith.muli %add3A, %mul3A_308 : i32
    %add3A_310 = arith.constant 8 : i32
    %add3A_311 = arith.addi %mul3A_309, %add3A_310 : i32
    %shift_right_arithmetic3A_312 = arith.constant 4 : i32
    %shift_right_arithmetic3A_313 = arith.shrsi %add3A_311, %shift_right_arithmetic3A_312 : i32
    %mul3A_314 = arith.constant 256 : i32
    %mul3A_315 = arith.muli %shift_right_arithmetic3A_313, %mul3A_314 : i32
    %parallel_loop3A_316 = arith.constant 0 : i32
    %parallel_loop3A_317 = arith.constant 1024 : i32
    %parallel_loop3A_318 = arith.constant 1 : i32
    scf.for %parallel_loop3A_404 = %parallel_loop3A_316 to %parallel_loop3A_317 step %parallel_loop3A_318  : i32 {
      %parallel_loop3A_405 = arith.constant 5 : i32
      %parallel_loop3A_406 = arith.shrsi %parallel_loop3A_404, %parallel_loop3A_405 : i32
      %parallel_loop3A_407 = arith.constant 31 : i32
      %parallel_loop3A_408 = arith.andi %parallel_loop3A_404, %parallel_loop3A_407 : i32
      %parallel_loop3A_409 = arith.constant 16 : i32
      %parallel_loop3A_410 = arith.muli %parallel_loop3A_408, %parallel_loop3A_409 : i32
      %parallel_loop3A_411 = arith.index_cast %parallel_loop3A_406 : i32 to index
      %parallel_loop3A_412 = arith.index_cast %parallel_loop3A_410 : i32 to index
      %parallel_loop3A_413 = tpu.vector_load %arg6[%parallel_loop3A_411, %parallel_loop3A_412] {strides = array<i32>} : memref<32x512xf32, #tpu.memory_space<vmem>>, vector<16xf32>,
      %parallel_loop3A_414 = arith.subf %parallel_loop3A_413, %get3A_1 : vector<16xf32>
      %parallel_loop3A_415 = arith.divf %parallel_loop3A_414, %sub3A : vector<16xf32>
      %parallel_loop3A_416 = arith.constant 2.560000e+02 : f32
      %parallel_loop3A_417 = vector.broadcast %parallel_loop3A_416 : f32 to vector<16xf32>
      %parallel_loop3A_418 = arith.mulf %parallel_loop3A_415, %parallel_loop3A_417 : vector<16xf32>
      %parallel_loop3A_419 = arith.constant 2.550000e+02 : f32
      %parallel_loop3A_420 = vector.broadcast %parallel_loop3A_419 : f32 to vector<16xf32>
      %parallel_loop3A_421 = arith.minimumf %parallel_loop3A_418, %parallel_loop3A_420 : vector<16xf32>
      %parallel_loop3A_422 = arith.fptosi %parallel_loop3A_421 : vector<16xf32> to vector<16xi32>
      %parallel_loop3A_423 = vector.broadcast %mul3A_315 : i32 to vector<16xi32>
      %parallel_loop3A_424 = arith.addi %parallel_loop3A_422, %parallel_loop3A_423 : vector<16xi32>
      tpu.vector_store_idx %arg8[%parallel_loop3A_424], %broadcast_in_dim3A_10 {add = true} : memref<6144xf32, #tpu.memory_space<vmem>>[vector<16xi32>], vector<16xf32>,
    } {sc.loop_unroll_factor = 8 : i64, sc.parallel_access}
    %mul3A_319 = arith.constant 12 : i32
    %mul3A_320 = arith.muli %add3A, %mul3A_319 : i32
    %add3A_321 = arith.constant 10 : i32
    %add3A_322 = arith.addi %mul3A_320, %add3A_321 : i32
    %shift_right_arithmetic3A_323 = arith.constant 4 : i32
    %shift_right_arithmetic3A_324 = arith.shrsi %add3A_322, %shift_right_arithmetic3A_323 : i32
    %and3A_325 = arith.constant 15 : i32
    %and3A_326 = arith.andi %add3A_322, %and3A_325 : i32
    %mul3A_327 = arith.constant 32 : i32
    %mul3A_328 = arith.muli %and3A_326, %mul3A_327 : i32
    %dma_start3A_329 = arith.constant 0 : i32
    %dma_start3A_330 = tpu.memref_slice %arg2[%shift_right_arithmetic3A_324, %mul3A_328, %dma_start3A_329] : memref<24x512x512xf32, #tpu.memory_space<hbm>> -> memref<1x32x512xf32, #tpu.memory_space<hbm>>
    %dma_start3A_331 = tpu.memref_squeeze %dma_start3A_330 : memref<1x32x512xf32, #tpu.memory_space<hbm>> -> memref<32x512xf32, #tpu.memory_space<hbm>>
    %dma_start3A_332 = arith.constant 0 : i32
    %dma_start3A_333 = tpu.memref_slice %arg2[%shift_right_arithmetic3A_324, %mul3A_328, %dma_start3A_332] : memref<24x512x512xf32, #tpu.memory_space<hbm>> -> memref<1x32x512xf32, #tpu.memory_space<hbm>>
    %dma_start3A_334 = tpu.memref_squeeze %dma_start3A_333 : memref<1x32x512xf32, #tpu.memory_space<hbm>> -> memref<32x512xf32, #tpu.memory_space<hbm>>
    tpu.enqueue_dma source(%dma_start3A_334 : memref<32x512xf32, #tpu.memory_space<hbm>>) target(%arg6 : memref<32x512xf32, #tpu.memory_space<vmem>>) target_semaphore(%arg11 : memref<!tpu.dma_semaphore, #tpu.memory_space<semaphore_mem>>)
    %dma_wait3A_335 = arith.constant 0 : i32
    %dma_wait3A_336 = tpu.memref_slice %arg2[%shift_right_arithmetic3A_291, %mul3A_295, %dma_wait3A_335] : memref<24x512x512xf32, #tpu.memory_space<hbm>> -> memref<1x32x512xf32, #tpu.memory_space<hbm>>
    %dma_wait3A_337 = tpu.memref_squeeze %dma_wait3A_336 : memref<1x32x512xf32, #tpu.memory_space<hbm>> -> memref<32x512xf32, #tpu.memory_space<hbm>>
    %dma_wait3A_338 = arith.constant 0 : i32
    %dma_wait3A_339 = tpu.memref_slice %arg2[%shift_right_arithmetic3A_291, %mul3A_295, %dma_wait3A_338] : memref<24x512x512xf32, #tpu.memory_space<hbm>> -> memref<1x32x512xf32, #tpu.memory_space<hbm>>
    %dma_wait3A_340 = tpu.memref_squeeze %dma_wait3A_339 : memref<1x32x512xf32, #tpu.memory_space<hbm>> -> memref<32x512xf32, #tpu.memory_space<hbm>>
    tpu.wait_dma2 semaphore(%arg12 : memref<!tpu.dma_semaphore, #tpu.memory_space<semaphore_mem>>) src(%dma_wait3A_340 : memref<32x512xf32, #tpu.memory_space<hbm>>) dst(%arg7 : memref<32x512xf32, #tpu.memory_space<vmem>>)
    %mul3A_341 = arith.constant 12 : i32
    %mul3A_342 = arith.muli %add3A, %mul3A_341 : i32
    %add3A_343 = arith.constant 9 : i32
    %add3A_344 = arith.addi %mul3A_342, %add3A_343 : i32
    %shift_right_arithmetic3A_345 = arith.constant 4 : i32
    %shift_right_arithmetic3A_346 = arith.shrsi %add3A_344, %shift_right_arithmetic3A_345 : i32
    %mul3A_347 = arith.constant 256 : i32
    %mul3A_348 = arith.muli %shift_right_arithmetic3A_346, %mul3A_347 : i32
    %parallel_loop3A_349 = arith.constant 0 : i32
    %parallel_loop3A_350 = arith.constant 1024 : i32
    %parallel_loop3A_351 = arith.constant 1 : i32
    scf.for %parallel_loop3A_404 = %parallel_loop3A_349 to %parallel_loop3A_350 step %parallel_loop3A_351  : i32 {
      %parallel_loop3A_405 = arith.constant 5 : i32
      %parallel_loop3A_406 = arith.shrsi %parallel_loop3A_404, %parallel_loop3A_405 : i32
      %parallel_loop3A_407 = arith.constant 31 : i32
      %parallel_loop3A_408 = arith.andi %parallel_loop3A_404, %parallel_loop3A_407 : i32
      %parallel_loop3A_409 = arith.constant 16 : i32
      %parallel_loop3A_410 = arith.muli %parallel_loop3A_408, %parallel_loop3A_409 : i32
      %parallel_loop3A_411 = arith.index_cast %parallel_loop3A_406 : i32 to index
      %parallel_loop3A_412 = arith.index_cast %parallel_loop3A_410 : i32 to index
      %parallel_loop3A_413 = tpu.vector_load %arg7[%parallel_loop3A_411, %parallel_loop3A_412] {strides = array<i32>} : memref<32x512xf32, #tpu.memory_space<vmem>>, vector<16xf32>,
      %parallel_loop3A_414 = arith.subf %parallel_loop3A_413, %get3A_1 : vector<16xf32>
      %parallel_loop3A_415 = arith.divf %parallel_loop3A_414, %sub3A : vector<16xf32>
      %parallel_loop3A_416 = arith.constant 2.560000e+02 : f32
      %parallel_loop3A_417 = vector.broadcast %parallel_loop3A_416 : f32 to vector<16xf32>
      %parallel_loop3A_418 = arith.mulf %parallel_loop3A_415, %parallel_loop3A_417 : vector<16xf32>
      %parallel_loop3A_419 = arith.constant 2.550000e+02 : f32
      %parallel_loop3A_420 = vector.broadcast %parallel_loop3A_419 : f32 to vector<16xf32>
      %parallel_loop3A_421 = arith.minimumf %parallel_loop3A_418, %parallel_loop3A_420 : vector<16xf32>
      %parallel_loop3A_422 = arith.fptosi %parallel_loop3A_421 : vector<16xf32> to vector<16xi32>
      %parallel_loop3A_423 = vector.broadcast %mul3A_348 : i32 to vector<16xi32>
      %parallel_loop3A_424 = arith.addi %parallel_loop3A_422, %parallel_loop3A_423 : vector<16xi32>
      tpu.vector_store_idx %arg8[%parallel_loop3A_424], %broadcast_in_dim3A_10 {add = true} : memref<6144xf32, #tpu.memory_space<vmem>>[vector<16xi32>], vector<16xf32>,
    } {sc.loop_unroll_factor = 8 : i64, sc.parallel_access}
    %mul3A_352 = arith.constant 12 : i32
    %mul3A_353 = arith.muli %add3A, %mul3A_352 : i32
    %add3A_354 = arith.constant 11 : i32
    %add3A_355 = arith.addi %mul3A_353, %add3A_354 : i32
    %shift_right_arithmetic3A_356 = arith.constant 4 : i32
    %shift_right_arithmetic3A_357 = arith.shrsi %add3A_355, %shift_right_arithmetic3A_356 : i32
    %and3A_358 = arith.constant 15 : i32
    %and3A_359 = arith.andi %add3A_355, %and3A_358 : i32
    %mul3A_360 = arith.constant 32 : i32
    %mul3A_361 = arith.muli %and3A_359, %mul3A_360 : i32
    %dma_start3A_362 = arith.constant 0 : i32
    %dma_start3A_363 = tpu.memref_slice %arg2[%shift_right_arithmetic3A_357, %mul3A_361, %dma_start3A_362] : memref<24x512x512xf32, #tpu.memory_space<hbm>> -> memref<1x32x512xf32, #tpu.memory_space<hbm>>
    %dma_start3A_364 = tpu.memref_squeeze %dma_start3A_363 : memref<1x32x512xf32, #tpu.memory_space<hbm>> -> memref<32x512xf32, #tpu.memory_space<hbm>>
    %dma_start3A_365 = arith.constant 0 : i32
    %dma_start3A_366 = tpu.memref_slice %arg2[%shift_right_arithmetic3A_357, %mul3A_361, %dma_start3A_365] : memref<24x512x512xf32, #tpu.memory_space<hbm>> -> memref<1x32x512xf32, #tpu.memory_space<hbm>>
    %dma_start3A_367 = tpu.memref_squeeze %dma_start3A_366 : memref<1x32x512xf32, #tpu.memory_space<hbm>> -> memref<32x512xf32, #tpu.memory_space<hbm>>
    tpu.enqueue_dma source(%dma_start3A_367 : memref<32x512xf32, #tpu.memory_space<hbm>>) target(%arg7 : memref<32x512xf32, #tpu.memory_space<vmem>>) target_semaphore(%arg12 : memref<!tpu.dma_semaphore, #tpu.memory_space<semaphore_mem>>)
    %dma_wait3A_368 = arith.constant 0 : i32
    %dma_wait3A_369 = tpu.memref_slice %arg2[%shift_right_arithmetic3A_324, %mul3A_328, %dma_wait3A_368] : memref<24x512x512xf32, #tpu.memory_space<hbm>> -> memref<1x32x512xf32, #tpu.memory_space<hbm>>
    %dma_wait3A_370 = tpu.memref_squeeze %dma_wait3A_369 : memref<1x32x512xf32, #tpu.memory_space<hbm>> -> memref<32x512xf32, #tpu.memory_space<hbm>>
    %dma_wait3A_371 = arith.constant 0 : i32
    %dma_wait3A_372 = tpu.memref_slice %arg2[%shift_right_arithmetic3A_324, %mul3A_328, %dma_wait3A_371] : memref<24x512x512xf32, #tpu.memory_space<hbm>> -> memref<1x32x512xf32, #tpu.memory_space<hbm>>
    %dma_wait3A_373 = tpu.memref_squeeze %dma_wait3A_372 : memref<1x32x512xf32, #tpu.memory_space<hbm>> -> memref<32x512xf32, #tpu.memory_space<hbm>>
    tpu.wait_dma2 semaphore(%arg11 : memref<!tpu.dma_semaphore, #tpu.memory_space<semaphore_mem>>) src(%dma_wait3A_373 : memref<32x512xf32, #tpu.memory_space<hbm>>) dst(%arg6 : memref<32x512xf32, #tpu.memory_space<vmem>>)
    %mul3A_374 = arith.constant 12 : i32
    %mul3A_375 = arith.muli %add3A, %mul3A_374 : i32
    %add3A_376 = arith.constant 10 : i32
    %add3A_377 = arith.addi %mul3A_375, %add3A_376 : i32
    %shift_right_arithmetic3A_378 = arith.constant 4 : i32
    %shift_right_arithmetic3A_379 = arith.shrsi %add3A_377, %shift_right_arithmetic3A_378 : i32
    %mul3A_380 = arith.constant 256 : i32
    %mul3A_381 = arith.muli %shift_right_arithmetic3A_379, %mul3A_380 : i32
    %parallel_loop3A_382 = arith.constant 0 : i32
    %parallel_loop3A_383 = arith.constant 1024 : i32
    %parallel_loop3A_384 = arith.constant 1 : i32
    scf.for %parallel_loop3A_404 = %parallel_loop3A_382 to %parallel_loop3A_383 step %parallel_loop3A_384  : i32 {
      %parallel_loop3A_405 = arith.constant 5 : i32
      %parallel_loop3A_406 = arith.shrsi %parallel_loop3A_404, %parallel_loop3A_405 : i32
      %parallel_loop3A_407 = arith.constant 31 : i32
      %parallel_loop3A_408 = arith.andi %parallel_loop3A_404, %parallel_loop3A_407 : i32
      %parallel_loop3A_409 = arith.constant 16 : i32
      %parallel_loop3A_410 = arith.muli %parallel_loop3A_408, %parallel_loop3A_409 : i32
      %parallel_loop3A_411 = arith.index_cast %parallel_loop3A_406 : i32 to index
      %parallel_loop3A_412 = arith.index_cast %parallel_loop3A_410 : i32 to index
      %parallel_loop3A_413 = tpu.vector_load %arg6[%parallel_loop3A_411, %parallel_loop3A_412] {strides = array<i32>} : memref<32x512xf32, #tpu.memory_space<vmem>>, vector<16xf32>,
      %parallel_loop3A_414 = arith.subf %parallel_loop3A_413, %get3A_1 : vector<16xf32>
      %parallel_loop3A_415 = arith.divf %parallel_loop3A_414, %sub3A : vector<16xf32>
      %parallel_loop3A_416 = arith.constant 2.560000e+02 : f32
      %parallel_loop3A_417 = vector.broadcast %parallel_loop3A_416 : f32 to vector<16xf32>
      %parallel_loop3A_418 = arith.mulf %parallel_loop3A_415, %parallel_loop3A_417 : vector<16xf32>
      %parallel_loop3A_419 = arith.constant 2.550000e+02 : f32
      %parallel_loop3A_420 = vector.broadcast %parallel_loop3A_419 : f32 to vector<16xf32>
      %parallel_loop3A_421 = arith.minimumf %parallel_loop3A_418, %parallel_loop3A_420 : vector<16xf32>
      %parallel_loop3A_422 = arith.fptosi %parallel_loop3A_421 : vector<16xf32> to vector<16xi32>
      %parallel_loop3A_423 = vector.broadcast %mul3A_381 : i32 to vector<16xi32>
      %parallel_loop3A_424 = arith.addi %parallel_loop3A_422, %parallel_loop3A_423 : vector<16xi32>
      tpu.vector_store_idx %arg8[%parallel_loop3A_424], %broadcast_in_dim3A_10 {add = true} : memref<6144xf32, #tpu.memory_space<vmem>>[vector<16xi32>], vector<16xf32>,
    } {sc.loop_unroll_factor = 8 : i64, sc.parallel_access}
    %dma_wait3A_385 = arith.constant 0 : i32
    %dma_wait3A_386 = tpu.memref_slice %arg2[%shift_right_arithmetic3A_357, %mul3A_361, %dma_wait3A_385] : memref<24x512x512xf32, #tpu.memory_space<hbm>> -> memref<1x32x512xf32, #tpu.memory_space<hbm>>
    %dma_wait3A_387 = tpu.memref_squeeze %dma_wait3A_386 : memref<1x32x512xf32, #tpu.memory_space<hbm>> -> memref<32x512xf32, #tpu.memory_space<hbm>>
    %dma_wait3A_388 = arith.constant 0 : i32
    %dma_wait3A_389 = tpu.memref_slice %arg2[%shift_right_arithmetic3A_357, %mul3A_361, %dma_wait3A_388] : memref<24x512x512xf32, #tpu.memory_space<hbm>> -> memref<1x32x512xf32, #tpu.memory_space<hbm>>
    %dma_wait3A_390 = tpu.memref_squeeze %dma_wait3A_389 : memref<1x32x512xf32, #tpu.memory_space<hbm>> -> memref<32x512xf32, #tpu.memory_space<hbm>>
    tpu.wait_dma2 semaphore(%arg12 : memref<!tpu.dma_semaphore, #tpu.memory_space<semaphore_mem>>) src(%dma_wait3A_390 : memref<32x512xf32, #tpu.memory_space<hbm>>) dst(%arg7 : memref<32x512xf32, #tpu.memory_space<vmem>>)
    %mul3A_391 = arith.constant 12 : i32
    %mul3A_392 = arith.muli %add3A, %mul3A_391 : i32
    %add3A_393 = arith.constant 11 : i32
    %add3A_394 = arith.addi %mul3A_392, %add3A_393 : i32
    %shift_right_arithmetic3A_395 = arith.constant 4 : i32
    %shift_right_arithmetic3A_396 = arith.shrsi %add3A_394, %shift_right_arithmetic3A_395 : i32
    %mul3A_397 = arith.constant 256 : i32
    %mul3A_398 = arith.muli %shift_right_arithmetic3A_396, %mul3A_397 : i32
    %parallel_loop3A_399 = arith.constant 0 : i32
    %parallel_loop3A_400 = arith.constant 1024 : i32
    %parallel_loop3A_401 = arith.constant 1 : i32
    scf.for %parallel_loop3A_404 = %parallel_loop3A_399 to %parallel_loop3A_400 step %parallel_loop3A_401  : i32 {
      %parallel_loop3A_405 = arith.constant 5 : i32
      %parallel_loop3A_406 = arith.shrsi %parallel_loop3A_404, %parallel_loop3A_405 : i32
      %parallel_loop3A_407 = arith.constant 31 : i32
      %parallel_loop3A_408 = arith.andi %parallel_loop3A_404, %parallel_loop3A_407 : i32
      %parallel_loop3A_409 = arith.constant 16 : i32
      %parallel_loop3A_410 = arith.muli %parallel_loop3A_408, %parallel_loop3A_409 : i32
      %parallel_loop3A_411 = arith.index_cast %parallel_loop3A_406 : i32 to index
      %parallel_loop3A_412 = arith.index_cast %parallel_loop3A_410 : i32 to index
      %parallel_loop3A_413 = tpu.vector_load %arg7[%parallel_loop3A_411, %parallel_loop3A_412] {strides = array<i32>} : memref<32x512xf32, #tpu.memory_space<vmem>>, vector<16xf32>,
      %parallel_loop3A_414 = arith.subf %parallel_loop3A_413, %get3A_1 : vector<16xf32>
      %parallel_loop3A_415 = arith.divf %parallel_loop3A_414, %sub3A : vector<16xf32>
      %parallel_loop3A_416 = arith.constant 2.560000e+02 : f32
      %parallel_loop3A_417 = vector.broadcast %parallel_loop3A_416 : f32 to vector<16xf32>
      %parallel_loop3A_418 = arith.mulf %parallel_loop3A_415, %parallel_loop3A_417 : vector<16xf32>
      %parallel_loop3A_419 = arith.constant 2.550000e+02 : f32
      %parallel_loop3A_420 = vector.broadcast %parallel_loop3A_419 : f32 to vector<16xf32>
      %parallel_loop3A_421 = arith.minimumf %parallel_loop3A_418, %parallel_loop3A_420 : vector<16xf32>
      %parallel_loop3A_422 = arith.fptosi %parallel_loop3A_421 : vector<16xf32> to vector<16xi32>
      %parallel_loop3A_423 = vector.broadcast %mul3A_398 : i32 to vector<16xi32>
      %parallel_loop3A_424 = arith.addi %parallel_loop3A_422, %parallel_loop3A_423 : vector<16xi32>
      tpu.vector_store_idx %arg8[%parallel_loop3A_424], %broadcast_in_dim3A_10 {add = true} : memref<6144xf32, #tpu.memory_space<vmem>>[vector<16xi32>], vector<16xf32>,
    } {sc.loop_unroll_factor = 8 : i64, sc.parallel_access}
    %mul3A_402 = arith.constant 6144 : i32
    %mul3A_403 = arith.muli %add3A, %mul3A_402 : i32
    "tpu.region"() ({
      %run_scoped3A = tpu.sem_alloc : memref<!tpu.dma_semaphore, #tpu.memory_space<semaphore_mem>>
      %dma_start3A_404 = tpu.memref_slice %arg5[%mul3A_403] : memref<196608xf32, #tpu.memory_space<hbm>> -> memref<6144xf32, #tpu.memory_space<hbm>>
      %dma_start3A_405 = tpu.memref_slice %arg5[%mul3A_403] : memref<196608xf32, #tpu.memory_space<hbm>> -> memref<6144xf32, #tpu.memory_space<hbm>>
      tpu.enqueue_dma source(%arg8 : memref<6144xf32, #tpu.memory_space<vmem>>) target(%dma_start3A_405 : memref<6144xf32, #tpu.memory_space<hbm>>) target_semaphore(%run_scoped3A : memref<!tpu.dma_semaphore, #tpu.memory_space<semaphore_mem>>)
      %dma_wait3A_406 = tpu.memref_slice %arg5[%mul3A_403] : memref<196608xf32, #tpu.memory_space<hbm>> -> memref<6144xf32, #tpu.memory_space<hbm>>
      %dma_wait3A_407 = tpu.memref_slice %arg5[%mul3A_403] : memref<196608xf32, #tpu.memory_space<hbm>> -> memref<6144xf32, #tpu.memory_space<hbm>>
      tpu.wait_dma2 semaphore(%run_scoped3A : memref<!tpu.dma_semaphore, #tpu.memory_space<semaphore_mem>>) src(%arg8 : memref<6144xf32, #tpu.memory_space<vmem>>) dst(%dma_wait3A_407 : memref<6144xf32, #tpu.memory_space<hbm>>)
      tpu.yield
    }) : () -> ()
    return
  }
}

module attributes {stable_mosaic.version = 14 : i64} {
  func.func @_minmax_body(%arg0: i32, %arg1: memref<1x3x512x512xf32, #tpu.memory_space<vmem>>, %arg2: memref<1x16xf32, #tpu.memory_space<vmem>>, %arg3: memref<1x16xf32, #tpu.memory_space<vmem>>) attributes {dimension_semantics = [#tpu.dimension_semantics<arbitrary>], iteration_bounds = array<i64: 8>, scalar_prefetch = 0 : i64, scratch_operands = 0 : i64, tpu.core_type = #tpu.core_type<tc>, window_params = [{transform_indices = @transform_0, window_bounds = array<i64: 1, 3, 512, 512>}, {pipeline_mode = #tpu.pipeline_mode<synchronous>, transform_indices = @transform_1, window_bounds = array<i64: 1, 16>}, {pipeline_mode = #tpu.pipeline_mode<synchronous>, transform_indices = @transform_2, window_bounds = array<i64: 1, 16>}]} {
    %eq3A = arith.constant 0 : i32
    %eq3A_0 = arith.cmpi eq, %arg0, %eq3A : i32
    %convert_element_type3A = arith.extui %eq3A_0 : i1 to i32
    %cond3A = arith.constant 0 : i32
    %cond3A_1 = arith.cmpi ne, %convert_element_type3A, %cond3A : i32
    scf.if %cond3A_1 {
      %broadcast_in_dim3A = arith.constant 0x7F800000 : f32
      %broadcast_in_dim3A_27 = vector.broadcast %broadcast_in_dim3A : f32 to vector<1x16xf32>
      %swap3A_28 = arith.constant 0 : index
      %swap3A_29 = arith.constant 0 : index
      %swap3A_30 = vector.load %arg2[%swap3A_28, %swap3A_29] : memref<1x16xf32, #tpu.memory_space<vmem>>, vector<1x16xf32>
      tpu.vector_store %arg2[%swap3A_28, %swap3A_29], %broadcast_in_dim3A_27 {strides = array<i32>} : memref<1x16xf32, #tpu.memory_space<vmem>>, vector<1x16xf32>,
      %broadcast_in_dim3A_31 = arith.constant 0xFF800000 : f32
      %broadcast_in_dim3A_32 = vector.broadcast %broadcast_in_dim3A_31 : f32 to vector<1x16xf32>
      %swap3A_33 = arith.constant 0 : index
      %swap3A_34 = arith.constant 0 : index
      %swap3A_35 = vector.load %arg3[%swap3A_33, %swap3A_34] : memref<1x16xf32, #tpu.memory_space<vmem>>, vector<1x16xf32>
      tpu.vector_store %arg3[%swap3A_33, %swap3A_34], %broadcast_in_dim3A_32 {strides = array<i32>} : memref<1x16xf32, #tpu.memory_space<vmem>>, vector<1x16xf32>,
    } else {
    }
    %get3A = arith.constant 0 : index
    %get3A_2 = arith.constant 0 : index
    %get3A_3 = arith.constant 0 : index
    %get3A_4 = arith.constant 0 : index
    %get3A_5 = vector.load %arg1[%get3A, %get3A_2, %get3A_3, %get3A_4] : memref<1x3x512x512xf32, #tpu.memory_space<vmem>>, vector<1x3x512x512xf32>
    %get3A_6 = arith.constant 0 : index
    %get3A_7 = arith.constant 0 : index
    %get3A_8 = vector.load %arg2[%get3A_6, %get3A_7] : memref<1x16xf32, #tpu.memory_space<vmem>>, vector<1x16xf32>
    %reduce_min3A = vector.shape_cast %get3A_5 : vector<1x3x512x512xf32> to vector<1x1x3x512x512xf32>
    %reduce_min3A_9 = arith.constant dense<0x7F800000> : vector<1xf32>
    %reduce_min3A_10 = vector.multi_reduction <minimumf>, %reduce_min3A, %reduce_min3A_9 [1, 2, 3, 4] : vector<1x1x3x512x512xf32> to vector<1xf32>
    %reduce_min3A_11 = vector.shape_cast %reduce_min3A_10 : vector<1xf32> to vector<1x1x1x1x1xf32>
    %reduce_min3A_12 = vector.extract %reduce_min3A_11[0, 0, 0, 0, 0] : f32 from vector<1x1x1x1x1xf32>
    %min3A = vector.broadcast %reduce_min3A_12 : f32 to vector<1x16xf32>
    %min3A_13 = arith.minimumf %get3A_8, %min3A : vector<1x16xf32>
    %swap3A = arith.constant 0 : index
    %swap3A_14 = arith.constant 0 : index
    %swap3A_15 = vector.load %arg2[%swap3A, %swap3A_14] : memref<1x16xf32, #tpu.memory_space<vmem>>, vector<1x16xf32>
    tpu.vector_store %arg2[%swap3A, %swap3A_14], %min3A_13 {strides = array<i32>} : memref<1x16xf32, #tpu.memory_space<vmem>>, vector<1x16xf32>,
    %get3A_16 = arith.constant 0 : index
    %get3A_17 = arith.constant 0 : index
    %get3A_18 = vector.load %arg3[%get3A_16, %get3A_17] : memref<1x16xf32, #tpu.memory_space<vmem>>, vector<1x16xf32>
    %reduce_max3A = vector.shape_cast %get3A_5 : vector<1x3x512x512xf32> to vector<1x1x3x512x512xf32>
    %reduce_max3A_19 = arith.constant dense<0xFF800000> : vector<1xf32>
    %reduce_max3A_20 = vector.multi_reduction <maximumf>, %reduce_max3A, %reduce_max3A_19 [1, 2, 3, 4] : vector<1x1x3x512x512xf32> to vector<1xf32>
    %reduce_max3A_21 = vector.shape_cast %reduce_max3A_20 : vector<1xf32> to vector<1x1x1x1x1xf32>
    %reduce_max3A_22 = vector.extract %reduce_max3A_21[0, 0, 0, 0, 0] : f32 from vector<1x1x1x1x1xf32>
    %max3A = vector.broadcast %reduce_max3A_22 : f32 to vector<1x16xf32>
    %max3A_23 = arith.maximumf %get3A_18, %max3A : vector<1x16xf32>
    %swap3A_24 = arith.constant 0 : index
    %swap3A_25 = arith.constant 0 : index
    %swap3A_26 = vector.load %arg3[%swap3A_24, %swap3A_25] : memref<1x16xf32, #tpu.memory_space<vmem>>, vector<1x16xf32>
    tpu.vector_store %arg3[%swap3A_24, %swap3A_25], %max3A_23 {strides = array<i32>} : memref<1x16xf32, #tpu.memory_space<vmem>>, vector<1x16xf32>,
    return
  }
  func.func @transform_0(%arg0: i32) -> (i32, i32, i32, i32) {
    %c0_i32 = arith.constant 0 : i32
    %c0_i32_0 = arith.constant 0 : i32
    %c0_i32_1 = arith.constant 0 : i32
    %c0_i32_2 = arith.constant 0 : i32
    return %arg0, %c0_i32, %c0_i32_0, %c0_i32_1 : i32, i32, i32, i32
  }
  func.func @transform_1(%arg0: i32) -> (i32, i32) {
    %c0_i32 = arith.constant 0 : i32
    %c0_i32_0 = arith.constant 0 : i32
    %c0_i32_1 = arith.constant 0 : i32
    return %c0_i32, %c0_i32_0 : i32, i32
  }
  func.func @transform_2(%arg0: i32) -> (i32, i32) {
    %c0_i32 = arith.constant 0 : i32
    %c0_i32_0 = arith.constant 0 : i32
    %c0_i32_1 = arith.constant 0 : i32
    return %c0_i32, %c0_i32_0 : i32, i32
  }
}

module attributes {stable_mosaic.version = 14 : i64} {
  func.func @_mask_body(%arg0: i32, %arg1: i32, %arg2: memref<196608xf32, #tpu.memory_space<vmem>>, %arg3: memref<1x16xf32, #tpu.memory_space<vmem>>, %arg4: memref<1x16xf32, #tpu.memory_space<vmem>>, %arg5: memref<1x1x512x512xf32, #tpu.memory_space<vmem>>, %arg6: memref<1x1x512x512xf32, #tpu.memory_space<vmem>>, %arg7: memref<24x1xf32, #tpu.memory_space<vmem>>, %arg8: memref<24x1xf32, #tpu.memory_space<vmem>>) attributes {dimension_semantics = [#tpu.dimension_semantics<arbitrary>, #tpu.dimension_semantics<arbitrary>], iteration_bounds = array<i64: 8, 3>, scalar_prefetch = 0 : i64, scratch_operands = 1 : i64, tpu.core_type = #tpu.core_type<tc>, window_params = [{pipeline_mode = #tpu.pipeline_mode<synchronous>, transform_indices = @transform_0, window_bounds = array<i64: 196608>}, {pipeline_mode = #tpu.pipeline_mode<synchronous>, transform_indices = @transform_1, window_bounds = array<i64: 1, 16>}, {pipeline_mode = #tpu.pipeline_mode<synchronous>, transform_indices = @transform_2, window_bounds = array<i64: 1, 16>}, {transform_indices = @transform_3, window_bounds = array<i64: 1, 1, 512, 512>}, {transform_indices = @transform_4, window_bounds = array<i64: 1, 1, 512, 512>}, {pipeline_mode = #tpu.pipeline_mode<synchronous>, transform_indices = @transform_5, window_bounds = array<i64: 24, 1>}]} {
    %eq3A = arith.constant 0 : i32
    %eq3A_0 = arith.cmpi eq, %arg0, %eq3A : i32
    %eq3A_1 = arith.constant 0 : i32
    %eq3A_2 = arith.cmpi eq, %arg1, %eq3A_1 : i32
    %and3A = arith.andi %eq3A_0, %eq3A_2 : i1
    %convert_element_type3A = arith.extui %and3A : i1 to i32
    %cond3A = arith.constant 0 : i32
    %cond3A_3 = arith.cmpi ne, %convert_element_type3A, %cond3A : i32
    scf.if %cond3A_3 {
      %get3A_26 = arith.constant 0 : index
      %get3A_27 = vector.load %arg2[%get3A_26] : memref<196608xf32, #tpu.memory_space<vmem>>, vector<6144xf32>
      %get3A_28 = arith.constant 6144 : index
      %get3A_29 = vector.load %arg2[%get3A_28] : memref<196608xf32, #tpu.memory_space<vmem>>, vector<6144xf32>
      %add3A_30 = arith.addf %get3A_27, %get3A_29 : vector<6144xf32>
      %get3A_31 = arith.constant 12288 : index
      %get3A_32 = vector.load %arg2[%get3A_31] : memref<196608xf32, #tpu.memory_space<vmem>>, vector<6144xf32>
      %add3A_33 = arith.addf %add3A_30, %get3A_32 : vector<6144xf32>
      %get3A_34 = arith.constant 18432 : index
      %get3A_35 = vector.load %arg2[%get3A_34] : memref<196608xf32, #tpu.memory_space<vmem>>, vector<6144xf32>
      %add3A_36 = arith.addf %add3A_33, %get3A_35 : vector<6144xf32>
      %get3A_37 = arith.constant 24576 : index
      %get3A_38 = vector.load %arg2[%get3A_37] : memref<196608xf32, #tpu.memory_space<vmem>>, vector<6144xf32>
      %add3A_39 = arith.addf %add3A_36, %get3A_38 : vector<6144xf32>
      %get3A_40 = arith.constant 30720 : index
      %get3A_41 = vector.load %arg2[%get3A_40] : memref<196608xf32, #tpu.memory_space<vmem>>, vector<6144xf32>
      %add3A_42 = arith.addf %add3A_39, %get3A_41 : vector<6144xf32>
      %get3A_43 = arith.constant 36864 : index
      %get3A_44 = vector.load %arg2[%get3A_43] : memref<196608xf32, #tpu.memory_space<vmem>>, vector<6144xf32>
      %add3A_45 = arith.addf %add3A_42, %get3A_44 : vector<6144xf32>
      %get3A_46 = arith.constant 43008 : index
      %get3A_47 = vector.load %arg2[%get3A_46] : memref<196608xf32, #tpu.memory_space<vmem>>, vector<6144xf32>
      %add3A_48 = arith.addf %add3A_45, %get3A_47 : vector<6144xf32>
      %get3A_49 = arith.constant 49152 : index
      %get3A_50 = vector.load %arg2[%get3A_49] : memref<196608xf32, #tpu.memory_space<vmem>>, vector<6144xf32>
      %add3A_51 = arith.addf %add3A_48, %get3A_50 : vector<6144xf32>
      %get3A_52 = arith.constant 55296 : index
      %get3A_53 = vector.load %arg2[%get3A_52] : memref<196608xf32, #tpu.memory_space<vmem>>, vector<6144xf32>
      %add3A_54 = arith.addf %add3A_51, %get3A_53 : vector<6144xf32>
      %get3A_55 = arith.constant 61440 : index
      %get3A_56 = vector.load %arg2[%get3A_55] : memref<196608xf32, #tpu.memory_space<vmem>>, vector<6144xf32>
      %add3A_57 = arith.addf %add3A_54, %get3A_56 : vector<6144xf32>
      %get3A_58 = arith.constant 67584 : index
      %get3A_59 = vector.load %arg2[%get3A_58] : memref<196608xf32, #tpu.memory_space<vmem>>, vector<6144xf32>
      %add3A_60 = arith.addf %add3A_57, %get3A_59 : vector<6144xf32>
      %get3A_61 = arith.constant 73728 : index
      %get3A_62 = vector.load %arg2[%get3A_61] : memref<196608xf32, #tpu.memory_space<vmem>>, vector<6144xf32>
      %add3A_63 = arith.addf %add3A_60, %get3A_62 : vector<6144xf32>
      %get3A_64 = arith.constant 79872 : index
      %get3A_65 = vector.load %arg2[%get3A_64] : memref<196608xf32, #tpu.memory_space<vmem>>, vector<6144xf32>
      %add3A_66 = arith.addf %add3A_63, %get3A_65 : vector<6144xf32>
      %get3A_67 = arith.constant 86016 : index
      %get3A_68 = vector.load %arg2[%get3A_67] : memref<196608xf32, #tpu.memory_space<vmem>>, vector<6144xf32>
      %add3A_69 = arith.addf %add3A_66, %get3A_68 : vector<6144xf32>
      %get3A_70 = arith.constant 92160 : index
      %get3A_71 = vector.load %arg2[%get3A_70] : memref<196608xf32, #tpu.memory_space<vmem>>, vector<6144xf32>
      %add3A_72 = arith.addf %add3A_69, %get3A_71 : vector<6144xf32>
      %get3A_73 = arith.constant 98304 : index
      %get3A_74 = vector.load %arg2[%get3A_73] : memref<196608xf32, #tpu.memory_space<vmem>>, vector<6144xf32>
      %add3A_75 = arith.addf %add3A_72, %get3A_74 : vector<6144xf32>
      %get3A_76 = arith.constant 104448 : index
      %get3A_77 = vector.load %arg2[%get3A_76] : memref<196608xf32, #tpu.memory_space<vmem>>, vector<6144xf32>
      %add3A_78 = arith.addf %add3A_75, %get3A_77 : vector<6144xf32>
      %get3A_79 = arith.constant 110592 : index
      %get3A_80 = vector.load %arg2[%get3A_79] : memref<196608xf32, #tpu.memory_space<vmem>>, vector<6144xf32>
      %add3A_81 = arith.addf %add3A_78, %get3A_80 : vector<6144xf32>
      %get3A_82 = arith.constant 116736 : index
      %get3A_83 = vector.load %arg2[%get3A_82] : memref<196608xf32, #tpu.memory_space<vmem>>, vector<6144xf32>
      %add3A_84 = arith.addf %add3A_81, %get3A_83 : vector<6144xf32>
      %get3A_85 = arith.constant 122880 : index
      %get3A_86 = vector.load %arg2[%get3A_85] : memref<196608xf32, #tpu.memory_space<vmem>>, vector<6144xf32>
      %add3A_87 = arith.addf %add3A_84, %get3A_86 : vector<6144xf32>
      %get3A_88 = arith.constant 129024 : index
      %get3A_89 = vector.load %arg2[%get3A_88] : memref<196608xf32, #tpu.memory_space<vmem>>, vector<6144xf32>
      %add3A_90 = arith.addf %add3A_87, %get3A_89 : vector<6144xf32>
      %get3A_91 = arith.constant 135168 : index
      %get3A_92 = vector.load %arg2[%get3A_91] : memref<196608xf32, #tpu.memory_space<vmem>>, vector<6144xf32>
      %add3A_93 = arith.addf %add3A_90, %get3A_92 : vector<6144xf32>
      %get3A_94 = arith.constant 141312 : index
      %get3A_95 = vector.load %arg2[%get3A_94] : memref<196608xf32, #tpu.memory_space<vmem>>, vector<6144xf32>
      %add3A_96 = arith.addf %add3A_93, %get3A_95 : vector<6144xf32>
      %get3A_97 = arith.constant 147456 : index
      %get3A_98 = vector.load %arg2[%get3A_97] : memref<196608xf32, #tpu.memory_space<vmem>>, vector<6144xf32>
      %add3A_99 = arith.addf %add3A_96, %get3A_98 : vector<6144xf32>
      %get3A_100 = arith.constant 153600 : index
      %get3A_101 = vector.load %arg2[%get3A_100] : memref<196608xf32, #tpu.memory_space<vmem>>, vector<6144xf32>
      %add3A_102 = arith.addf %add3A_99, %get3A_101 : vector<6144xf32>
      %get3A_103 = arith.constant 159744 : index
      %get3A_104 = vector.load %arg2[%get3A_103] : memref<196608xf32, #tpu.memory_space<vmem>>, vector<6144xf32>
      %add3A_105 = arith.addf %add3A_102, %get3A_104 : vector<6144xf32>
      %get3A_106 = arith.constant 165888 : index
      %get3A_107 = vector.load %arg2[%get3A_106] : memref<196608xf32, #tpu.memory_space<vmem>>, vector<6144xf32>
      %add3A_108 = arith.addf %add3A_105, %get3A_107 : vector<6144xf32>
      %get3A_109 = arith.constant 172032 : index
      %get3A_110 = vector.load %arg2[%get3A_109] : memref<196608xf32, #tpu.memory_space<vmem>>, vector<6144xf32>
      %add3A_111 = arith.addf %add3A_108, %get3A_110 : vector<6144xf32>
      %get3A_112 = arith.constant 178176 : index
      %get3A_113 = vector.load %arg2[%get3A_112] : memref<196608xf32, #tpu.memory_space<vmem>>, vector<6144xf32>
      %add3A_114 = arith.addf %add3A_111, %get3A_113 : vector<6144xf32>
      %get3A_115 = arith.constant 184320 : index
      %get3A_116 = vector.load %arg2[%get3A_115] : memref<196608xf32, #tpu.memory_space<vmem>>, vector<6144xf32>
      %add3A_117 = arith.addf %add3A_114, %get3A_116 : vector<6144xf32>
      %get3A_118 = arith.constant 190464 : index
      %get3A_119 = vector.load %arg2[%get3A_118] : memref<196608xf32, #tpu.memory_space<vmem>>, vector<6144xf32>
      %add3A_120 = arith.addf %add3A_117, %get3A_119 : vector<6144xf32>
      %reshape3A = vector.shape_cast %add3A_120 : vector<6144xf32> to vector<24x256xf32>
      %convert_element_type3A_121 = arith.fptosi %reshape3A : vector<24x256xf32> to vector<24x256xi32>
      %iota3A_122 = tpu.iota {dimensions = array<i32: 1>} : vector<24x256xi32>
      %broadcast_in_dim3A_123 = arith.constant 0 : i32
      %broadcast_in_dim3A_124 = vector.broadcast %broadcast_in_dim3A_123 : i32 to vector<24x1xi32>
      %slice3A = vector.extract_strided_slice %convert_element_type3A_121 {offsets = [0, 0], sizes = [24, 255], strides = [1, 1]} : vector<24x256xi32> to vector<24x255xi32>
      %concatenate3A = tpu.concatenate %broadcast_in_dim3A_124, %slice3A in 1 : vector<24x1xi32>, vector<24x255xi32> -> vector<24x256xi32>
      %add3A_125 = arith.addi %convert_element_type3A_121, %concatenate3A : vector<24x256xi32>
      %broadcast_in_dim3A_126 = arith.constant 0 : i32
      %broadcast_in_dim3A_127 = vector.broadcast %broadcast_in_dim3A_126 : i32 to vector<24x2xi32>
      %slice3A_128 = vector.extract_strided_slice %add3A_125 {offsets = [0, 0], sizes = [24, 254], strides = [1, 1]} : vector<24x256xi32> to vector<24x254xi32>
      %concatenate3A_129 = tpu.concatenate %broadcast_in_dim3A_127, %slice3A_128 in 1 : vector<24x2xi32>, vector<24x254xi32> -> vector<24x256xi32>
      %add3A_130 = arith.addi %add3A_125, %concatenate3A_129 : vector<24x256xi32>
      %broadcast_in_dim3A_131 = arith.constant 0 : i32
      %broadcast_in_dim3A_132 = vector.broadcast %broadcast_in_dim3A_131 : i32 to vector<24x4xi32>
      %slice3A_133 = vector.extract_strided_slice %add3A_130 {offsets = [0, 0], sizes = [24, 252], strides = [1, 1]} : vector<24x256xi32> to vector<24x252xi32>
      %concatenate3A_134 = tpu.concatenate %broadcast_in_dim3A_132, %slice3A_133 in 1 : vector<24x4xi32>, vector<24x252xi32> -> vector<24x256xi32>
      %add3A_135 = arith.addi %add3A_130, %concatenate3A_134 : vector<24x256xi32>
      %broadcast_in_dim3A_136 = arith.constant 0 : i32
      %broadcast_in_dim3A_137 = vector.broadcast %broadcast_in_dim3A_136 : i32 to vector<24x8xi32>
      %slice3A_138 = vector.extract_strided_slice %add3A_135 {offsets = [0, 0], sizes = [24, 248], strides = [1, 1]} : vector<24x256xi32> to vector<24x248xi32>
      %concatenate3A_139 = tpu.concatenate %broadcast_in_dim3A_137, %slice3A_138 in 1 : vector<24x8xi32>, vector<24x248xi32> -> vector<24x256xi32>
      %add3A_140 = arith.addi %add3A_135, %concatenate3A_139 : vector<24x256xi32>
      %broadcast_in_dim3A_141 = arith.constant 0 : i32
      %broadcast_in_dim3A_142 = vector.broadcast %broadcast_in_dim3A_141 : i32 to vector<24x16xi32>
      %slice3A_143 = vector.extract_strided_slice %add3A_140 {offsets = [0, 0], sizes = [24, 240], strides = [1, 1]} : vector<24x256xi32> to vector<24x240xi32>
      %concatenate3A_144 = tpu.concatenate %broadcast_in_dim3A_142, %slice3A_143 in 1 : vector<24x16xi32>, vector<24x240xi32> -> vector<24x256xi32>
      %add3A_145 = arith.addi %add3A_140, %concatenate3A_144 : vector<24x256xi32>
      %broadcast_in_dim3A_146 = arith.constant 0 : i32
      %broadcast_in_dim3A_147 = vector.broadcast %broadcast_in_dim3A_146 : i32 to vector<24x32xi32>
      %slice3A_148 = vector.extract_strided_slice %add3A_145 {offsets = [0, 0], sizes = [24, 224], strides = [1, 1]} : vector<24x256xi32> to vector<24x224xi32>
      %concatenate3A_149 = tpu.concatenate %broadcast_in_dim3A_147, %slice3A_148 in 1 : vector<24x32xi32>, vector<24x224xi32> -> vector<24x256xi32>
      %add3A_150 = arith.addi %add3A_145, %concatenate3A_149 : vector<24x256xi32>
      %broadcast_in_dim3A_151 = arith.constant 0 : i32
      %broadcast_in_dim3A_152 = vector.broadcast %broadcast_in_dim3A_151 : i32 to vector<24x64xi32>
      %slice3A_153 = vector.extract_strided_slice %add3A_150 {offsets = [0, 0], sizes = [24, 192], strides = [1, 1]} : vector<24x256xi32> to vector<24x192xi32>
      %concatenate3A_154 = tpu.concatenate %broadcast_in_dim3A_152, %slice3A_153 in 1 : vector<24x64xi32>, vector<24x192xi32> -> vector<24x256xi32>
      %add3A_155 = arith.addi %add3A_150, %concatenate3A_154 : vector<24x256xi32>
      %broadcast_in_dim3A_156 = arith.constant 0 : i32
      %broadcast_in_dim3A_157 = vector.broadcast %broadcast_in_dim3A_156 : i32 to vector<24x128xi32>
      %slice3A_158 = vector.extract_strided_slice %add3A_155 {offsets = [0, 0], sizes = [24, 128], strides = [1, 1]} : vector<24x256xi32> to vector<24x128xi32>
      %concatenate3A_159 = tpu.concatenate %broadcast_in_dim3A_157, %slice3A_158 in 1 : vector<24x128xi32>, vector<24x128xi32> -> vector<24x256xi32>
      %add3A_160 = arith.addi %add3A_155, %concatenate3A_159 : vector<24x256xi32>
      %mul3A_161 = arith.muli %convert_element_type3A_121, %iota3A_122 : vector<24x256xi32>
      %broadcast_in_dim3A_162 = arith.constant 0 : i32
      %broadcast_in_dim3A_163 = vector.broadcast %broadcast_in_dim3A_162 : i32 to vector<24x1xi32>
      %slice3A_164 = vector.extract_strided_slice %mul3A_161 {offsets = [0, 0], sizes = [24, 255], strides = [1, 1]} : vector<24x256xi32> to vector<24x255xi32>
      %concatenate3A_165 = tpu.concatenate %broadcast_in_dim3A_163, %slice3A_164 in 1 : vector<24x1xi32>, vector<24x255xi32> -> vector<24x256xi32>
      %add3A_166 = arith.addi %mul3A_161, %concatenate3A_165 : vector<24x256xi32>
      %broadcast_in_dim3A_167 = arith.constant 0 : i32
      %broadcast_in_dim3A_168 = vector.broadcast %broadcast_in_dim3A_167 : i32 to vector<24x2xi32>
      %slice3A_169 = vector.extract_strided_slice %add3A_166 {offsets = [0, 0], sizes = [24, 254], strides = [1, 1]} : vector<24x256xi32> to vector<24x254xi32>
      %concatenate3A_170 = tpu.concatenate %broadcast_in_dim3A_168, %slice3A_169 in 1 : vector<24x2xi32>, vector<24x254xi32> -> vector<24x256xi32>
      %add3A_171 = arith.addi %add3A_166, %concatenate3A_170 : vector<24x256xi32>
      %broadcast_in_dim3A_172 = arith.constant 0 : i32
      %broadcast_in_dim3A_173 = vector.broadcast %broadcast_in_dim3A_172 : i32 to vector<24x4xi32>
      %slice3A_174 = vector.extract_strided_slice %add3A_171 {offsets = [0, 0], sizes = [24, 252], strides = [1, 1]} : vector<24x256xi32> to vector<24x252xi32>
      %concatenate3A_175 = tpu.concatenate %broadcast_in_dim3A_173, %slice3A_174 in 1 : vector<24x4xi32>, vector<24x252xi32> -> vector<24x256xi32>
      %add3A_176 = arith.addi %add3A_171, %concatenate3A_175 : vector<24x256xi32>
      %broadcast_in_dim3A_177 = arith.constant 0 : i32
      %broadcast_in_dim3A_178 = vector.broadcast %broadcast_in_dim3A_177 : i32 to vector<24x8xi32>
      %slice3A_179 = vector.extract_strided_slice %add3A_176 {offsets = [0, 0], sizes = [24, 248], strides = [1, 1]} : vector<24x256xi32> to vector<24x248xi32>
      %concatenate3A_180 = tpu.concatenate %broadcast_in_dim3A_178, %slice3A_179 in 1 : vector<24x8xi32>, vector<24x248xi32> -> vector<24x256xi32>
      %add3A_181 = arith.addi %add3A_176, %concatenate3A_180 : vector<24x256xi32>
      %broadcast_in_dim3A_182 = arith.constant 0 : i32
      %broadcast_in_dim3A_183 = vector.broadcast %broadcast_in_dim3A_182 : i32 to vector<24x16xi32>
      %slice3A_184 = vector.extract_strided_slice %add3A_181 {offsets = [0, 0], sizes = [24, 240], strides = [1, 1]} : vector<24x256xi32> to vector<24x240xi32>
      %concatenate3A_185 = tpu.concatenate %broadcast_in_dim3A_183, %slice3A_184 in 1 : vector<24x16xi32>, vector<24x240xi32> -> vector<24x256xi32>
      %add3A_186 = arith.addi %add3A_181, %concatenate3A_185 : vector<24x256xi32>
      %broadcast_in_dim3A_187 = arith.constant 0 : i32
      %broadcast_in_dim3A_188 = vector.broadcast %broadcast_in_dim3A_187 : i32 to vector<24x32xi32>
      %slice3A_189 = vector.extract_strided_slice %add3A_186 {offsets = [0, 0], sizes = [24, 224], strides = [1, 1]} : vector<24x256xi32> to vector<24x224xi32>
      %concatenate3A_190 = tpu.concatenate %broadcast_in_dim3A_188, %slice3A_189 in 1 : vector<24x32xi32>, vector<24x224xi32> -> vector<24x256xi32>
      %add3A_191 = arith.addi %add3A_186, %concatenate3A_190 : vector<24x256xi32>
      %broadcast_in_dim3A_192 = arith.constant 0 : i32
      %broadcast_in_dim3A_193 = vector.broadcast %broadcast_in_dim3A_192 : i32 to vector<24x64xi32>
      %slice3A_194 = vector.extract_strided_slice %add3A_191 {offsets = [0, 0], sizes = [24, 192], strides = [1, 1]} : vector<24x256xi32> to vector<24x192xi32>
      %concatenate3A_195 = tpu.concatenate %broadcast_in_dim3A_193, %slice3A_194 in 1 : vector<24x64xi32>, vector<24x192xi32> -> vector<24x256xi32>
      %add3A_196 = arith.addi %add3A_191, %concatenate3A_195 : vector<24x256xi32>
      %broadcast_in_dim3A_197 = arith.constant 0 : i32
      %broadcast_in_dim3A_198 = vector.broadcast %broadcast_in_dim3A_197 : i32 to vector<24x128xi32>
      %slice3A_199 = vector.extract_strided_slice %add3A_196 {offsets = [0, 0], sizes = [24, 128], strides = [1, 1]} : vector<24x256xi32> to vector<24x128xi32>
      %concatenate3A_200 = tpu.concatenate %broadcast_in_dim3A_198, %slice3A_199 in 1 : vector<24x128xi32>, vector<24x128xi32> -> vector<24x256xi32>
      %add3A_201 = arith.addi %add3A_196, %concatenate3A_200 : vector<24x256xi32>
      %slice3A_202 = vector.extract_strided_slice %add3A_160 {offsets = [0, 255], sizes = [24, 1], strides = [1, 1]} : vector<24x256xi32> to vector<24x1xi32>
      %convert_element_type3A_203 = arith.sitofp %slice3A_202 : vector<24x1xi32> to vector<24x1xf32>
      %convert_element_type3A_204 = arith.sitofp %add3A_160 : vector<24x256xi32> to vector<24x256xf32>
      %div3A = vector.broadcast %convert_element_type3A_203 : vector<24x1xf32> to vector<24x256xf32>
      %div3A_205 = arith.divf %convert_element_type3A_204, %div3A : vector<24x256xf32>
      %convert_element_type3A_206 = arith.sitofp %add3A_201 : vector<24x256xi32> to vector<24x256xf32>
      %div3A_207 = vector.broadcast %convert_element_type3A_203 : vector<24x1xf32> to vector<24x256xf32>
      %div3A_208 = arith.divf %convert_element_type3A_206, %div3A_207 : vector<24x256xf32>
      %slice3A_209 = vector.extract_strided_slice %div3A_208 {offsets = [0, 255], sizes = [24, 1], strides = [1, 1]} : vector<24x256xf32> to vector<24x1xf32>
      %sub3A = arith.constant 1.000000e+00 : f32
      %sub3A_210 = vector.broadcast %sub3A : f32 to vector<24x256xf32>
      %sub3A_211 = arith.subf %sub3A_210, %div3A_205 : vector<24x256xf32>
      %gt3A = arith.constant 0.000000e+00 : f32
      %gt3A_212 = vector.broadcast %gt3A : f32 to vector<24x256xf32>
      %gt3A_213 = arith.cmpf ogt, %div3A_205, %gt3A_212 : vector<24x256xf32>
      %gt3A_214 = arith.constant 0.000000e+00 : f32
      %gt3A_215 = vector.broadcast %gt3A_214 : f32 to vector<24x256xf32>
      %gt3A_216 = arith.cmpf ogt, %sub3A_211, %gt3A_215 : vector<24x256xf32>
      %and3A_217 = arith.andi %gt3A_213, %gt3A_216 : vector<24x256xi1>
      %gt3A_218 = arith.constant 0.000000e+00 : f32
      %gt3A_219 = vector.broadcast %gt3A_218 : f32 to vector<24x256xf32>
      %gt3A_220 = arith.cmpf ogt, %div3A_205, %gt3A_219 : vector<24x256xf32>
      %jit3A_221 = arith.constant 1.000000e+00 : f32
      %broadcast_in_dim3A_222 = vector.broadcast %jit3A_221 : f32 to vector<24x256xf32>
      %select_n3A_223 = arith.select %gt3A_220, %div3A_205, %broadcast_in_dim3A_222 : vector<24x256xi1>, vector<24x256xf32>
      %div3A_224 = arith.divf %div3A_208, %select_n3A_223 : vector<24x256xf32>
      %sub3A_225 = vector.broadcast %slice3A_209 : vector<24x1xf32> to vector<24x256xf32>
      %sub3A_226 = arith.subf %sub3A_225, %div3A_208 : vector<24x256xf32>
      %gt3A_227 = arith.constant 0.000000e+00 : f32
      %gt3A_228 = vector.broadcast %gt3A_227 : f32 to vector<24x256xf32>
      %gt3A_229 = arith.cmpf ogt, %sub3A_211, %gt3A_228 : vector<24x256xf32>
      %jit3A_230 = arith.constant 1.000000e+00 : f32
      %broadcast_in_dim3A_231 = vector.broadcast %jit3A_230 : f32 to vector<24x256xf32>
      %select_n3A_232 = arith.select %gt3A_229, %sub3A_211, %broadcast_in_dim3A_231 : vector<24x256xi1>, vector<24x256xf32>
      %div3A_233 = arith.divf %sub3A_226, %select_n3A_232 : vector<24x256xf32>
      %mul3A_234 = arith.mulf %div3A_205, %sub3A_211 : vector<24x256xf32>
      %sub3A_235 = arith.subf %div3A_224, %div3A_233 : vector<24x256xf32>
      %integer_pow3A = arith.mulf %sub3A_235, %sub3A_235 : vector<24x256xf32>
      %mul3A_236 = arith.mulf %mul3A_234, %integer_pow3A : vector<24x256xf32>
      %jit3A_237 = arith.constant 0xFF800000 : f32
      %broadcast_in_dim3A_238 = vector.broadcast %jit3A_237 : f32 to vector<24x256xf32>
      %select_n3A_239 = arith.select %and3A_217, %mul3A_236, %broadcast_in_dim3A_238 : vector<24x256xi1>, vector<24x256xf32>
      %reduce_max3A = arith.constant dense<0xFF800000> : vector<24xf32>
      %reduce_max3A_240 = vector.multi_reduction <maximumf>, %select_n3A_239, %reduce_max3A [1] : vector<24x256xf32> to vector<24xf32>
      %broadcast_in_dim3A_241 = vector.shape_cast %reduce_max3A_240 : vector<24xf32> to vector<24x1xf32>
      %eq3A_242 = vector.broadcast %broadcast_in_dim3A_241 : vector<24x1xf32> to vector<24x256xf32>
      %eq3A_243 = arith.cmpf oeq, %select_n3A_239, %eq3A_242 : vector<24x256xf32>
      %jit3A_244 = arith.constant 256 : i32
      %broadcast_in_dim3A_245 = vector.broadcast %jit3A_244 : i32 to vector<24x256xi32>
      %select_n3A_246 = arith.select %eq3A_243, %iota3A_122, %broadcast_in_dim3A_245 : vector<24x256xi1>, vector<24x256xi32>
      %reduce_min3A = arith.constant dense<2147483647> : vector<24xi32>
      %reduce_min3A_247 = vector.multi_reduction <minsi>, %select_n3A_246, %reduce_min3A [1] : vector<24x256xi32> to vector<24xi32>
      %broadcast_in_dim3A_248 = vector.shape_cast %reduce_min3A_247 : vector<24xi32> to vector<24x1xi32>
      %add3A_249 = arith.constant 1 : i32
      %add3A_250 = vector.broadcast %add3A_249 : i32 to vector<24x1xi32>
      %add3A_251 = arith.addi %broadcast_in_dim3A_248, %add3A_250 : vector<24x1xi32>
      %jit3A_252 = arith.constant 0 : i32
      %jit3A_253 = arith.constant 255 : i32
      %max3A = vector.broadcast %jit3A_252 : i32 to vector<24x1xi32>
      %max3A_254 = arith.maxsi %max3A, %add3A_251 : vector<24x1xi32>
      %min3A = vector.broadcast %jit3A_253 : i32 to vector<24x1xi32>
      %min3A_255 = arith.minsi %min3A, %max3A_254 : vector<24x1xi32>
      %get3A_256 = arith.constant 0 : index
      %get3A_257 = arith.constant 0 : index
      %get3A_258 = vector.load %arg3[%get3A_256, %get3A_257] : memref<1x16xf32, #tpu.memory_space<vmem>>, vector<1x1xf32>
      %get3A_259 = vector.extract %get3A_258[0, 0] : f32 from vector<1x1xf32>
      %get3A_260 = arith.constant 0 : index
      %get3A_261 = arith.constant 0 : index
      %get3A_262 = vector.load %arg4[%get3A_260, %get3A_261] : memref<1x16xf32, #tpu.memory_space<vmem>>, vector<1x1xf32>
      %get3A_263 = vector.extract %get3A_262[0, 0] : f32 from vector<1x1xf32>
      %convert_element_type3A_264 = arith.sitofp %min3A_255 : vector<24x1xi32> to vector<24x1xf32>
      %div3A_265 = arith.constant 2.550000e+02 : f32
      %div3A_266 = vector.broadcast %div3A_265 : f32 to vector<24x1xf32>
      %div3A_267 = arith.divf %convert_element_type3A_264, %div3A_266 : vector<24x1xf32>
      %sub3A_268 = arith.constant 1.000000e+00 : f32
      %sub3A_269 = vector.broadcast %sub3A_268 : f32 to vector<24x1xf32>
      %sub3A_270 = arith.subf %sub3A_269, %div3A_267 : vector<24x1xf32>
      %mul3A_271 = vector.broadcast %get3A_259 : f32 to vector<24x1xf32>
      %mul3A_272 = arith.mulf %mul3A_271, %sub3A_270 : vector<24x1xf32>
      %mul3A_273 = vector.broadcast %get3A_263 : f32 to vector<24x1xf32>
      %mul3A_274 = arith.mulf %mul3A_273, %div3A_267 : vector<24x1xf32>
      %add3A_275 = arith.addf %mul3A_272, %mul3A_274 : vector<24x1xf32>
      %eq3A_276 = arith.constant 255 : i32
      %eq3A_277 = vector.broadcast %eq3A_276 : i32 to vector<24x1xi32>
      %eq3A_278 = arith.cmpi eq, %min3A_255, %eq3A_277 : vector<24x1xi32>
      %broadcast_in_dim3A_279 = vector.broadcast %get3A_263 : f32 to vector<24x1xf32>
      %select_n3A_280 = arith.select %eq3A_278, %broadcast_in_dim3A_279, %add3A_275 : vector<24x1xi1>, vector<24x1xf32>
      %swap3A_281 = arith.constant 0 : index
      %swap3A_282 = arith.constant 0 : index
      %swap3A_283 = vector.load %arg8[%swap3A_281, %swap3A_282] : memref<24x1xf32, #tpu.memory_space<vmem>>, vector<24x1xf32>
      tpu.vector_store %arg8[%swap3A_281, %swap3A_282], %select_n3A_280 {strides = array<i32>} : memref<24x1xf32, #tpu.memory_space<vmem>>, vector<24x1xf32>,
      %swap3A_284 = arith.constant 0 : index
      %swap3A_285 = arith.constant 0 : index
      %swap3A_286 = vector.load %arg7[%swap3A_284, %swap3A_285] : memref<24x1xf32, #tpu.memory_space<vmem>>, vector<24x1xf32>
      tpu.vector_store %arg7[%swap3A_284, %swap3A_285], %select_n3A_280 {strides = array<i32>} : memref<24x1xf32, #tpu.memory_space<vmem>>, vector<24x1xf32>,
    } else {
    }
    %mul3A = arith.constant 3 : i32
    %mul3A_4 = arith.muli %arg0, %mul3A : i32
    %add3A = arith.addi %mul3A_4, %arg1 : i32
    %iota3A = tpu.iota {dimensions = array<i32: 0>} : vector<24x1xi32>
    %eq3A_5 = vector.broadcast %add3A : i32 to vector<24x1xi32>
    %eq3A_6 = arith.cmpi eq, %iota3A, %eq3A_5 : vector<24x1xi32>
    %get3A = arith.constant 0 : index
    %get3A_7 = arith.constant 0 : index
    %get3A_8 = vector.load %arg8[%get3A, %get3A_7] : memref<24x1xf32, #tpu.memory_space<vmem>>, vector<24x1xf32>
    %jit3A = arith.constant 0.000000e+00 : f32
    %broadcast_in_dim3A = vector.broadcast %jit3A : f32 to vector<24x1xf32>
    %select_n3A = arith.select %eq3A_6, %get3A_8, %broadcast_in_dim3A : vector<24x1xi1>, vector<24x1xf32>
    %reduce_sum3A = vector.shape_cast %select_n3A : vector<24x1xf32> to vector<1x24x1xf32>
    %reduce_sum3A_9 = arith.constant dense<0.000000e+00> : vector<1xf32>
    %reduce_sum3A_10 = vector.multi_reduction <add>, %reduce_sum3A, %reduce_sum3A_9 [1, 2] : vector<1x24x1xf32> to vector<1xf32>
    %reduce_sum3A_11 = vector.shape_cast %reduce_sum3A_10 : vector<1xf32> to vector<1x1x1xf32>
    %reduce_sum3A_12 = vector.extract %reduce_sum3A_11[0, 0, 0] : f32 from vector<1x1x1xf32>
    %get3A_13 = arith.constant 0 : index
    %get3A_14 = arith.constant 0 : index
    %get3A_15 = arith.constant 0 : index
    %get3A_16 = arith.constant 0 : index
    %get3A_17 = vector.load %arg5[%get3A_13, %get3A_14, %get3A_15, %get3A_16] : memref<1x1x512x512xf32, #tpu.memory_space<vmem>>, vector<1x1x512x512xf32>
    %le3A = vector.broadcast %reduce_sum3A_12 : f32 to vector<1x1x512x512xf32>
    %le3A_18 = arith.cmpf ole, %get3A_17, %le3A : vector<1x1x512x512xf32>
    %jit3A_19 = arith.constant 0.000000e+00 : f32
    %broadcast_in_dim3A_20 = vector.broadcast %jit3A_19 : f32 to vector<1x1x512x512xf32>
    %select_n3A_21 = arith.select %le3A_18, %broadcast_in_dim3A_20, %get3A_17 : vector<1x1x512x512xi1>, vector<1x1x512x512xf32>
    %swap3A = arith.constant 0 : index
    %swap3A_22 = arith.constant 0 : index
    %swap3A_23 = arith.constant 0 : index
    %swap3A_24 = arith.constant 0 : index
    %swap3A_25 = vector.load %arg6[%swap3A, %swap3A_22, %swap3A_23, %swap3A_24] : memref<1x1x512x512xf32, #tpu.memory_space<vmem>>, vector<1x1x512x512xf32>
    tpu.vector_store %arg6[%swap3A, %swap3A_22, %swap3A_23, %swap3A_24], %select_n3A_21 {strides = array<i32>} : memref<1x1x512x512xf32, #tpu.memory_space<vmem>>, vector<1x1x512x512xf32>,
    return
  }
  func.func @transform_0(%arg0: i32, %arg1: i32) -> i32 {
    %c0_i32 = arith.constant 0 : i32
    %c0_i32_0 = arith.constant 0 : i32
    return %c0_i32 : i32
  }
  func.func @transform_1(%arg0: i32, %arg1: i32) -> (i32, i32) {
    %c0_i32 = arith.constant 0 : i32
    %c0_i32_0 = arith.constant 0 : i32
    %c0_i32_1 = arith.constant 0 : i32
    return %c0_i32, %c0_i32_0 : i32, i32
  }
  func.func @transform_2(%arg0: i32, %arg1: i32) -> (i32, i32) {
    %c0_i32 = arith.constant 0 : i32
    %c0_i32_0 = arith.constant 0 : i32
    %c0_i32_1 = arith.constant 0 : i32
    return %c0_i32, %c0_i32_0 : i32, i32
  }
  func.func @transform_3(%arg0: i32, %arg1: i32) -> (i32, i32, i32, i32) {
    %c0_i32 = arith.constant 0 : i32
    %c0_i32_0 = arith.constant 0 : i32
    %c0_i32_1 = arith.constant 0 : i32
    return %arg0, %arg1, %c0_i32, %c0_i32_0 : i32, i32, i32, i32
  }
  func.func @transform_4(%arg0: i32, %arg1: i32) -> (i32, i32, i32, i32) {
    %c0_i32 = arith.constant 0 : i32
    %c0_i32_0 = arith.constant 0 : i32
    %c0_i32_1 = arith.constant 0 : i32
    return %arg0, %arg1, %c0_i32, %c0_i32_0 : i32, i32, i32, i32
  }
  func.func @transform_5(%arg0: i32, %arg1: i32) -> (i32, i32) {
    %c0_i32 = arith.constant 0 : i32
    %c0_i32_0 = arith.constant 0 : i32
    %c0_i32_1 = arith.constant 0 : i32
    return %c0_i32, %c0_i32_0 : i32, i32
  }
}

</mosaic_0001>

<sc_bundles>
// kernel: _run.5.cloned.1.call-start
scs
__scs_entry_jumppad:
0x0: {  	(pc) =	sbr.rel $0x88, $3  }
0x1: {  	(tag) =	ssettag $0x0;
	lr =	simm.s32 $0x1  }
0x2: {  	[smem:$0x3FA0] =	sst lr;
	_ =	strace $0xD0000000  }
0x3: {  	_ = 	snop  }
0x4: {  	_ = 	snop  }
0x5: {  	_ = 	snop  }
0x6: {  	_ = 	snop  }
0x7: {  	_ = 	snop  }
__scs_overlays_trampoline_lowered:
0x8: {  	[smem:$0x3FAF] =	sst s0  }
0x9: {  	[smem:$0x3FB0] =	sst s1  }
0xa: {  	[smem:$0x3FB1] =	sst s2  }
0xb: {  	[smem:$0x3FB2] =	sst s3  }
0xc: {  	[smem:$0x3FB3] =	sst s4  }
0xd: {  	[smem:$0x3FB4] =	sst s5  }
0xe: {  	[smem:$0x3FB5] =	sst s6  }
0xf: {  	[smem:$0x3FB6] =	sst s7  }
0x10: {  	[smem:$0x3FB7] =	sst s8  }
0x11: {  	[smem:$0x3FB8] =	sst s9;
	s0 =	simm.s32 @!p0 $0x0  }
0x12: {  	s1 =	sld [smem:$0x3F9E];
	s0 =	simm.s32 @p0 $0x1  }
0x13: {  	[smem:$0x3FB9] =	sst s0;
	s0 =	simm.s32 @!p1 $0x0  }
0x14: {  	s2 =	sld [smem:$0x3F9D];
	s0 =	simm.s32 @p1 $0x1  }
0x15: {  	[smem:$0x3FBA] =	sst s0;
	s0 =	simm.s32 @!p2 $0x0  }
0x16: {  	s3 =	sld [smem:$0x3FDB];
	s0 =	simm.s32 @p2 $0x1  }
0x17: {  	s4 =	simm.s32 $0x1BF5;
	[smem:$0x3FBC] =	sst s0  }
0x18: {  	s0 =	sld [smem:$0x3F9F];
	_ =	swait.ge [sflag:s4], $0x0  }
0x19: {  	s7 =	sld [smem:$0x3FA0]  }
0x1a: {  	s8 =	sadd.s32 $0xFFFFE003, lr  }
0x1b: {  	s9 =	sadd.s32 $0xFFFFFEF7, lr;
	s5 =	simm.s32 $0xFFFFFFFF;
	p2 =	slt.u32 s8, $0xFFFFF086  }
0x1c: {  	p1 =	slt.u32 s9, $0xF7A;
	s5 =	simm.s32 @!p2 $0x0  }
0x1d: {  	s5 =	simm.s32 @p1 $0x1;
	p0 =	seq.s32 s7, s2  }
0x1e: {  	s7 =	smul.u32 @!p0 $0xF7A, s2;
	p2 =	seq.s32 @!p0 s5, $0x0  }
0x1f: {  	s9 =	smul.u32 $0xF7A, s1;
	s8 =	simm.s32 @!p0 $0x1BF5;
	p2 =	por !p2, p0  }
0x20: {  	[sflag:s8] =	ssyncset.s32 @!p0 $0xFFFFF086;
	s6 =	sadd.s32 @!p0 s3, s7;
	s7 =	simm.s32 @!p0 $0x108  }
0x21: {  	s3 =	sadd.s32 s3, s9;
	s6 =	sadd.s32 @!p0 $0x88, s6;
	s7 =	simm.s32 @p2 $0x1082  }
0x22: {  	[simem:s7], [sflag:s8] =	dma.local @!p0 [hbm:s6], $0xF7A  }
0x23: {  	s9 =	sor.u32 $0xD0000000, s2;
	s6 =	simm.s32 $0x108;
	_ =	swait.ge @!p0 [sflag:s8], $0x0  }
0x24: {  	s3 =	sadd.s32 $0x88, s3;
	s6 =	simm.s32 @!p1 $0x1082;
	[sflag:s4] =	ssyncset.s32 $0xFFFFF086  }
0x25: {  	[simem:s6], [sflag:s4] =	dma.local [hbm:s3], $0xF7A  }
0x26: {  	[smem:$0x3FA0] =	sst s1;
	(tag) =	ssettag s2;
	_ =	strace s9  }
0x27: {  	s1 =	sld [smem:$0x3FB0]  }
0x28: {  	s2 =	sld [smem:$0x3FB1]  }
0x29: {  	s4 =	sld [smem:$0x3FB3]  }
0x2a: {  	p0 =	seq.s32 s5, $0x0;
	s5 =	sld [smem:$0x3FB4]  }
0x2b: {  	s6 =	sld [smem:$0x3FB5]  }
0x2c: {  	s7 =	sld [smem:$0x3FB6]  }
0x2d: {  	s3 =	simm.s32 $0x108;
	s8 =	sld [smem:$0x3FB7]  }
0x2e: {  	s3 =	simm.s32 @!p0 $0x1082;
	s9 =	sld [smem:$0x3FB8]  }
0x2f: {  	lr =	sadd.s32 s0, s3;
	s0 =	sld [smem:$0x3FAF]  }
0x30: {  	s3 =	sld [smem:$0x3FB2]  }
0x31: {  	[smem:$0x3FBB] =	sst s10  }
0x32: {  	s10 =	sld [smem:$0x3FB9];
	_ =	sdelay $0x3  }
0x33: {  	p0 =	seq.s32 s10, $0x1;
	s10 =	sld [smem:$0x3FBB];
	_ =	sdelay $0x3  }
0x34: {  	[smem:$0x3FBB] =	sst s10  }
0x35: {  	s10 =	sld [smem:$0x3FBA];
	_ =	sdelay $0x3  }
0x36: {  	p1 =	seq.s32 s10, $0x1;
	s10 =	sld [smem:$0x3FBB];
	_ =	sdelay $0x3  }
0x37: {  	[smem:$0x3FBB] =	sst s10  }
0x38: {  	s10 =	sld [smem:$0x3FBC]  }
0x39: {  	_ = 	snop;
	(pc) =	sbr.ind lr, $3  }
0x3a: {  	_ = 	snop  }
0x3b: {  	_ = 	snop  }
0x3c: {  	p2 =	seq.s32 s10, $0x1;
	s10 =	sld [smem:$0x3FBB]  }
0x3d: {  	_ =	shalt  }
0x3e: {  	_ =	shalt  }
0x3f: {  	_ =	shalt  }
0x40: {  	_ =	shalt  }
0x41: {  	_ =	shalt  }
0x42: {  	_ =	shalt  }
0x43: {  	_ =	shalt  }
0x44: {  	_ =	shalt  }
0x45: {  	_ =	shalt  }
0x46: {  	_ =	shalt  }
0x47: {  	_ =	shalt  }
0x48: {  	_ =	shalt  }
0x49: {  	_ =	shalt  }
0x4a: {  	_ =	shalt  }
0x4b: {  	_ =	shalt  }
0x4c: {  	_ =	shalt  }
0x4d: {  	_ =	shalt  }
0x4e: {  	_ =	shalt  }
0x4f: {  	_ =	shalt  }
0x50: {  	_ =	shalt  }
0x51: {  	_ =	shalt  }
0x52: {  	_ =	shalt  }
0x53: {  	_ =	shalt  }
0x54: {  	_ =	shalt  }
0x55: {  	_ =	shalt  }
0x56: {  	_ =	shalt  }
0x57: {  	_ =	shalt  }
0x58: {  	_ =	shalt  }
0x59: {  	_ =	shalt  }
0x5a: {  	_ =	shalt  }
0x5b: {  	_ =	shalt  }
0x5c: {  	_ =	shalt  }
0x5d: {  	_ =	shalt  }
0x5e: {  	_ =	shalt  }
0x5f: {  	_ =	shalt  }
0x60: {  	_ =	shalt  }
0x61: {  	_ =	shalt  }
0x62: {  	_ =	shalt  }
0x63: {  	_ =	shalt  }
0x64: {  	_ =	shalt  }
0x65: {  	_ =	shalt  }
0x66: {  	_ =	shalt  }
0x67: {  	_ =	shalt  }
0x68: {  	_ =	shalt  }
0x69: {  	_ =	shalt  }
0x6a: {  	_ =	shalt  }
0x6b: {  	_ =	shalt  }
0x6c: {  	_ =	shalt  }
0x6d: {  	_ =	shalt  }
0x6e: {  	_ =	shalt  }
0x6f: {  	_ =	shalt  }
0x70: {  	_ =	shalt  }
0x71: {  	_ =	shalt  }
0x72: {  	_ =	shalt  }
0x73: {  	_ =	shalt  }
0x74: {  	_ =	shalt  }
0x75: {  	_ =	shalt  }
0x76: {  	_ =	shalt  }
0x77: {  	_ =	shalt  }
0x78: {  	_ =	shalt  }
0x79: {  	_ =	shalt  }
0x7a: {  	_ =	shalt  }
0x7b: {  	_ =	shalt  }
0x7c: {  	_ =	shalt  }
0x7d: {  	_ =	shalt  }
0x7e: {  	_ =	shalt  }
0x7f: {  	_ =	shalt  }
0x80: {  	_ =	shalt  }
0x81: {  	_ =	shalt  }
0x82: {  	_ =	shalt  }
0x83: {  	_ =	shalt  }
0x84: {  	_ =	shalt  }
0x85: {  	_ =	shalt  }
0x86: {  	_ =	shalt  }
0x87: {  	_ =	shalt  }
.Lfunc_end0:
.L_simem_size_0:
called_computation_lowered:
.L_overlay_start_0:
0x88: {  	s2 =	sld [smem:$0x3FD9]  }
0x89: {  	s3 =	sld [smem:$0x3FFE];
	_ =	sdelay $0x1  }
0x8a: {  	s1 =	srdreg.scid  }
0x8b: {  	s0 =	sand.u32 $0x1, s1  }
0x8c: {  	s14 =	sshll.u32 s0, $0xA;
	s2 =	sadd.s32 s3, s2  }
0x8d: {  	s2 =	sadd.s32 s2, s14  }
0x8e: {  	[smem:$0x3FC7] =	sst s2  }
0x8f: {  	_ = 	snop  }
0x90: {  	s2 =	sld [smem:$0x3FD0];
	_ =	sdelay $0x2  }
0x91: {  	s4 =	simm.s32 $0xA;
	s5 =	simm.s32 $0x10;
	s15 =	sld [smem:$0x3FC9]  }
0x92: {  	[smem:s5], [sflag:s4] =	dma.local [hbm:s2], $0x1  }
0x93: {  	_ =	swait.eq [sflag:s4], $0x1  }
0x94: {  	[sflag:s4] =	ssyncset.done $0x0  }
0x95: {  	s16 =	sld [smem:$0x10];
	[sflag:s4] =	ssyncadd.s32 $0xFFFFFFFF  }
0x96: {  	s17 =	sld [smem:$0x11];
	(tm) =	ssettm $0x1  }
0x97: {  	s18 =	sld [smem:$0x3FFB];
	_ =	sdelay $0x3  }
0x98: {  	_ =	strace s18  }
0x99: {  	s5 =	sld [smem:$0x3FFC];
	_ =	sdelay $0x3  }
0x9a: {  	_ =	strace s5  }
0x9b: {  	s5 =	sld [smem:$0x3FFD];
	_ =	sdelay $0x3  }
0x9c: {  	_ =	strace s5  }
0x9d: {  	_ =	strace $0x8FFFFFFF  }
0x9e: {  	s19 =	sld [smem:$0x3FDB];
	_ =	sdelay $0x1  }
0x9f: {  	s6 =	simm.s32 $_scs_section_size  }
0xa0: {  	s7 =	simm.s32 $_size__tile_overlayer_lowered;
	s8 =	simm.s32 $_tile_overlayer_lowered  }
0xa1: {  	s22 =	simm.s32 $0x1BFF;
	s21 =	sshll.u32 s8, $0x1;
	s5 =	sadd.s32 s6, s19  }
0xa2: {  	s9 =	simm.s32 $0x0;
	s20 =	sshll.u32 s7, $0x1;
	s7 =	sadd.s32 s21, s5  }
0xa3: {  	[timem:s9], [sflag:s22] =	dma.local [hbm:s7], s20  }
0xa4: {  	_ =	swait.ge [sflag:s22], s20  }
0xa5: {  	s6 =	ssub.s32 $0x0, s20;
	[sflag:s22] =	ssyncset.done $0x0  }
0xa6: {  	[sflag:s22] =	ssyncadd.s32 s6;
	_ =	sdelay $0x1  }
0xa7: {  	s23 =	simm.s32 $0x1B8B  }
0xa8: {  	_ =	swait.ge [sflag:s23], $0x1  }
0xa9: {  	[sflag:s23] =	ssyncset.done $0x0  }
0xaa: {  	s25 =	simm.s32 $0x1B8E;
	s24 =	sld [smem:$0x3FFE];
	[sflag:s23] =	ssyncadd.s32 $0xFFFFFFFF  }
0xab: {  	s26 =	simm.s32 $execute0_lowered;
	[smem:$0x3FD2] =	sst s25  }
0xac: {  	s7 =	sshll.u32 s26, $0x1;
	_ =	strace $0x80000046;
	[dreg:$0x1] =	wrdreg $0xFFFFFFFF  }
0xad: {  	s28 =	simm.s32 $_size_execute0_lowered;
	s5 =	sadd.s32 s5, s7;
	[dreg:$0x0] =	wrdreg $0x0  }
0xae: {  	s7 =	sshll.u32 s28, $0x1;
	[dreg:$0x2] =	wrdreg s5  }
0xaf: {  	[dreg:$0x3] =	wrdreg s7  }
0xb0: {  	[dreg:$0x4] =	wrdreg $0xC0  }
0xb1: {  	_ =	task [dreg:s9], $0x5FFFF  }
0xb2: {  	[dreg:$0x1] =	wrdreg $0xFFFFFFFF  }
0xb3: {  	[dreg:$0x0] =	wrdreg $0x60  }
0xb4: {  	[dreg:$0x2] =	wrdreg s15  }
0xb5: {  	[dreg:$0x3] =	wrdreg s17  }
0xb6: {  	[dreg:$0x4] =	wrdreg s24  }
0xb7: {  	[dreg:$0x5] =	wrdreg s16  }
0xb8: {  	[dreg:$0x6] =	wrdreg $0x9  }
0xb9: {  	_ =	task.clear_ibuf [dreg:s9], $0x7FFFF;
	_ =	strace $0x90000046  }
0xba: {  	s29 =	simm.s32 $0x9;
	_ =	strace $0x80000048  }
0xbb: {  	_ =	swait.ge [sflag:s29], $0x1  }
0xbc: {  	[sflag:s29] =	ssyncadd.s32 $0xFFFFFFFF  }
0xbd: {  	_ =	strace $0x90000048  }
0xbe: {  	_ =	sfence  }
0xbf: {  	s30 =	sld [smem:$0x0];
	_ =	sdelay $0x2  }
0xc0: {  	s31 =	sshll.u32 s1, $0xD;
	s1 =	sshrl.u32 s1, $0x2  }
0xc1: {  	s3 =	sand.u32 $0x4000, s31;
	s1 =	sadd.s32 s1, s30  }
0xc2: {  	s0 =	sor.u32 s3, s0;
	s1 =	sshll.u32 s1, $0x11  }
0xc3: {  	s0 =	sor.u32 s1, s0  }
0xc4: {  	s0 =	sadd.s32 $0x8F2B, s0  }
0xc5: {  	[sflag:s0] =	ssyncadd.remote.s32 $0x1  }
0xc6: {  	_ =	sfence.sel $0xFFFF  }
0xc7: {  	[dreg:$0x0] =	wrdreg $0xFFFFFFFF;
	(pc) =	sbr.abs _section_cstart, $3  }
0xc8: {  	[dreg:$0x1] =	wrdreg $0xFFFFFFFF  }
0xc9: {  	_ =	task.clear_ibuf [dreg:s9], $0x2FFFF;
	_ =	strace $0x9FFFFFFF  }
0xca: {  	(tm) =	ssettm $0x7FFFFFFF  }
0xcb: {  	_ =	shalt  }
tec
execute0_lowered:
.L_overlay_start_1:
0x0: {  	(tag) =	ssettag $0x1  }
0x1: {  	s1 =	srdreg.scid;
	s0 =	stileid.u32  }
0x2: {  	s10 =	rddreg [dreg:$0x0];
	s3 =	sand.u32 $0x1, s1;
	s14 =	sshll.u32 s0, $0x1  }
0x3: {  	s2 =	rddreg [dreg:$0x1];
	s11 =	sor.u32 s3, s14  }
0x4: {  	s13 =	rddreg [dreg:$0x2];
	s3 =	ssub.s32 $0x2, s3;
	s8 =	smul.u32 $0xC, s11  }
0x5: {  	s13 =	sadd.s32 $0xE00, s13;
	s4 =	smul.u32 $0x30000, s11;
	s5 =	sshrl.u32 s3, $0x1  }
0x6: {  	s14 =	rddreg [dreg:$0x3];
	s18 =	ssub.s32 s3, s5;
	s16 =	sshrl.u32 s8, $0x4  }
0x7: {  	s4 =	sand.u32 $0x30000, s4;
	s15 =	sadd.s32 $0x4, s8;
	s19 =	sadd.s32 $0x5, s8  }
0x8: {  	s7 =	sadd.s32 $0x6, s8;
	s25 =	sadd.s32 $0x7, s8;
	s29 =	sadd.s32 $0x8, s8  }
0x9: {  	s18 =	smax.u32 s18, $0x1;
	s6 =	sshll.u32 s16, $0x12;
	s17 =	sshrl.u32 s15, $0x4  }
0xa: {  	s3 =	sshll.u32 s15, $0xB;
	s21 =	sshll.u32 s19, $0xB;
	s19 =	sshrl.u32 s19, $0x4  }
0xb: {  	s24 =	sshll.u32 s7, $0xB;
	s12 =	sshll.u32 s25, $0xB;
	s30 =	sshll.u32 s29, $0xB  }
0xc: {  	s15 =	sadd.s32 $0x9, s8;
	s9 =	sor.u32 s4, s6;
	s20 =	sshll.u32 s17, $0xF  }
0xd: {  	s3 =	sand.u32 $0x6000, s3;
	s22 =	sand.u32 $0x6800, s21;
	s23 =	sshll.u32 s19, $0xF  }
0xe: {  	s5 =	sand.u32 $0x7000, s24;
	s21 =	sshrl.u32 s25, $0x4;
	s26 =	sand.u32 $0x7800, s12  }
0xf: {  	s24 =	sadd.s32 $0xA, s8;
	s25 =	sadd.s32 $0xB, s8;
	s19 =	sshll.u32 s19, $0x8  }
0x10: {  	s3 =	sadd.s32 s10, s3;
	s4 =	sadd.s32 s10, s22;
	s5 =	sadd.s32 s10, s5  }
0x11: {  	s28 =	sshll.u32 s21, $0xF;
	s6 =	sadd.s32 s10, s26;
	s22 =	sshrl.u32 s29, $0x4  }
0x12: {  	s26 =	sshll.u32 s24, $0xB;
	s9 =	sshrl.u32 s9, $0x3;
	s24 =	sshrl.u32 s24, $0x4  }
0x13: {  	s21 =	sshll.u32 s21, $0x8;
	v2 =	vmov s19;
	s19 =	simm.s32 $0x9800;
	s3 =	sadd.s32 s20, s3  }
0x14: {  	s4 =	sadd.s32 s23, s4;
	s20 =	sshrl.u32 s7, $0x4;
	s6 =	sadd.s32 s28, s6  }
0x15: {  	s31 =	sshll.u32 s22, $0xF;
	s23 =	sshrl.u32 s15, $0x4;
	s15 =	sshll.u32 s15, $0xB  }
0x16: {  	s28 =	sshll.u32 s25, $0xB;
	s12 =	sand.u32 $0x7000, s26;
	s9 =	sadd.s32 s10, s9  }
0x17: {  	s25 =	sshrl.u32 s25, $0x4;
	s26 =	smul.u32 $0x300, s11;
	s29 =	sshll.u32 s24, $0xF  }
0x18: {  	s22 =	sshll.u32 s22, $0x8;
	s24 =	sshll.u32 s24, $0x8;
	v4 =	vmov s21;
	s21 =	simm.s32 $0x9880  }
0x19: {  	s7 =	sshll.u32 s20, $0xF;
	s1 =	sshll.u32 s23, $0xF;
	s15 =	sand.u32 $0x6800, s15  }
0x1a: {  	s12 =	sadd.s32 s10, s12;
	s20 =	sshll.u32 s20, $0x8;
	s23 =	sshll.u32 s23, $0x8  }
0x1b: {  	v5 =	vmov s22;
	v7 =	vmov s24;
	s22 =	simm.s32 $0x4000;
	s24 =	simm.s32 $0x8000;
	s5 =	sadd.s32 s7, s5  }
0x1c: {  	s7 =	sand.u32 $0x6000, s30;
	s15 =	sadd.s32 s10, s15;
	s11 =	sadd.s32 s29, s12  }
0x1d: {  	s14 =	sadd.s32 s14, s26;
	s30 =	sshll.u32 s16, $0x8;
	s16 =	sadd.s32 $0x1000, s9  }
0x1e: {  	v3 =	vmov s20;
	s20 =	simm.s32 $0x3;
	v6 =	vmov s23;
	s23 =	simm.s32 $0x1;
	s26 =	simm.s32 $0x0  }
0x1f: {  	s7 =	sadd.s32 s10, s7;
	s8 =	sadd.s32 s1, s15;
	s15 =	sand.u32 $0x7800, s28  }
0x20: {  	s28 =	sshll.u32 s25, $0xF;
	s25 =	sshll.u32 s25, $0x8;
	s7 =	sadd.s32 s31, s7  }
0x21: {  	s15 =	sadd.s32 s10, s15;
	s10 =	simm.s32 $0x0;
	s31 =	sshll.u32 s17, $0x8  }
0x22: {  	v9 =	vimm.f32 $0.0e+00;
	s17 =	sadd.s32 $0x1800, s9;
	v8 =	vmov s25;
	s25 =	simm.s32 $0x2;
	[smem:$0x7FF] =	sst s10  }
0x23: {  	v10 =	vimm.f32 $1.000000000e+00;
	v0 =	vmov s30;
	s12 =	sadd.s32 s28, s15;
	s15 =	sadd.s32 $0x800, s9;
	v1 =	vmov s31;
	_ =	strace $0x80000047  }
.LBB2_1:
0x24: {  	[tilespmem:s19], [sflag:$0x3] =	stream.linear.gather [hbm4b:s2+s10], $0x80, $0x38;
	[tilespmem:$0x9900] =	vst v63  }
0x25: {  	_ =	swait.ge [sflag:s20], $0x80  }
0x26: {  	[sflag:s20] =	ssyncset.done $0x0  }
0x27: {  	[sflag:s20] =	ssyncadd.s32 $0xFFFFFF80  }
0x28: {  	[tilespmem:s21], [sflag:$0x3] =	stream.linear.gather [hbm4b:s13+s10], $0x80, $0x38;
	[tilespmem:$0x9900] =	vst v63  }
0x29: {  	_ =	swait.ge [sflag:s20], $0x80  }
0x2a: {  	[sflag:s20] =	ssyncset.done $0x0  }
0x2b: {  	[sflag:s20] =	ssyncadd.s32 $0xFFFFFF80  }
0x2c: {  	v11 =	vld [tilespmem:$0x9800]  }
0x2d: {  	s28 =	simm.s32 $0x0;
	s29 =	simm.s32 $0x200;
	v12 =	vld [tilespmem:$0x9880]  }
.LBB2_2:
0x2e: {  	p0 =	sne.s32 s29, $0x5E00;
	[tilespmem:s28+$0x8070] =	vst v9  }
0x2f: {  	[tilespmem:s28+$0x8000] =	vst v9  }
0x30: {  	[tilespmem:s28+$0x8010] =	vst v9  }
.Ltmp0:
0x31: {  	[tilespmem:s28+$0x8020] =	vst v9;
	(pc) =	sbr.rel @p0 .LBB2_2-.Ltmp0, $4  }
0x32: {  	[tilespmem:s28+$0x8030] =	vst v9  }
0x33: {  	[tilespmem:s28+$0x8040] =	vst v9  }
0x34: {  	[tilespmem:s28+$0x8050] =	vst v9  }
0x35: {  	[tilespmem:s28+$0x8060] =	vst v9;
	s28 =	sshra.s32 s29, $0x2;
	s29 =	sadd.s32 $0x200, s29  }
0x36: {  	[tilespmem:s28+$0x8070] =	vst v9  }
0x37: {  	[tilespmem:s28+$0x8000] =	vst v9  }
0x38: {  	[tilespmem:s28+$0x8010] =	vst v9  }
0x39: {  	[tilespmem:s28+$0x8020] =	vst v9  }
0x3a: {  	[tilespmem:s28+$0x8030] =	vst v9  }
0x3b: {  	[tilespmem:s28+$0x8040] =	vst v9  }
0x3c: {  	[tilespmem:s28+$0x8050] =	vst v9  }
0x3d: {  	[tilespmem:s28+$0x8060] =	vst v9;
	s28 =	simm.s32 $0x0  }
0x3e: {  	[tilespmem:s28], [sflag:$0x1] =	stream.linear.gather [hbm4b:s9+s28], $0x4000, $0x38;
	[tilespmem:$0x9900] =	vst v63  }
0x3f: {  	s29 =	simm.s32 $0x0;
	s30 =	simm.s32 $0x0  }
0x40: {  	[tilespmem:s22], [sflag:$0x2] =	stream.linear.gather [hbm4b:s15+s28], $0x4000, $0x38;
	[tilespmem:$0x9900] =	vst v63  }
0x41: {  	s29 =	sand.u32 $0x3000, s29;
	s28 =	sand.u32 $0xC00, s28;
	_ =	swait.ge [sflag:s23], $0x4000  }
0x42: {  	v12 =	vsub.f32 v12, v11;
	s30 =	sand.u32 $0x380, s30;
	s28 =	sor.u32 s28, s29;
	[sflag:s23] =	ssyncset.done $0x0  }
0x43: {  	s28 =	sor.u32 s30, s28;
	[sflag:s23] =	ssyncadd.s32 $0xFFFFC000  }
0x44: {  	(erf) = vrcp.f32 v12;
	v12 =	vld [tilespmem:s28+$0x70]  }
0x45: {  	v13 =	vld [tilespmem:s28+$0x0]  }
0x46: {  	v14 =	vld [tilespmem:s28+$0x10]  }
0x47: {  	v15 =	vld [tilespmem:s28+$0x20]  }
0x48: {  	v16 =	vld [tilespmem:s28+$0x30]  }
0x49: {  	v18 =	vld [tilespmem:s28+$0x40]  }
0x4a: {  	v19 =	vld [tilespmem:s28+$0x50]  }
0x4b: {  	s29 =	simm.s32 $0x400;
	v20 =	vld [tilespmem:s28+$0x60];
	s28 =	simm.s32 $0x80  }
0x4c: {  	s31 =	simm.s32 $0x20;
	s29 =	sand.u32 $0xC00, s29;
	s28 =	sand.u32 $0x3000, s28  }
0x4d: {  	s30 =	sand.u32 $0x380, s31;
	s28 =	sor.u32 s29, s28  }
0x4e: {  	s28 =	sor.u32 s30, s28;
	v17 =	vsub.f32 v12, v11;
	v13 =	vsub.f32 v13, v11  }
0x4f: {  	v21 =	vld [tilespmem:s28+$0x70];
	v14 =	vsub.f32 v14, v11;
	v15 =	vsub.f32 v15, v11  }
0x50: {  	v22 =	vld [tilespmem:s28+$0x0];
	v16 =	vsub.f32 v16, v11;
	v18 =	vsub.f32 v18, v11;
	v12 =	vpop (erf)  }
0x51: {  	v23 =	vld [tilespmem:s28+$0x10];
	v19 =	vsub.f32 v19, v11;
	v17 =	vmul.f32 v17, v12;
	v13 =	vmul.f32 v13, v12  }
0x52: {  	v24 =	vld [tilespmem:s28+$0x20];
	v20 =	vsub.f32 v20, v11;
	v14 =	vmul.f32 v14, v12;
	v15 =	vmul.f32 v15, v12  }
0x53: {  	v25 =	vld [tilespmem:s28+$0x30];
	v16 =	vmul.f32 v16, v12;
	v18 =	vmul.f32 v18, v12  }
0x54: {  	v26 =	vld [tilespmem:s28+$0x40];
	v19 =	vmul.f32 v19, v12;
	v20 =	vmul.f32 v20, v12;
	v21 =	vsub.f32 v21, v11  }
0x55: {  	v27 =	vld [tilespmem:s28+$0x50];
	v22 =	vsub.f32 v22, v11;
	v17 =	vmul.f32 $2.560000000e+02, v17;
	v13 =	vmul.f32 $2.560000000e+02, v13  }
0x56: {  	v23 =	vsub.f32 v23, v11;
	v14 =	vmul.f32 $2.560000000e+02, v14;
	v15 =	vmul.f32 $2.560000000e+02, v15  }
0x57: {  	v24 =	vsub.f32 v24, v11;
	v16 =	vmul.f32 $2.560000000e+02, v16;
	v18 =	vmul.f32 $2.560000000e+02, v18  }
0x58: {  	v25 =	vsub.f32 v25, v11;
	v19 =	vmul.f32 $2.560000000e+02, v19;
	v20 =	vmul.f32 $2.560000000e+02, v20  }
0x59: {  	v26 =	vsub.f32 v26, v11;
	v21 =	vmul.f32 v21, v12;
	v22 =	vmul.f32 v22, v12  }
0x5a: {  	v27 =	vsub.f32 v27, v11;
	v23 =	vmul.f32 v23, v12;
	v24 =	vmul.f32 v24, v12  }
0x5b: {  	v25 =	vmul.f32 v25, v12;
	v26 =	vmul.f32 v26, v12;
	v17 =	vmin.f32 v17, $2.550000000e+02  }
0x5c: {  	v28 =	vld [tilespmem:s28+$0x60];
	v13 =	vmin.f32 v13, $2.550000000e+02;
	v14 =	vmin.f32 v14, $2.550000000e+02;
	v15 =	vmin.f32 v15, $2.550000000e+02  }
0x5d: {  	v16 =	vmin.f32 v16, $2.550000000e+02;
	v17 =	vtrunc.f32 v17;
	v13 =	vtrunc.f32 v13  }
0x5e: {  	v18 =	vmin.f32 v18, $2.550000000e+02;
	v14 =	vtrunc.f32 v14;
	v15 =	vtrunc.f32 v15  }
0x5f: {  	v19 =	vmin.f32 v19, $2.550000000e+02;
	v16 =	vtrunc.f32 v16;
	v18 =	vtrunc.f32 v18  }
0x60: {  	v20 =	vmin.f32 v20, $2.550000000e+02;
	v19 =	vtrunc.f32 v19;
	v17 =	vcvt.f32.s32 v17  }
0x61: {  	v28 =	vsub.f32 v28, v11;
	v20 =	vtrunc.f32 v20;
	v13 =	vcvt.f32.s32 v13  }
0x62: {  	s29 =	simm.s32 $0x100;
	s28 =	simm.s32 $0x800;
	v21 =	vmul.f32 $2.560000000e+02, v21;
	v14 =	vcvt.f32.s32 v14;
	v17 =	vadd.s32 v17, v0  }
0x63: {  	s31 =	simm.s32 $0x40;
	s29 =	sand.u32 $0x3000, s29;
	s1 =	sand.u32 $0xC00, s28;
	v15 =	vcvt.f32.s32 v15;
	v16 =	vcvt.f32.s32 v16;
	v13 =	vadd.s32 v13, v0  }
0x64: {  	s31 =	sand.u32 $0x380, s31;
	s29 =	sor.u32 s1, s29;
	v18 =	vcvt.f32.s32 v18;
	v21 =	vmin.f32 v21, $2.550000000e+02;
	v14 =	vadd.s32 v14, v0  }
0x65: {  	s29 =	sor.u32 s31, s29;
	v19 =	vcvt.f32.s32 v19;
	v15 =	vadd.s32 v15, v0;
	v21 =	vtrunc.f32 v21  }
0x66: {  	v29 =	vld [tilespmem:s29+$0x30];
	v20 =	vcvt.f32.s32 v20;
	v16 =	vadd.s32 v16, v0;
	v21 =	vcvt.f32.s32 v21  }
0x67: {  	[tilespmem:v17+s24+$0x0] =	vst.idx.add.f32.msk $0xffff, v10;
	v17 =	vmul.f32 $2.560000000e+02, v22;
	v22 =	vmul.f32 v27, v12  }
0x68: {  	v21 =	vadd.s32 v21, v0;
	[tilespmem:v13+s24+$0x0] =	vst.idx.add.f32.msk $0xffff, v10;
	v13 =	vmul.f32 $2.560000000e+02, v23;
	v23 =	vmul.f32 v28, v12  }
0x69: {  	v18 =	vadd.s32 v18, v0;
	[tilespmem:v14+s24+$0x0] =	vst.idx.add.f32.msk $0xffff, v10;
	v14 =	vmul.f32 $2.560000000e+02, v24;
	v24 =	vmul.f32 $2.560000000e+02, v25  }
0x6a: {  	[tilespmem:v15+s24+$0x0] =	vst.idx.add.f32.msk $0xffff, v10;
	v15 =	vmin.f32 v17, $2.550000000e+02;
	v13 =	vmin.f32 v13, $2.550000000e+02;
	v17 =	vmul.f32 $2.560000000e+02, v26  }
0x6b: {  	[tilespmem:v16+s24+$0x0] =	vst.idx.add.f32.msk $0xffff, v10;
	v16 =	vmul.f32 $2.560000000e+02, v22;
	v14 =	vmin.f32 v14, $2.550000000e+02;
	v23 =	vmul.f32 $2.560000000e+02, v23  }
0x6c: {  	v22 =	vmin.f32 v24, $2.550000000e+02;
	v24 =	vld [tilespmem:s29+$0x70];
	v15 =	vtrunc.f32 v15;
	v13 =	vtrunc.f32 v13  }
0x6d: {  	v25 =	vtrunc.f32 v14;
	[tilespmem:v21+s24+$0x0] =	vst.idx.add.f32.msk $0xffff, v10;
	v22 =	vtrunc.f32 v22;
	v17 =	vmin.f32 v17, $2.550000000e+02  }
0x6e: {  	v21 =	vld [tilespmem:s29+$0x0];
	v16 =	vmin.f32 v16, $2.550000000e+02;
	v14 =	vmin.f32 v23, $2.550000000e+02;
	v15 =	vcvt.f32.s32 v15  }
0x6f: {  	v23 =	vadd.s32 v19, v0;
	v19 =	vld [tilespmem:s29+$0x10];
	v62 =	vcvt.f32.s32 v13;
	v17 =	vtrunc.f32 v17  }
0x70: {  	v30 =	vld [tilespmem:s29+$0x40];
	v26 =	vtrunc.f32 v16;
	v27 =	vtrunc.f32 v14;
	v14 =	vadd.s32 v20, v0  }
0x71: {  	v20 =	vld [tilespmem:s29+$0x20];
	v31 =	vadd.s32 v15, v0;
	v16 =	vcvt.f32.s32 v17;
	v13 =	vsub.f32 v24, v11  }
0x72: {  	v15 =	vcvt.f32.s32 v26;
	v28 =	vadd.s32 v62, v0;
	v24 =	vcvt.f32.s32 v25  }
0x73: {  	v26 =	vld [tilespmem:s29+$0x50];
	v25 =	vcvt.f32.s32 v22;
	v21 =	vsub.f32 v21, v11;
	v32 =	vmul.f32 v13, v12  }
0x74: {  	v13 =	vcvt.f32.s32 v27;
	v19 =	vsub.f32 v19, v11;
	v27 =	vld [tilespmem:s29+$0x60];
	v17 =	vadd.s32 v24, v0  }
0x75: {  	[tilespmem:v18+s24+$0x0] =	vst.idx.add.f32.msk $0xffff, v10;
	v18 =	vadd.s32 v25, v0;
	v25 =	vsub.f32 v30, v11;
	v24 =	vmul.f32 $2.560000000e+02, v32  }
0x76: {  	v29 =	vsub.f32 v29, v11;
	v22 =	vmul.f32 v21, v12;
	v21 =	vsub.f32 v20, v11  }
0x77: {  	[tilespmem:v23+s24+$0x0] =	vst.idx.add.f32.msk $0xffff, v10;
	v20 =	vmul.f32 v19, v12;
	v23 =	vmul.f32 v25, v12;
	v63 =	vmin.f32 v24, $2.550000000e+02  }
0x78: {  	[tilespmem:v31+s24+$0x0] =	vst.idx.add.f32.msk $0xffff, v10;
	v19 =	vmul.f32 v21, v12;
	v24 =	vsub.f32 v26, v11;
	v26 =	vtrunc.f32 v63  }
0x79: {  	s29 =	simm.s32 $0x10;
	[tilespmem:v28+s24+$0x0] =	vst.idx.add.f32.msk $0xffff, v10;
	v21 =	vmul.f32 v29, v12;
	v25 =	vsub.f32 v27, v11;
	v26 =	vcvt.f32.s32 v26  }
.LBB2_4:
0x7a: {  	s29 =	sadd.s32 $0x8, s29;
	v22 =	vmul.f32 $2.560000000e+02, v22;
	v24 =	vmul.f32 v24, v12;
	[tilespmem:v17+s24+$0x0] =	vst.idx.add.f32.msk $0xffff, v10;
	v27 =	vadd.s32 v16, v0  }
0x7b: {  	v16 =	vmul.f32 $2.560000000e+02, v20;
	s28 =	sadd.s32 $0x400, s28;
	s30 =	sshll.u32 s29, $0x4;
	p0 =	slt.u32 s29, $0x3F8;
	v17 =	vmul.f32 v25, v12;
	v20 =	vadd.s32 v26, v0;
	[tilespmem:v18+s24+$0x0] =	vst.idx.add.f32.msk $0xffff, v10  }
0x7c: {  	v19 =	vmul.f32 $2.560000000e+02, v19;
	v21 =	vmul.f32 $2.560000000e+02, v21;
	s31 =	sand.u32 $0xC00, s28;
	s1 =	sshll.u32 s29, $0x2;
	s30 =	sand.u32 $0x3000, s30;
	v18 =	vmin.f32 v22, $2.550000000e+02;
	[tilespmem:v14+s24+$0x0] =	vst.idx.add.f32.msk $0xffff, v10  }
0x7d: {  	s1 =	sand.u32 $0x380, s1;
	v14 =	vmin.f32 v16, $2.550000000e+02;
	v16 =	vmul.f32 $2.560000000e+02, v23;
	v22 =	vmul.f32 $2.560000000e+02, v24;
	s30 =	sor.u32 s31, s30  }
0x7e: {  	v19 =	vmin.f32 v19, $2.550000000e+02;
	v21 =	vmin.f32 v21, $2.550000000e+02;
	v17 =	vmul.f32 $2.560000000e+02, v17;
	s1 =	sor.u32 s1, s30  }
0x7f: {  	v18 =	vtrunc.f32 v18;
	v16 =	vmin.f32 v16, $2.550000000e+02;
	v22 =	vmin.f32 v22, $2.550000000e+02;
	v23 =	vld [tilespmem:s1+$0x70]  }
0x80: {  	v24 =	vtrunc.f32 v14;
	v19 =	vtrunc.f32 v19;
	v14 =	vmin.f32 v17, $2.550000000e+02;
	[tilespmem:v20+s24+$0x0] =	vst.idx.add.f32.msk $0xffff, v10  }
0x81: {  	v25 =	vadd.s32 v15, v0;
	v16 =	vtrunc.f32 v16;
	v20 =	vtrunc.f32 v21;
	v17 =	vld [tilespmem:s1+$0x0]  }
0x82: {  	v15 =	vtrunc.f32 v22;
	v22 =	vtrunc.f32 v14;
	v14 =	vadd.s32 v13, v0;
	v21 =	vld [tilespmem:s1+$0x10]  }
0x83: {  	v13 =	vcvt.f32.s32 v18;
	v18 =	vcvt.f32.s32 v24;
	v26 =	vld [tilespmem:s1+$0x20]  }
0x84: {  	v19 =	vcvt.f32.s32 v19;
	v28 =	vcvt.f32.s32 v20;
	v24 =	vld [tilespmem:s1+$0x30];
	v23 =	vsub.f32 v23, v11  }
0x85: {  	v16 =	vcvt.f32.s32 v16;
	v15 =	vcvt.f32.s32 v15;
	v30 =	vadd.s32 v13, v0;
	v29 =	vld [tilespmem:s1+$0x40]  }
0x86: {  	v13 =	vcvt.f32.s32 v22;
	v20 =	vsub.f32 v17, v11;
	v31 =	vld [tilespmem:s1+$0x50];
	v23 =	vmul.f32 v23, v12  }
0x87: {  	v33 =	vadd.s32 v18, v0;
	v17 =	vadd.s32 v19, v0;
	v21 =	vsub.f32 v21, v11;
	v32 =	vld [tilespmem:s1+$0x60]  }
.Ltmp1:
0x88: {  	v22 =	vmul.f32 v20, v12;
	v19 =	vsub.f32 v26, v11;
	v23 =	vmul.f32 $2.560000000e+02, v23;
	[tilespmem:v27+s24+$0x0] =	vst.idx.add.f32.msk $0xffff, v10;
	(pc) =	sbr.rel @p0 .LBB2_4-.Ltmp1, $4  }
0x89: {  	v18 =	vadd.s32 v28, v0;
	v20 =	vmul.f32 v21, v12;
	v21 =	vsub.f32 v24, v11  }
0x8a: {  	v19 =	vmul.f32 v19, v12;
	v26 =	vsub.f32 v29, v11;
	v23 =	vmin.f32 v23, $2.550000000e+02;
	[tilespmem:v30+s24+$0x0] =	vst.idx.add.f32.msk $0xffff, v10  }
0x8b: {  	v21 =	vmul.f32 v21, v12;
	v24 =	vsub.f32 v31, v11;
	v27 =	vtrunc.f32 v23;
	[tilespmem:v25+s24+$0x0] =	vst.idx.add.f32.msk $0xffff, v10  }
0x8c: {  	v23 =	vmul.f32 v26, v12;
	v25 =	vsub.f32 v32, v11;
	v26 =	vcvt.f32.s32 v27;
	[tilespmem:v33+s24+$0x0] =	vst.idx.add.f32.msk $0xffff, v10  }
0x8d: {  	v22 =	vmul.f32 $2.560000000e+02, v22  }
0x8e: {  	v24 =	vmul.f32 v24, v12;
	v16 =	vadd.s32 v16, v0;
	v20 =	vmul.f32 $2.560000000e+02, v20  }
0x8f: {  	v19 =	vmul.f32 $2.560000000e+02, v19;
	v21 =	vmul.f32 $2.560000000e+02, v21;
	v15 =	vadd.s32 v15, v0  }
0x90: {  	v13 =	vadd.s32 v13, v0;
	v25 =	vmul.f32 v25, v12;
	v23 =	vmul.f32 $2.560000000e+02, v23  }
0x91: {  	v22 =	vmin.f32 v22, $2.550000000e+02;
	v20 =	vmin.f32 v20, $2.550000000e+02;
	v24 =	vmul.f32 $2.560000000e+02, v24  }
0x92: {  	v19 =	vmin.f32 v19, $2.550000000e+02;
	v22 =	vtrunc.f32 v22;
	v25 =	vmul.f32 $2.560000000e+02, v25  }
0x93: {  	[tilespmem:v17+s24+$0x0] =	vst.idx.add.f32.msk $0xffff, v10;
	v21 =	vmin.f32 v21, $2.550000000e+02;
	v20 =	vtrunc.f32 v20;
	v17 =	vtrunc.f32 v19  }
0x94: {  	[tilespmem:v18+s24+$0x0] =	vst.idx.add.f32.msk $0xffff, v10;
	v26 =	vadd.s32 v26, v0;
	v18 =	vtrunc.f32 v21;
	v22 =	vcvt.f32.s32 v22  }
0x95: {  	v23 =	vmin.f32 v23, $2.550000000e+02;
	v19 =	vcvt.f32.s32 v20;
	v17 =	vcvt.f32.s32 v17  }
0x96: {  	[tilespmem:v14+s24+$0x0] =	vst.idx.add.f32.msk $0xffff, v10;
	v14 =	vmin.f32 v24, $2.550000000e+02;
	v18 =	vcvt.f32.s32 v18;
	v20 =	vadd.s32 v22, v0  }
0x97: {  	v21 =	vmin.f32 v25, $2.550000000e+02;
	v14 =	vtrunc.f32 v14;
	[tilespmem:v16+s24+$0x0] =	vst.idx.add.f32.msk $0xffff, v10;
	v17 =	vadd.s32 v17, v0  }
0x98: {  	[tilespmem:v15+s24+$0x0] =	vst.idx.add.f32.msk $0xffff, v10;
	v19 =	vadd.s32 v19, v0;
	v22 =	vtrunc.f32 v23;
	v14 =	vcvt.f32.s32 v14  }
0x99: {  	[tilespmem:v13+s24+$0x0] =	vst.idx.add.f32.msk $0xffff, v10;
	v16 =	vadd.s32 v18, v0;
	v18 =	vtrunc.f32 v21;
	v22 =	vcvt.f32.s32 v22  }
0x9a: {  	[tilespmem:v26+s24+$0x0] =	vst.idx.add.f32.msk $0xffff, v10;
	v18 =	vcvt.f32.s32 v18;
	v14 =	vadd.s32 v14, v0  }
0x9b: {  	v15 =	vadd.s32 v22, v0;
	[tilespmem:v20+s24+$0x0] =	vst.idx.add.f32.msk $0xffff, v10  }
0x9c: {  	[tilespmem:v17+s24+$0x0] =	vst.idx.add.f32.msk $0xffff, v10;
	v17 =	vadd.s32 v18, v0  }
0x9d: {  	[tilespmem:v19+s24+$0x0] =	vst.idx.add.f32.msk $0xffff, v10  }
0x9e: {  	[tilespmem:v16+s24+$0x0] =	vst.idx.add.f32.msk $0xffff, v10  }
0x9f: {  	[tilespmem:v14+s24+$0x0] =	vst.idx.add.f32.msk $0xffff, v10  }
0xa0: {  	[tilespmem:v15+s24+$0x0] =	vst.idx.add.f32.msk $0xffff, v10  }
0xa1: {  	s1 =	simm.s32 $0x0;
	s28 =	simm.s32 $0x0;
	s29 =	simm.s32 $0x0;
	[tilespmem:v17+s24+$0x0] =	vst.idx.add.f32.msk $0xffff, v10  }
0xa2: {  	[tilespmem:s1], [sflag:$0x1] =	stream.linear.gather [hbm4b:s16+s1], $0x4000, $0x38;
	[tilespmem:$0x9900] =	vst v63  }
0xa3: {  	s28 =	sand.u32 $0x3000, s28;
	s1 =	sand.u32 $0xC00, s1;
	_ =	swait.ge [sflag:s25], $0x4000  }
0xa4: {  	s29 =	sand.u32 $0x380, s29;
	s1 =	sor.u32 s1, s28;
	[sflag:s25] =	ssyncset.done $0x0  }
0xa5: {  	s1 =	sor.u32 s29, s1;
	[sflag:s25] =	ssyncadd.s32 $0xFFFFC000  }
0xa6: {  	v13 =	vld [tilespmem:s1+$0x4070]  }
0xa7: {  	v14 =	vld [tilespmem:s1+$0x4000]  }
0xa8: {  	v15 =	vld [tilespmem:s1+$0x4010]  }
0xa9: {  	v16 =	vld [tilespmem:s1+$0x4020]  }
0xaa: {  	v17 =	vld [tilespmem:s1+$0x4030]  }
0xab: {  	v18 =	vld [tilespmem:s1+$0x4040]  }
0xac: {  	s30 =	simm.s32 $0x80;
	s28 =	simm.s32 $0x400;
	v19 =	vld [tilespmem:s1+$0x4050]  }
0xad: {  	s28 =	sand.u32 $0xC00, s28;
	s29 =	simm.s32 $0x20;
	v20 =	vld [tilespmem:s1+$0x4060];
	s1 =	sand.u32 $0x3000, s30  }
0xae: {  	s29 =	sand.u32 $0x380, s29;
	s1 =	sor.u32 s28, s1  }
0xaf: {  	s1 =	sor.u32 s29, s1;
	v13 =	vsub.f32 v13, v11;
	v14 =	vsub.f32 v14, v11  }
0xb0: {  	v21 =	vld [tilespmem:s1+$0x4070];
	v15 =	vsub.f32 v15, v11;
	v16 =	vsub.f32 v16, v11  }
0xb1: {  	v22 =	vld [tilespmem:s1+$0x4000];
	v17 =	vsub.f32 v17, v11;
	v18 =	vsub.f32 v18, v11  }
0xb2: {  	v23 =	vld [tilespmem:s1+$0x4010];
	v19 =	vsub.f32 v19, v11;
	v13 =	vmul.f32 v13, v12;
	v14 =	vmul.f32 v14, v12  }
0xb3: {  	v24 =	vld [tilespmem:s1+$0x4020];
	v20 =	vsub.f32 v20, v11;
	v15 =	vmul.f32 v15, v12;
	v16 =	vmul.f32 v16, v12  }
0xb4: {  	v25 =	vld [tilespmem:s1+$0x4030];
	v17 =	vmul.f32 v17, v12;
	v18 =	vmul.f32 v18, v12  }
0xb5: {  	v26 =	vld [tilespmem:s1+$0x4040];
	v19 =	vmul.f32 v19, v12;
	v20 =	vmul.f32 v20, v12;
	v21 =	vsub.f32 v21, v11  }
0xb6: {  	v27 =	vld [tilespmem:s1+$0x4050];
	v22 =	vsub.f32 v22, v11;
	v13 =	vmul.f32 $2.560000000e+02, v13;
	v14 =	vmul.f32 $2.560000000e+02, v14  }
0xb7: {  	v23 =	vsub.f32 v23, v11;
	v15 =	vmul.f32 $2.560000000e+02, v15;
	v16 =	vmul.f32 $2.560000000e+02, v16  }
0xb8: {  	v24 =	vsub.f32 v24, v11;
	v17 =	vmul.f32 $2.560000000e+02, v17;
	v18 =	vmul.f32 $2.560000000e+02, v18  }
0xb9: {  	v25 =	vsub.f32 v25, v11;
	v19 =	vmul.f32 $2.560000000e+02, v19;
	v20 =	vmul.f32 $2.560000000e+02, v20  }
0xba: {  	v26 =	vsub.f32 v26, v11;
	v21 =	vmul.f32 v21, v12;
	v22 =	vmul.f32 v22, v12  }
0xbb: {  	v27 =	vsub.f32 v27, v11;
	v23 =	vmul.f32 v23, v12;
	v24 =	vmul.f32 v24, v12  }
0xbc: {  	v25 =	vmul.f32 v25, v12;
	v26 =	vmul.f32 v26, v12;
	v13 =	vmin.f32 v13, $2.550000000e+02  }
0xbd: {  	v28 =	vld [tilespmem:s1+$0x4060];
	v14 =	vmin.f32 v14, $2.550000000e+02;
	v15 =	vmin.f32 v15, $2.550000000e+02;
	v16 =	vmin.f32 v16, $2.550000000e+02  }
0xbe: {  	v17 =	vmin.f32 v17, $2.550000000e+02;
	v13 =	vtrunc.f32 v13;
	v14 =	vtrunc.f32 v14  }
0xbf: {  	v18 =	vmin.f32 v18, $2.550000000e+02;
	v15 =	vtrunc.f32 v15;
	v16 =	vtrunc.f32 v16  }
0xc0: {  	v19 =	vmin.f32 v19, $2.550000000e+02;
	v17 =	vtrunc.f32 v17;
	v18 =	vtrunc.f32 v18  }
0xc1: {  	v20 =	vmin.f32 v20, $2.550000000e+02;
	v19 =	vtrunc.f32 v19;
	v13 =	vcvt.f32.s32 v13  }
0xc2: {  	v28 =	vsub.f32 v28, v11;
	v20 =	vtrunc.f32 v20;
	v14 =	vcvt.f32.s32 v14  }
0xc3: {  	s31 =	simm.s32 $0x100;
	s28 =	simm.s32 $0x800;
	v21 =	vmul.f32 $2.560000000e+02, v21;
	v15 =	vcvt.f32.s32 v15;
	v13 =	vadd.s32 v13, v0  }
0xc4: {  	s30 =	simm.s32 $0x40;
	s29 =	sand.u32 $0xC00, s28;
	s1 =	sand.u32 $0x3000, s31;
	v16 =	vcvt.f32.s32 v16;
	v17 =	vcvt.f32.s32 v17;
	v14 =	vadd.s32 v14, v0  }
0xc5: {  	s30 =	sand.u32 $0x380, s30;
	s1 =	sor.u32 s29, s1;
	v18 =	vcvt.f32.s32 v18;
	v21 =	vmin.f32 v21, $2.550000000e+02;
	v15 =	vadd.s32 v15, v0  }
0xc6: {  	s1 =	sor.u32 s30, s1;
	v19 =	vcvt.f32.s32 v19;
	v16 =	vadd.s32 v16, v0;
	v21 =	vtrunc.f32 v21  }
0xc7: {  	v30 =	vld [tilespmem:s1+$0x4040];
	v20 =	vcvt.f32.s32 v20;
	v17 =	vadd.s32 v17, v0;
	v21 =	vcvt.f32.s32 v21  }
0xc8: {  	[tilespmem:v13+s24+$0x0] =	vst.idx.add.f32.msk $0xffff, v10;
	v13 =	vmul.f32 $2.560000000e+02, v22;
	v22 =	vmul.f32 v27, v12  }
0xc9: {  	v18 =	vadd.s32 v18, v0;
	[tilespmem:v14+s24+$0x0] =	vst.idx.add.f32.msk $0xffff, v10;
	v14 =	vmul.f32 $2.560000000e+02, v23;
	v23 =	vmul.f32 v28, v12  }
0xca: {  	v21 =	vadd.s32 v21, v0;
	[tilespmem:v15+s24+$0x0] =	vst.idx.add.f32.msk $0xffff, v10;
	v15 =	vmul.f32 $2.560000000e+02, v24;
	v24 =	vmul.f32 $2.560000000e+02, v25  }
0xcb: {  	[tilespmem:v16+s24+$0x0] =	vst.idx.add.f32.msk $0xffff, v10;
	v16 =	vmul.f32 $2.560000000e+02, v26;
	v13 =	vmin.f32 v13, $2.550000000e+02;
	v14 =	vmin.f32 v14, $2.550000000e+02  }
0xcc: {  	[tilespmem:v17+s24+$0x0] =	vst.idx.add.f32.msk $0xffff, v10;
	v17 =	vmul.f32 $2.560000000e+02, v22;
	v15 =	vmin.f32 v15, $2.550000000e+02;
	v23 =	vmul.f32 $2.560000000e+02, v23  }
0xcd: {  	v22 =	vmin.f32 v24, $2.550000000e+02;
	v24 =	vld [tilespmem:s1+$0x4070];
	v13 =	vtrunc.f32 v13;
	v25 =	vtrunc.f32 v14  }
0xce: {  	v27 =	vld [tilespmem:s1+$0x4030];
	v16 =	vmin.f32 v16, $2.550000000e+02;
	v15 =	vtrunc.f32 v15;
	v22 =	vtrunc.f32 v22  }
0xcf: {  	[tilespmem:v21+s24+$0x0] =	vst.idx.add.f32.msk $0xffff, v10;
	v16 =	vtrunc.f32 v16;
	v17 =	vmin.f32 v17, $2.550000000e+02;
	v13 =	vcvt.f32.s32 v13  }
0xd0: {  	v21 =	vld [tilespmem:s1+$0x4000];
	v14 =	vmin.f32 v23, $2.550000000e+02;
	v25 =	vcvt.f32.s32 v25;
	v62 =	vcvt.f32.s32 v15  }
0xd1: {  	v23 =	vadd.s32 v19, v0;
	v19 =	vld [tilespmem:s1+$0x4010];
	v29 =	vcvt.f32.s32 v22;
	v17 =	vtrunc.f32 v17  }
0xd2: {  	v26 =	vtrunc.f32 v14;
	v14 =	vadd.s32 v20, v0;
	v20 =	vld [tilespmem:s1+$0x4020];
	v24 =	vsub.f32 v24, v11  }
0xd3: {  	v16 =	vcvt.f32.s32 v16;
	v31 =	vadd.s32 v13, v0;
	v15 =	vcvt.f32.s32 v17  }
0xd4: {  	v32 =	vld [tilespmem:s1+$0x4050];
	v13 =	vcvt.f32.s32 v26;
	v33 =	vadd.s32 v25, v0;
	v24 =	vmul.f32 v24, v12  }
0xd5: {  	v26 =	vld [tilespmem:s1+$0x4060];
	v17 =	vadd.s32 v62, v0;
	v25 =	vsub.f32 v27, v11;
	v21 =	vsub.f32 v21, v11  }
0xd6: {  	[tilespmem:v18+s24+$0x0] =	vst.idx.add.f32.msk $0xffff, v10;
	v27 =	vsub.f32 v30, v11;
	v19 =	vsub.f32 v19, v11;
	v24 =	vmul.f32 $2.560000000e+02, v24  }
0xd7: {  	v18 =	vadd.s32 v29, v0;
	v22 =	vmul.f32 v21, v12;
	v21 =	vsub.f32 v20, v11  }
0xd8: {  	[tilespmem:v23+s24+$0x0] =	vst.idx.add.f32.msk $0xffff, v10;
	v23 =	vmul.f32 v27, v12;
	v20 =	vmul.f32 v19, v12;
	v63 =	vmin.f32 v24, $2.550000000e+02  }
0xd9: {  	[tilespmem:v31+s24+$0x0] =	vst.idx.add.f32.msk $0xffff, v10;
	v19 =	vmul.f32 v21, v12;
	v24 =	vsub.f32 v32, v11;
	v28 =	vtrunc.f32 v63  }
0xda: {  	s29 =	simm.s32 $0x10;
	[tilespmem:v33+s24+$0x0] =	vst.idx.add.f32.msk $0xffff, v10;
	v21 =	vmul.f32 v25, v12;
	v25 =	vsub.f32 v26, v11;
	v26 =	vcvt.f32.s32 v28  }
.LBB2_6:
0xdb: {  	s29 =	sadd.s32 $0x8, s29;
	v22 =	vmul.f32 $2.560000000e+02, v22;
	v24 =	vmul.f32 v24, v12;
	[tilespmem:v17+s24+$0x0] =	vst.idx.add.f32.msk $0xffff, v10;
	v27 =	vadd.s32 v16, v0  }
0xdc: {  	v16 =	vmul.f32 $2.560000000e+02, v20;
	s28 =	sadd.s32 $0x400, s28;
	s1 =	sshll.u32 s29, $0x4;
	p0 =	slt.u32 s29, $0x3F8;
	v17 =	vmul.f32 v25, v12;
	v20 =	vadd.s32 v26, v0;
	[tilespmem:v18+s24+$0x0] =	vst.idx.add.f32.msk $0xffff, v10  }
0xdd: {  	v19 =	vmul.f32 $2.560000000e+02, v19;
	v21 =	vmul.f32 $2.560000000e+02, v21;
	s30 =	sand.u32 $0xC00, s28;
	s31 =	sshll.u32 s29, $0x2;
	s1 =	sand.u32 $0x3000, s1;
	v18 =	vmin.f32 v22, $2.550000000e+02;
	[tilespmem:v14+s24+$0x0] =	vst.idx.add.f32.msk $0xffff, v10  }
0xde: {  	s31 =	sand.u32 $0x380, s31;
	v14 =	vmin.f32 v16, $2.550000000e+02;
	v16 =	vmul.f32 $2.560000000e+02, v23;
	v22 =	vmul.f32 $2.560000000e+02, v24;
	s1 =	sor.u32 s30, s1  }
0xdf: {  	v19 =	vmin.f32 v19, $2.550000000e+02;
	v21 =	vmin.f32 v21, $2.550000000e+02;
	v17 =	vmul.f32 $2.560000000e+02, v17;
	s1 =	sor.u32 s31, s1  }
0xe0: {  	v18 =	vtrunc.f32 v18;
	v16 =	vmin.f32 v16, $2.550000000e+02;
	v22 =	vmin.f32 v22, $2.550000000e+02;
	v23 =	vld [tilespmem:s1+$0x4070]  }
0xe1: {  	v24 =	vtrunc.f32 v14;
	v19 =	vtrunc.f32 v19;
	v14 =	vmin.f32 v17, $2.550000000e+02;
	[tilespmem:v20+s24+$0x0] =	vst.idx.add.f32.msk $0xffff, v10  }
0xe2: {  	v25 =	vadd.s32 v15, v0;
	v16 =	vtrunc.f32 v16;
	v20 =	vtrunc.f32 v21;
	v17 =	vld [tilespmem:s1+$0x4000]  }
0xe3: {  	v15 =	vtrunc.f32 v22;
	v22 =	vtrunc.f32 v14;
	v14 =	vadd.s32 v13, v0;
	v21 =	vld [tilespmem:s1+$0x4010]  }
0xe4: {  	v13 =	vcvt.f32.s32 v18;
	v18 =	vcvt.f32.s32 v24;
	v26 =	vld [tilespmem:s1+$0x4020]  }
0xe5: {  	v19 =	vcvt.f32.s32 v19;
	v28 =	vcvt.f32.s32 v20;
	v24 =	vld [tilespmem:s1+$0x4030];
	v23 =	vsub.f32 v23, v11  }
0xe6: {  	v16 =	vcvt.f32.s32 v16;
	v15 =	vcvt.f32.s32 v15;
	v30 =	vadd.s32 v13, v0;
	v29 =	vld [tilespmem:s1+$0x4040]  }
0xe7: {  	v13 =	vcvt.f32.s32 v22;
	v20 =	vsub.f32 v17, v11;
	v31 =	vld [tilespmem:s1+$0x4050];
	v23 =	vmul.f32 v23, v12  }
0xe8: {  	v33 =	vadd.s32 v18, v0;
	v17 =	vadd.s32 v19, v0;
	v21 =	vsub.f32 v21, v11;
	v32 =	vld [tilespmem:s1+$0x4060]  }
.Ltmp2:
0xe9: {  	v22 =	vmul.f32 v20, v12;
	v19 =	vsub.f32 v26, v11;
	v23 =	vmul.f32 $2.560000000e+02, v23;
	[tilespmem:v27+s24+$0x0] =	vst.idx.add.f32.msk $0xffff, v10;
	(pc) =	sbr.rel @p0 .LBB2_6-.Ltmp2, $4  }
0xea: {  	v18 =	vadd.s32 v28, v0;
	v20 =	vmul.f32 v21, v12;
	v21 =	vsub.f32 v24, v11  }
0xeb: {  	v19 =	vmul.f32 v19, v12;
	v26 =	vsub.f32 v29, v11;
	v23 =	vmin.f32 v23, $2.550000000e+02;
	[tilespmem:v30+s24+$0x0] =	vst.idx.add.f32.msk $0xffff, v10  }
0xec: {  	v21 =	vmul.f32 v21, v12;
	v24 =	vsub.f32 v31, v11;
	v27 =	vtrunc.f32 v23;
	[tilespmem:v25+s24+$0x0] =	vst.idx.add.f32.msk $0xffff, v10  }
0xed: {  	v23 =	vmul.f32 v26, v12;
	v25 =	vsub.f32 v32, v11;
	v26 =	vcvt.f32.s32 v27;
	[tilespmem:v33+s24+$0x0] =	vst.idx.add.f32.msk $0xffff, v10  }
0xee: {  	v22 =	vmul.f32 $2.560000000e+02, v22  }
0xef: {  	v24 =	vmul.f32 v24, v12;
	v16 =	vadd.s32 v16, v0;
	v20 =	vmul.f32 $2.560000000e+02, v20  }
0xf0: {  	v19 =	vmul.f32 $2.560000000e+02, v19;
	v21 =	vmul.f32 $2.560000000e+02, v21;
	v15 =	vadd.s32 v15, v0  }
0xf1: {  	v13 =	vadd.s32 v13, v0;
	v25 =	vmul.f32 v25, v12;
	v23 =	vmul.f32 $2.560000000e+02, v23  }
0xf2: {  	v22 =	vmin.f32 v22, $2.550000000e+02;
	v20 =	vmin.f32 v20, $2.550000000e+02;
	v24 =	vmul.f32 $2.560000000e+02, v24  }
0xf3: {  	v19 =	vmin.f32 v19, $2.550000000e+02;
	v22 =	vtrunc.f32 v22;
	v25 =	vmul.f32 $2.560000000e+02, v25  }
0xf4: {  	[tilespmem:v17+s24+$0x0] =	vst.idx.add.f32.msk $0xffff, v10;
	v21 =	vmin.f32 v21, $2.550000000e+02;
	v20 =	vtrunc.f32 v20;
	v17 =	vtrunc.f32 v19  }
0xf5: {  	[tilespmem:v18+s24+$0x0] =	vst.idx.add.f32.msk $0xffff, v10;
	v26 =	vadd.s32 v26, v0;
	v18 =	vtrunc.f32 v21;
	v22 =	vcvt.f32.s32 v22  }
0xf6: {  	v23 =	vmin.f32 v23, $2.550000000e+02;
	v19 =	vcvt.f32.s32 v20;
	v17 =	vcvt.f32.s32 v17  }
0xf7: {  	[tilespmem:v14+s24+$0x0] =	vst.idx.add.f32.msk $0xffff, v10;
	v14 =	vmin.f32 v24, $2.550000000e+02;
	v18 =	vcvt.f32.s32 v18;
	v20 =	vadd.s32 v22, v0  }
0xf8: {  	v21 =	vmin.f32 v25, $2.550000000e+02;
	v14 =	vtrunc.f32 v14;
	[tilespmem:v16+s24+$0x0] =	vst.idx.add.f32.msk $0xffff, v10;
	v17 =	vadd.s32 v17, v0  }
0xf9: {  	[tilespmem:v15+s24+$0x0] =	vst.idx.add.f32.msk $0xffff, v10;
	v19 =	vadd.s32 v19, v0;
	v22 =	vtrunc.f32 v23;
	v14 =	vcvt.f32.s32 v14  }
0xfa: {  	[tilespmem:v13+s24+$0x0] =	vst.idx.add.f32.msk $0xffff, v10;
	v16 =	vadd.s32 v18, v0;
	v18 =	vtrunc.f32 v21;
	v22 =	vcvt.f32.s32 v22  }
0xfb: {  	[tilespmem:v26+s24+$0x0] =	vst.idx.add.f32.msk $0xffff, v10;
	v18 =	vcvt.f32.s32 v18;
	v14 =	vadd.s32 v14, v0  }
0xfc: {  	v15 =	vadd.s32 v22, v0;
	[tilespmem:v20+s24+$0x0] =	vst.idx.add.f32.msk $0xffff, v10  }
0xfd: {  	[tilespmem:v17+s24+$0x0] =	vst.idx.add.f32.msk $0xffff, v10;
	v17 =	vadd.s32 v18, v0  }
0xfe: {  	[tilespmem:v19+s24+$0x0] =	vst.idx.add.f32.msk $0xffff, v10  }
0xff: {  	[tilespmem:v16+s24+$0x0] =	vst.idx.add.f32.msk $0xffff, v10  }
0x100: {  	[tilespmem:v14+s24+$0x0] =	vst.idx.add.f32.msk $0xffff, v10  }
0x101: {  	[tilespmem:v15+s24+$0x0] =	vst.idx.add.f32.msk $0xffff, v10  }
0x102: {  	s1 =	simm.s32 $0x0;
	s28 =	simm.s32 $0x0;
	s29 =	simm.s32 $0x0;
	[tilespmem:v17+s24+$0x0] =	vst.idx.add.f32.msk $0xffff, v10  }
0x103: {  	[tilespmem:s22], [sflag:$0x2] =	stream.linear.gather [hbm4b:s17+s1], $0x4000, $0x38;
	[tilespmem:$0x9900] =	vst v63  }
0x104: {  	s28 =	sand.u32 $0x3000, s28;
	s1 =	sand.u32 $0xC00, s1;
	_ =	swait.ge [sflag:s23], $0x4000  }
0x105: {  	s29 =	sand.u32 $0x380, s29;
	s1 =	sor.u32 s1, s28;
	[sflag:s23] =	ssyncset.done $0x0  }
0x106: {  	s1 =	sor.u32 s29, s1;
	[sflag:s23] =	ssyncadd.s32 $0xFFFFC000  }
0x107: {  	v13 =	vld [tilespmem:s1+$0x70]  }
0x108: {  	v14 =	vld [tilespmem:s1+$0x0]  }
0x109: {  	v15 =	vld [tilespmem:s1+$0x10]  }
0x10a: {  	v16 =	vld [tilespmem:s1+$0x20]  }
0x10b: {  	v17 =	vld [tilespmem:s1+$0x30]  }
0x10c: {  	v18 =	vld [tilespmem:s1+$0x40]  }
0x10d: {  	s30 =	simm.s32 $0x80;
	s28 =	simm.s32 $0x400;
	v19 =	vld [tilespmem:s1+$0x50]  }
0x10e: {  	s28 =	sand.u32 $0xC00, s28;
	s29 =	simm.s32 $0x20;
	v20 =	vld [tilespmem:s1+$0x60];
	s1 =	sand.u32 $0x3000, s30  }
0x10f: {  	s29 =	sand.u32 $0x380, s29;
	s1 =	sor.u32 s28, s1  }
0x110: {  	s1 =	sor.u32 s29, s1;
	v13 =	vsub.f32 v13, v11;
	v14 =	vsub.f32 v14, v11  }
0x111: {  	v21 =	vld [tilespmem:s1+$0x70];
	v15 =	vsub.f32 v15, v11;
	v16 =	vsub.f32 v16, v11  }
0x112: {  	v22 =	vld [tilespmem:s1+$0x0];
	v17 =	vsub.f32 v17, v11;
	v18 =	vsub.f32 v18, v11  }
0x113: {  	v23 =	vld [tilespmem:s1+$0x10];
	v19 =	vsub.f32 v19, v11;
	v13 =	vmul.f32 v13, v12;
	v14 =	vmul.f32 v14, v12  }
0x114: {  	v24 =	vld [tilespmem:s1+$0x20];
	v20 =	vsub.f32 v20, v11;
	v15 =	vmul.f32 v15, v12;
	v16 =	vmul.f32 v16, v12  }
0x115: {  	v25 =	vld [tilespmem:s1+$0x30];
	v17 =	vmul.f32 v17, v12;
	v18 =	vmul.f32 v18, v12  }
0x116: {  	v26 =	vld [tilespmem:s1+$0x40];
	v19 =	vmul.f32 v19, v12;
	v20 =	vmul.f32 v20, v12;
	v21 =	vsub.f32 v21, v11  }
0x117: {  	v27 =	vld [tilespmem:s1+$0x50];
	v22 =	vsub.f32 v22, v11;
	v13 =	vmul.f32 $2.560000000e+02, v13;
	v14 =	vmul.f32 $2.560000000e+02, v14  }
0x118: {  	v23 =	vsub.f32 v23, v11;
	v15 =	vmul.f32 $2.560000000e+02, v15;
	v16 =	vmul.f32 $2.560000000e+02, v16  }
0x119: {  	v24 =	vsub.f32 v24, v11;
	v17 =	vmul.f32 $2.560000000e+02, v17;
	v18 =	vmul.f32 $2.560000000e+02, v18  }
0x11a: {  	v25 =	vsub.f32 v25, v11;
	v19 =	vmul.f32 $2.560000000e+02, v19;
	v20 =	vmul.f32 $2.560000000e+02, v20  }
0x11b: {  	v26 =	vsub.f32 v26, v11;
	v21 =	vmul.f32 v21, v12;
	v22 =	vmul.f32 v22, v12  }
0x11c: {  	v27 =	vsub.f32 v27, v11;
	v23 =	vmul.f32 v23, v12;
	v24 =	vmul.f32 v24, v12  }
0x11d: {  	v25 =	vmul.f32 v25, v12;
	v26 =	vmul.f32 v26, v12;
	v13 =	vmin.f32 v13, $2.550000000e+02  }
0x11e: {  	v28 =	vld [tilespmem:s1+$0x60];
	v14 =	vmin.f32 v14, $2.550000000e+02;
	v15 =	vmin.f32 v15, $2.550000000e+02;
	v16 =	vmin.f32 v16, $2.550000000e+02  }
0x11f: {  	v17 =	vmin.f32 v17, $2.550000000e+02;
	v13 =	vtrunc.f32 v13;
	v14 =	vtrunc.f32 v14  }
0x120: {  	v18 =	vmin.f32 v18, $2.550000000e+02;
	v15 =	vtrunc.f32 v15;
	v16 =	vtrunc.f32 v16  }
0x121: {  	v19 =	vmin.f32 v19, $2.550000000e+02;
	v17 =	vtrunc.f32 v17;
	v18 =	vtrunc.f32 v18  }
0x122: {  	v20 =	vmin.f32 v20, $2.550000000e+02;
	v19 =	vtrunc.f32 v19;
	v13 =	vcvt.f32.s32 v13  }
0x123: {  	v28 =	vsub.f32 v28, v11;
	v20 =	vtrunc.f32 v20;
	v14 =	vcvt.f32.s32 v14  }
0x124: {  	s31 =	simm.s32 $0x100;
	s28 =	simm.s32 $0x800;
	v21 =	vmul.f32 $2.560000000e+02, v21;
	v15 =	vcvt.f32.s32 v15;
	v13 =	vadd.s32 v13, v0  }
0x125: {  	s30 =	simm.s32 $0x40;
	s29 =	sand.u32 $0xC00, s28;
	s1 =	sand.u32 $0x3000, s31;
	v16 =	vcvt.f32.s32 v16;
	v17 =	vcvt.f32.s32 v17;
	v14 =	vadd.s32 v14, v0  }
0x126: {  	s30 =	sand.u32 $0x380, s30;
	s1 =	sor.u32 s29, s1;
	v18 =	vcvt.f32.s32 v18;
	v21 =	vmin.f32 v21, $2.550000000e+02;
	v15 =	vadd.s32 v15, v0  }
0x127: {  	s1 =	sor.u32 s30, s1;
	v19 =	vcvt.f32.s32 v19;
	v16 =	vadd.s32 v16, v0;
	v21 =	vtrunc.f32 v21  }
0x128: {  	v30 =	vld [tilespmem:s1+$0x40];
	v20 =	vcvt.f32.s32 v20;
	v17 =	vadd.s32 v17, v0;
	v21 =	vcvt.f32.s32 v21  }
0x129: {  	[tilespmem:v13+s24+$0x0] =	vst.idx.add.f32.msk $0xffff, v10;
	v13 =	vmul.f32 $2.560000000e+02, v22;
	v22 =	vmul.f32 v27, v12  }
0x12a: {  	v18 =	vadd.s32 v18, v0;
	[tilespmem:v14+s24+$0x0] =	vst.idx.add.f32.msk $0xffff, v10;
	v14 =	vmul.f32 $2.560000000e+02, v23;
	v23 =	vmul.f32 v28, v12  }
0x12b: {  	v21 =	vadd.s32 v21, v0;
	[tilespmem:v15+s24+$0x0] =	vst.idx.add.f32.msk $0xffff, v10;
	v15 =	vmul.f32 $2.560000000e+02, v24;
	v24 =	vmul.f32 $2.560000000e+02, v25  }
0x12c: {  	[tilespmem:v16+s24+$0x0] =	vst.idx.add.f32.msk $0xffff, v10;
	v16 =	vmul.f32 $2.560000000e+02, v26;
	v13 =	vmin.f32 v13, $2.550000000e+02;
	v14 =	vmin.f32 v14, $2.550000000e+02  }
0x12d: {  	[tilespmem:v17+s24+$0x0] =	vst.idx.add.f32.msk $0xffff, v10;
	v17 =	vmul.f32 $2.560000000e+02, v22;
	v15 =	vmin.f32 v15, $2.550000000e+02;
	v23 =	vmul.f32 $2.560000000e+02, v23  }
0x12e: {  	v22 =	vmin.f32 v24, $2.550000000e+02;
	v24 =	vld [tilespmem:s1+$0x70];
	v13 =	vtrunc.f32 v13;
	v25 =	vtrunc.f32 v14  }
0x12f: {  	v27 =	vld [tilespmem:s1+$0x30];
	v16 =	vmin.f32 v16, $2.550000000e+02;
	v15 =	vtrunc.f32 v15;
	v22 =	vtrunc.f32 v22  }
0x130: {  	[tilespmem:v21+s24+$0x0] =	vst.idx.add.f32.msk $0xffff, v10;
	v16 =	vtrunc.f32 v16;
	v17 =	vmin.f32 v17, $2.550000000e+02;
	v13 =	vcvt.f32.s32 v13  }
0x131: {  	v21 =	vld [tilespmem:s1+$0x0];
	v14 =	vmin.f32 v23, $2.550000000e+02;
	v25 =	vcvt.f32.s32 v25;
	v62 =	vcvt.f32.s32 v15  }
0x132: {  	v23 =	vadd.s32 v19, v0;
	v19 =	vld [tilespmem:s1+$0x10];
	v29 =	vcvt.f32.s32 v22;
	v17 =	vtrunc.f32 v17  }
0x133: {  	v26 =	vtrunc.f32 v14;
	v14 =	vadd.s32 v20, v0;
	v20 =	vld [tilespmem:s1+$0x20];
	v24 =	vsub.f32 v24, v11  }
0x134: {  	v16 =	vcvt.f32.s32 v16;
	v31 =	vadd.s32 v13, v0;
	v15 =	vcvt.f32.s32 v17  }
0x135: {  	v32 =	vld [tilespmem:s1+$0x50];
	v13 =	vcvt.f32.s32 v26;
	v33 =	vadd.s32 v25, v0;
	v24 =	vmul.f32 v24, v12  }
0x136: {  	v26 =	vld [tilespmem:s1+$0x60];
	v17 =	vadd.s32 v62, v0;
	v25 =	vsub.f32 v27, v11;
	v21 =	vsub.f32 v21, v11  }
0x137: {  	[tilespmem:v18+s24+$0x0] =	vst.idx.add.f32.msk $0xffff, v10;
	v27 =	vsub.f32 v30, v11;
	v19 =	vsub.f32 v19, v11;
	v24 =	vmul.f32 $2.560000000e+02, v24  }
0x138: {  	v18 =	vadd.s32 v29, v0;
	v22 =	vmul.f32 v21, v12;
	v21 =	vsub.f32 v20, v11  }
0x139: {  	[tilespmem:v23+s24+$0x0] =	vst.idx.add.f32.msk $0xffff, v10;
	v23 =	vmul.f32 v27, v12;
	v20 =	vmul.f32 v19, v12;
	v63 =	vmin.f32 v24, $2.550000000e+02  }
0x13a: {  	[tilespmem:v31+s24+$0x0] =	vst.idx.add.f32.msk $0xffff, v10;
	v19 =	vmul.f32 v21, v12;
	v24 =	vsub.f32 v32, v11;
	v28 =	vtrunc.f32 v63  }
0x13b: {  	s29 =	simm.s32 $0x10;
	[tilespmem:v33+s24+$0x0] =	vst.idx.add.f32.msk $0xffff, v10;
	v21 =	vmul.f32 v25, v12;
	v25 =	vsub.f32 v26, v11;
	v26 =	vcvt.f32.s32 v28  }
.LBB2_8:
0x13c: {  	s29 =	sadd.s32 $0x8, s29;
	v22 =	vmul.f32 $2.560000000e+02, v22;
	v24 =	vmul.f32 v24, v12;
	[tilespmem:v17+s24+$0x0] =	vst.idx.add.f32.msk $0xffff, v10;
	v27 =	vadd.s32 v16, v0  }
0x13d: {  	v16 =	vmul.f32 $2.560000000e+02, v20;
	s28 =	sadd.s32 $0x400, s28;
	s1 =	sshll.u32 s29, $0x4;
	p0 =	slt.u32 s29, $0x3F8;
	v17 =	vmul.f32 v25, v12;
	v20 =	vadd.s32 v26, v0;
	[tilespmem:v18+s24+$0x0] =	vst.idx.add.f32.msk $0xffff, v10  }
0x13e: {  	v19 =	vmul.f32 $2.560000000e+02, v19;
	v21 =	vmul.f32 $2.560000000e+02, v21;
	s30 =	sand.u32 $0xC00, s28;
	s31 =	sshll.u32 s29, $0x2;
	s1 =	sand.u32 $0x3000, s1;
	v18 =	vmin.f32 v22, $2.550000000e+02;
	[tilespmem:v14+s24+$0x0] =	vst.idx.add.f32.msk $0xffff, v10  }
0x13f: {  	s31 =	sand.u32 $0x380, s31;
	v14 =	vmin.f32 v16, $2.550000000e+02;
	v16 =	vmul.f32 $2.560000000e+02, v23;
	v22 =	vmul.f32 $2.560000000e+02, v24;
	s1 =	sor.u32 s30, s1  }
0x140: {  	v19 =	vmin.f32 v19, $2.550000000e+02;
	v21 =	vmin.f32 v21, $2.550000000e+02;
	v17 =	vmul.f32 $2.560000000e+02, v17;
	s1 =	sor.u32 s31, s1  }
0x141: {  	v18 =	vtrunc.f32 v18;
	v16 =	vmin.f32 v16, $2.550000000e+02;
	v22 =	vmin.f32 v22, $2.550000000e+02;
	v23 =	vld [tilespmem:s1+$0x70]  }
0x142: {  	v24 =	vtrunc.f32 v14;
	v19 =	vtrunc.f32 v19;
	v14 =	vmin.f32 v17, $2.550000000e+02;
	[tilespmem:v20+s24+$0x0] =	vst.idx.add.f32.msk $0xffff, v10  }
0x143: {  	v25 =	vadd.s32 v15, v0;
	v16 =	vtrunc.f32 v16;
	v20 =	vtrunc.f32 v21;
	v17 =	vld [tilespmem:s1+$0x0]  }
0x144: {  	v15 =	vtrunc.f32 v22;
	v22 =	vtrunc.f32 v14;
	v14 =	vadd.s32 v13, v0;
	v21 =	vld [tilespmem:s1+$0x10]  }
0x145: {  	v13 =	vcvt.f32.s32 v18;
	v18 =	vcvt.f32.s32 v24;
	v26 =	vld [tilespmem:s1+$0x20]  }
0x146: {  	v19 =	vcvt.f32.s32 v19;
	v28 =	vcvt.f32.s32 v20;
	v24 =	vld [tilespmem:s1+$0x30];
	v23 =	vsub.f32 v23, v11  }
0x147: {  	v16 =	vcvt.f32.s32 v16;
	v15 =	vcvt.f32.s32 v15;
	v30 =	vadd.s32 v13, v0;
	v29 =	vld [tilespmem:s1+$0x40]  }
0x148: {  	v13 =	vcvt.f32.s32 v22;
	v20 =	vsub.f32 v17, v11;
	v31 =	vld [tilespmem:s1+$0x50];
	v23 =	vmul.f32 v23, v12  }
0x149: {  	v33 =	vadd.s32 v18, v0;
	v17 =	vadd.s32 v19, v0;
	v21 =	vsub.f32 v21, v11;
	v32 =	vld [tilespmem:s1+$0x60]  }
.Ltmp3:
0x14a: {  	v22 =	vmul.f32 v20, v12;
	v19 =	vsub.f32 v26, v11;
	v23 =	vmul.f32 $2.560000000e+02, v23;
	[tilespmem:v27+s24+$0x0] =	vst.idx.add.f32.msk $0xffff, v10;
	(pc) =	sbr.rel @p0 .LBB2_8-.Ltmp3, $4  }
0x14b: {  	v18 =	vadd.s32 v28, v0;
	v20 =	vmul.f32 v21, v12;
	v21 =	vsub.f32 v24, v11  }
0x14c: {  	v19 =	vmul.f32 v19, v12;
	v26 =	vsub.f32 v29, v11;
	v23 =	vmin.f32 v23, $2.550000000e+02;
	[tilespmem:v30+s24+$0x0] =	vst.idx.add.f32.msk $0xffff, v10  }
0x14d: {  	v21 =	vmul.f32 v21, v12;
	v24 =	vsub.f32 v31, v11;
	v27 =	vtrunc.f32 v23;
	[tilespmem:v25+s24+$0x0] =	vst.idx.add.f32.msk $0xffff, v10  }
0x14e: {  	v23 =	vmul.f32 v26, v12;
	v25 =	vsub.f32 v32, v11;
	v26 =	vcvt.f32.s32 v27;
	[tilespmem:v33+s24+$0x0] =	vst.idx.add.f32.msk $0xffff, v10  }
0x14f: {  	v22 =	vmul.f32 $2.560000000e+02, v22  }
0x150: {  	v24 =	vmul.f32 v24, v12;
	v16 =	vadd.s32 v16, v0;
	v20 =	vmul.f32 $2.560000000e+02, v20  }
0x151: {  	v19 =	vmul.f32 $2.560000000e+02, v19;
	v21 =	vmul.f32 $2.560000000e+02, v21;
	v15 =	vadd.s32 v15, v0  }
0x152: {  	v13 =	vadd.s32 v13, v0;
	v25 =	vmul.f32 v25, v12;
	v23 =	vmul.f32 $2.560000000e+02, v23  }
0x153: {  	v22 =	vmin.f32 v22, $2.550000000e+02;
	v20 =	vmin.f32 v20, $2.550000000e+02;
	v24 =	vmul.f32 $2.560000000e+02, v24  }
0x154: {  	v19 =	vmin.f32 v19, $2.550000000e+02;
	v22 =	vtrunc.f32 v22;
	v25 =	vmul.f32 $2.560000000e+02, v25  }
0x155: {  	[tilespmem:v17+s24+$0x0] =	vst.idx.add.f32.msk $0xffff, v10;
	v21 =	vmin.f32 v21, $2.550000000e+02;
	v20 =	vtrunc.f32 v20;
	v17 =	vtrunc.f32 v19  }
0x156: {  	[tilespmem:v18+s24+$0x0] =	vst.idx.add.f32.msk $0xffff, v10;
	v26 =	vadd.s32 v26, v0;
	v18 =	vtrunc.f32 v21;
	v22 =	vcvt.f32.s32 v22  }
0x157: {  	v23 =	vmin.f32 v23, $2.550000000e+02;
	v19 =	vcvt.f32.s32 v20;
	v17 =	vcvt.f32.s32 v17  }
0x158: {  	[tilespmem:v14+s24+$0x0] =	vst.idx.add.f32.msk $0xffff, v10;
	v14 =	vmin.f32 v24, $2.550000000e+02;
	v18 =	vcvt.f32.s32 v18;
	v20 =	vadd.s32 v22, v0  }
0x159: {  	v21 =	vmin.f32 v25, $2.550000000e+02;
	v14 =	vtrunc.f32 v14;
	[tilespmem:v16+s24+$0x0] =	vst.idx.add.f32.msk $0xffff, v10;
	v17 =	vadd.s32 v17, v0  }
0x15a: {  	[tilespmem:v15+s24+$0x0] =	vst.idx.add.f32.msk $0xffff, v10;
	v19 =	vadd.s32 v19, v0;
	v22 =	vtrunc.f32 v23;
	v14 =	vcvt.f32.s32 v14  }
0x15b: {  	[tilespmem:v13+s24+$0x0] =	vst.idx.add.f32.msk $0xffff, v10;
	v16 =	vadd.s32 v18, v0;
	v18 =	vtrunc.f32 v21;
	v22 =	vcvt.f32.s32 v22  }
0x15c: {  	[tilespmem:v26+s24+$0x0] =	vst.idx.add.f32.msk $0xffff, v10;
	v18 =	vcvt.f32.s32 v18;
	v14 =	vadd.s32 v14, v0  }
0x15d: {  	v15 =	vadd.s32 v22, v0;
	[tilespmem:v20+s24+$0x0] =	vst.idx.add.f32.msk $0xffff, v10  }
0x15e: {  	[tilespmem:v17+s24+$0x0] =	vst.idx.add.f32.msk $0xffff, v10;
	v17 =	vadd.s32 v18, v0  }
0x15f: {  	[tilespmem:v19+s24+$0x0] =	vst.idx.add.f32.msk $0xffff, v10  }
0x160: {  	[tilespmem:v16+s24+$0x0] =	vst.idx.add.f32.msk $0xffff, v10  }
0x161: {  	[tilespmem:v14+s24+$0x0] =	vst.idx.add.f32.msk $0xffff, v10  }
0x162: {  	[tilespmem:v15+s24+$0x0] =	vst.idx.add.f32.msk $0xffff, v10  }
0x163: {  	s1 =	simm.s32 $0x0;
	s28 =	simm.s32 $0x0;
	s29 =	simm.s32 $0x0;
	[tilespmem:v17+s24+$0x0] =	vst.idx.add.f32.msk $0xffff, v10  }
0x164: {  	[tilespmem:s1], [sflag:$0x1] =	stream.linear.gather [hbm4b:s3+s1], $0x4000, $0x38;
	[tilespmem:$0x9900] =	vst v63  }
0x165: {  	s28 =	sand.u32 $0x3000, s28;
	s1 =	sand.u32 $0xC00, s1;
	_ =	swait.ge [sflag:s25], $0x4000  }
0x166: {  	s29 =	sand.u32 $0x380, s29;
	s1 =	sor.u32 s1, s28;
	[sflag:s25] =	ssyncset.done $0x0  }
0x167: {  	s1 =	sor.u32 s29, s1;
	[sflag:s25] =	ssyncadd.s32 $0xFFFFC000  }
0x168: {  	v13 =	vld [tilespmem:s1+$0x4070]  }
0x169: {  	v14 =	vld [tilespmem:s1+$0x4000]  }
0x16a: {  	v15 =	vld [tilespmem:s1+$0x4010]  }
0x16b: {  	v16 =	vld [tilespmem:s1+$0x4020]  }
0x16c: {  	v17 =	vld [tilespmem:s1+$0x4030]  }
0x16d: {  	v18 =	vld [tilespmem:s1+$0x4040]  }
0x16e: {  	s30 =	simm.s32 $0x80;
	s28 =	simm.s32 $0x400;
	v19 =	vld [tilespmem:s1+$0x4050]  }
0x16f: {  	s28 =	sand.u32 $0xC00, s28;
	s29 =	simm.s32 $0x20;
	v20 =	vld [tilespmem:s1+$0x4060];
	s1 =	sand.u32 $0x3000, s30  }
0x170: {  	s29 =	sand.u32 $0x380, s29;
	s1 =	sor.u32 s28, s1  }
0x171: {  	s1 =	sor.u32 s29, s1;
	v13 =	vsub.f32 v13, v11;
	v14 =	vsub.f32 v14, v11  }
0x172: {  	v21 =	vld [tilespmem:s1+$0x4070];
	v15 =	vsub.f32 v15, v11;
	v16 =	vsub.f32 v16, v11  }
0x173: {  	v22 =	vld [tilespmem:s1+$0x4000];
	v17 =	vsub.f32 v17, v11;
	v18 =	vsub.f32 v18, v11  }
0x174: {  	v23 =	vld [tilespmem:s1+$0x4010];
	v19 =	vsub.f32 v19, v11;
	v13 =	vmul.f32 v13, v12;
	v14 =	vmul.f32 v14, v12  }
0x175: {  	v24 =	vld [tilespmem:s1+$0x4020];
	v20 =	vsub.f32 v20, v11;
	v15 =	vmul.f32 v15, v12;
	v16 =	vmul.f32 v16, v12  }
0x176: {  	v25 =	vld [tilespmem:s1+$0x4030];
	v17 =	vmul.f32 v17, v12;
	v18 =	vmul.f32 v18, v12  }
0x177: {  	v26 =	vld [tilespmem:s1+$0x4040];
	v19 =	vmul.f32 v19, v12;
	v20 =	vmul.f32 v20, v12;
	v21 =	vsub.f32 v21, v11  }
0x178: {  	v27 =	vld [tilespmem:s1+$0x4050];
	v22 =	vsub.f32 v22, v11;
	v13 =	vmul.f32 $2.560000000e+02, v13;
	v14 =	vmul.f32 $2.560000000e+02, v14  }
0x179: {  	v23 =	vsub.f32 v23, v11;
	v15 =	vmul.f32 $2.560000000e+02, v15;
	v16 =	vmul.f32 $2.560000000e+02, v16  }
0x17a: {  	v24 =	vsub.f32 v24, v11;
	v17 =	vmul.f32 $2.560000000e+02, v17;
	v18 =	vmul.f32 $2.560000000e+02, v18  }
0x17b: {  	v25 =	vsub.f32 v25, v11;
	v19 =	vmul.f32 $2.560000000e+02, v19;
	v20 =	vmul.f32 $2.560000000e+02, v20  }
0x17c: {  	v26 =	vsub.f32 v26, v11;
	v21 =	vmul.f32 v21, v12;
	v22 =	vmul.f32 v22, v12  }
0x17d: {  	v27 =	vsub.f32 v27, v11;
	v23 =	vmul.f32 v23, v12;
	v24 =	vmul.f32 v24, v12  }
0x17e: {  	v25 =	vmul.f32 v25, v12;
	v26 =	vmul.f32 v26, v12;
	v13 =	vmin.f32 v13, $2.550000000e+02  }
0x17f: {  	v28 =	vld [tilespmem:s1+$0x4060];
	v14 =	vmin.f32 v14, $2.550000000e+02;
	v15 =	vmin.f32 v15, $2.550000000e+02;
	v16 =	vmin.f32 v16, $2.550000000e+02  }
0x180: {  	v17 =	vmin.f32 v17, $2.550000000e+02;
	v13 =	vtrunc.f32 v13;
	v14 =	vtrunc.f32 v14  }
0x181: {  	v18 =	vmin.f32 v18, $2.550000000e+02;
	v15 =	vtrunc.f32 v15;
	v16 =	vtrunc.f32 v16  }
0x182: {  	v19 =	vmin.f32 v19, $2.550000000e+02;
	v17 =	vtrunc.f32 v17;
	v18 =	vtrunc.f32 v18  }
0x183: {  	v20 =	vmin.f32 v20, $2.550000000e+02;
	v19 =	vtrunc.f32 v19;
	v13 =	vcvt.f32.s32 v13  }
0x184: {  	v28 =	vsub.f32 v28, v11;
	v20 =	vtrunc.f32 v20;
	v14 =	vcvt.f32.s32 v14  }
0x185: {  	s31 =	simm.s32 $0x100;
	s28 =	simm.s32 $0x800;
	v21 =	vmul.f32 $2.560000000e+02, v21;
	v15 =	vcvt.f32.s32 v15;
	v13 =	vadd.s32 v13, v0  }
0x186: {  	s30 =	simm.s32 $0x40;
	s29 =	sand.u32 $0xC00, s28;
	s1 =	sand.u32 $0x3000, s31;
	v16 =	vcvt.f32.s32 v16;
	v17 =	vcvt.f32.s32 v17;
	v14 =	vadd.s32 v14, v0  }
0x187: {  	s30 =	sand.u32 $0x380, s30;
	s1 =	sor.u32 s29, s1;
	v18 =	vcvt.f32.s32 v18;
	v21 =	vmin.f32 v21, $2.550000000e+02;
	v15 =	vadd.s32 v15, v0  }
0x188: {  	s1 =	sor.u32 s30, s1;
	v19 =	vcvt.f32.s32 v19;
	v16 =	vadd.s32 v16, v0;
	v21 =	vtrunc.f32 v21  }
0x189: {  	v30 =	vld [tilespmem:s1+$0x4040];
	v20 =	vcvt.f32.s32 v20;
	v17 =	vadd.s32 v17, v0;
	v21 =	vcvt.f32.s32 v21  }
0x18a: {  	[tilespmem:v13+s24+$0x0] =	vst.idx.add.f32.msk $0xffff, v10;
	v13 =	vmul.f32 $2.560000000e+02, v22;
	v22 =	vmul.f32 v27, v12  }
0x18b: {  	v18 =	vadd.s32 v18, v0;
	[tilespmem:v14+s24+$0x0] =	vst.idx.add.f32.msk $0xffff, v10;
	v14 =	vmul.f32 $2.560000000e+02, v23;
	v23 =	vmul.f32 v28, v12  }
0x18c: {  	v21 =	vadd.s32 v21, v0;
	[tilespmem:v15+s24+$0x0] =	vst.idx.add.f32.msk $0xffff, v10;
	v15 =	vmul.f32 $2.560000000e+02, v24;
	v24 =	vmul.f32 $2.560000000e+02, v25  }
0x18d: {  	[tilespmem:v16+s24+$0x0] =	vst.idx.add.f32.msk $0xffff, v10;
	v16 =	vmul.f32 $2.560000000e+02, v26;
	v13 =	vmin.f32 v13, $2.550000000e+02;
	v14 =	vmin.f32 v14, $2.550000000e+02  }
0x18e: {  	[tilespmem:v17+s24+$0x0] =	vst.idx.add.f32.msk $0xffff, v10;
	v17 =	vmul.f32 $2.560000000e+02, v22;
	v15 =	vmin.f32 v15, $2.550000000e+02;
	v23 =	vmul.f32 $2.560000000e+02, v23  }
0x18f: {  	v22 =	vmin.f32 v24, $2.550000000e+02;
	v24 =	vld [tilespmem:s1+$0x4070];
	v13 =	vtrunc.f32 v13;
	v25 =	vtrunc.f32 v14  }
0x190: {  	v27 =	vld [tilespmem:s1+$0x4030];
	v16 =	vmin.f32 v16, $2.550000000e+02;
	v15 =	vtrunc.f32 v15;
	v22 =	vtrunc.f32 v22  }
0x191: {  	[tilespmem:v21+s24+$0x0] =	vst.idx.add.f32.msk $0xffff, v10;
	v16 =	vtrunc.f32 v16;
	v17 =	vmin.f32 v17, $2.550000000e+02;
	v13 =	vcvt.f32.s32 v13  }
0x192: {  	v21 =	vld [tilespmem:s1+$0x4000];
	v14 =	vmin.f32 v23, $2.550000000e+02;
	v25 =	vcvt.f32.s32 v25;
	v62 =	vcvt.f32.s32 v15  }
0x193: {  	v23 =	vadd.s32 v19, v0;
	v19 =	vld [tilespmem:s1+$0x4010];
	v29 =	vcvt.f32.s32 v22;
	v17 =	vtrunc.f32 v17  }
0x194: {  	v26 =	vtrunc.f32 v14;
	v14 =	vadd.s32 v20, v0;
	v20 =	vld [tilespmem:s1+$0x4020];
	v24 =	vsub.f32 v24, v11  }
0x195: {  	v16 =	vcvt.f32.s32 v16;
	v31 =	vadd.s32 v13, v0;
	v15 =	vcvt.f32.s32 v17  }
0x196: {  	v32 =	vld [tilespmem:s1+$0x4050];
	v13 =	vcvt.f32.s32 v26;
	v33 =	vadd.s32 v25, v0;
	v24 =	vmul.f32 v24, v12  }
0x197: {  	v26 =	vld [tilespmem:s1+$0x4060];
	v17 =	vadd.s32 v62, v0;
	v25 =	vsub.f32 v27, v11;
	v21 =	vsub.f32 v21, v11  }
0x198: {  	[tilespmem:v18+s24+$0x0] =	vst.idx.add.f32.msk $0xffff, v10;
	v27 =	vsub.f32 v30, v11;
	v19 =	vsub.f32 v19, v11;
	v24 =	vmul.f32 $2.560000000e+02, v24  }
0x199: {  	v18 =	vadd.s32 v29, v0;
	v22 =	vmul.f32 v21, v12;
	v21 =	vsub.f32 v20, v11  }
0x19a: {  	[tilespmem:v23+s24+$0x0] =	vst.idx.add.f32.msk $0xffff, v10;
	v23 =	vmul.f32 v27, v12;
	v20 =	vmul.f32 v19, v12;
	v63 =	vmin.f32 v24, $2.550000000e+02  }
0x19b: {  	[tilespmem:v31+s24+$0x0] =	vst.idx.add.f32.msk $0xffff, v10;
	v19 =	vmul.f32 v21, v12;
	v24 =	vsub.f32 v32, v11;
	v28 =	vtrunc.f32 v63  }
0x19c: {  	s29 =	simm.s32 $0x10;
	[tilespmem:v33+s24+$0x0] =	vst.idx.add.f32.msk $0xffff, v10;
	v21 =	vmul.f32 v25, v12;
	v25 =	vsub.f32 v26, v11;
	v26 =	vcvt.f32.s32 v28  }
.LBB2_10:
0x19d: {  	s29 =	sadd.s32 $0x8, s29;
	v22 =	vmul.f32 $2.560000000e+02, v22;
	v24 =	vmul.f32 v24, v12;
	[tilespmem:v17+s24+$0x0] =	vst.idx.add.f32.msk $0xffff, v10;
	v27 =	vadd.s32 v16, v0  }
0x19e: {  	v16 =	vmul.f32 $2.560000000e+02, v20;
	s28 =	sadd.s32 $0x400, s28;
	s1 =	sshll.u32 s29, $0x4;
	p0 =	slt.u32 s29, $0x3F8;
	v17 =	vmul.f32 v25, v12;
	v20 =	vadd.s32 v26, v0;
	[tilespmem:v18+s24+$0x0] =	vst.idx.add.f32.msk $0xffff, v10  }
0x19f: {  	v19 =	vmul.f32 $2.560000000e+02, v19;
	v21 =	vmul.f32 $2.560000000e+02, v21;
	s30 =	sand.u32 $0xC00, s28;
	s31 =	sshll.u32 s29, $0x2;
	s1 =	sand.u32 $0x3000, s1;
	v18 =	vmin.f32 v22, $2.550000000e+02;
	[tilespmem:v14+s24+$0x0] =	vst.idx.add.f32.msk $0xffff, v10  }
0x1a0: {  	s31 =	sand.u32 $0x380, s31;
	v14 =	vmin.f32 v16, $2.550000000e+02;
	v16 =	vmul.f32 $2.560000000e+02, v23;
	v22 =	vmul.f32 $2.560000000e+02, v24;
	s1 =	sor.u32 s30, s1  }
0x1a1: {  	v19 =	vmin.f32 v19, $2.550000000e+02;
	v21 =	vmin.f32 v21, $2.550000000e+02;
	v17 =	vmul.f32 $2.560000000e+02, v17;
	s1 =	sor.u32 s31, s1  }
0x1a2: {  	v18 =	vtrunc.f32 v18;
	v16 =	vmin.f32 v16, $2.550000000e+02;
	v22 =	vmin.f32 v22, $2.550000000e+02;
	v23 =	vld [tilespmem:s1+$0x4070]  }
0x1a3: {  	v24 =	vtrunc.f32 v14;
	v19 =	vtrunc.f32 v19;
	v14 =	vmin.f32 v17, $2.550000000e+02;
	[tilespmem:v20+s24+$0x0] =	vst.idx.add.f32.msk $0xffff, v10  }
0x1a4: {  	v25 =	vadd.s32 v15, v0;
	v16 =	vtrunc.f32 v16;
	v20 =	vtrunc.f32 v21;
	v17 =	vld [tilespmem:s1+$0x4000]  }
0x1a5: {  	v15 =	vtrunc.f32 v22;
	v22 =	vtrunc.f32 v14;
	v14 =	vadd.s32 v13, v0;
	v21 =	vld [tilespmem:s1+$0x4010]  }
0x1a6: {  	v13 =	vcvt.f32.s32 v18;
	v18 =	vcvt.f32.s32 v24;
	v26 =	vld [tilespmem:s1+$0x4020]  }
0x1a7: {  	v19 =	vcvt.f32.s32 v19;
	v28 =	vcvt.f32.s32 v20;
	v24 =	vld [tilespmem:s1+$0x4030];
	v23 =	vsub.f32 v23, v11  }
0x1a8: {  	v16 =	vcvt.f32.s32 v16;
	v15 =	vcvt.f32.s32 v15;
	v30 =	vadd.s32 v13, v0;
	v29 =	vld [tilespmem:s1+$0x4040]  }
0x1a9: {  	v13 =	vcvt.f32.s32 v22;
	v20 =	vsub.f32 v17, v11;
	v31 =	vld [tilespmem:s1+$0x4050];
	v23 =	vmul.f32 v23, v12  }
0x1aa: {  	v33 =	vadd.s32 v18, v0;
	v17 =	vadd.s32 v19, v0;
	v21 =	vsub.f32 v21, v11;
	v32 =	vld [tilespmem:s1+$0x4060]  }
.Ltmp4:
0x1ab: {  	v22 =	vmul.f32 v20, v12;
	v19 =	vsub.f32 v26, v11;
	v23 =	vmul.f32 $2.560000000e+02, v23;
	[tilespmem:v27+s24+$0x0] =	vst.idx.add.f32.msk $0xffff, v10;
	(pc) =	sbr.rel @p0 .LBB2_10-.Ltmp4, $4  }
0x1ac: {  	v18 =	vadd.s32 v28, v0;
	v20 =	vmul.f32 v21, v12;
	v21 =	vsub.f32 v24, v11  }
0x1ad: {  	v19 =	vmul.f32 v19, v12;
	v26 =	vsub.f32 v29, v11;
	v23 =	vmin.f32 v23, $2.550000000e+02;
	[tilespmem:v30+s24+$0x0] =	vst.idx.add.f32.msk $0xffff, v10  }
0x1ae: {  	v21 =	vmul.f32 v21, v12;
	v24 =	vsub.f32 v31, v11;
	v27 =	vtrunc.f32 v23;
	[tilespmem:v25+s24+$0x0] =	vst.idx.add.f32.msk $0xffff, v10  }
0x1af: {  	v23 =	vmul.f32 v26, v12;
	v25 =	vsub.f32 v32, v11;
	v26 =	vcvt.f32.s32 v27;
	[tilespmem:v33+s24+$0x0] =	vst.idx.add.f32.msk $0xffff, v10  }
0x1b0: {  	v22 =	vmul.f32 $2.560000000e+02, v22  }
0x1b1: {  	v24 =	vmul.f32 v24, v12;
	v16 =	vadd.s32 v16, v0;
	v20 =	vmul.f32 $2.560000000e+02, v20  }
0x1b2: {  	v19 =	vmul.f32 $2.560000000e+02, v19;
	v21 =	vmul.f32 $2.560000000e+02, v21;
	v15 =	vadd.s32 v15, v0  }
0x1b3: {  	v13 =	vadd.s32 v13, v0;
	v25 =	vmul.f32 v25, v12;
	v23 =	vmul.f32 $2.560000000e+02, v23  }
0x1b4: {  	v22 =	vmin.f32 v22, $2.550000000e+02;
	v20 =	vmin.f32 v20, $2.550000000e+02;
	v24 =	vmul.f32 $2.560000000e+02, v24  }
0x1b5: {  	v19 =	vmin.f32 v19, $2.550000000e+02;
	v22 =	vtrunc.f32 v22;
	v25 =	vmul.f32 $2.560000000e+02, v25  }
0x1b6: {  	[tilespmem:v17+s24+$0x0] =	vst.idx.add.f32.msk $0xffff, v10;
	v21 =	vmin.f32 v21, $2.550000000e+02;
	v20 =	vtrunc.f32 v20;
	v17 =	vtrunc.f32 v19  }
0x1b7: {  	[tilespmem:v18+s24+$0x0] =	vst.idx.add.f32.msk $0xffff, v10;
	v26 =	vadd.s32 v26, v0;
	v18 =	vtrunc.f32 v21;
	v22 =	vcvt.f32.s32 v22  }
0x1b8: {  	v23 =	vmin.f32 v23, $2.550000000e+02;
	v19 =	vcvt.f32.s32 v20;
	v17 =	vcvt.f32.s32 v17  }
0x1b9: {  	[tilespmem:v14+s24+$0x0] =	vst.idx.add.f32.msk $0xffff, v10;
	v14 =	vmin.f32 v24, $2.550000000e+02;
	v18 =	vcvt.f32.s32 v18;
	v20 =	vadd.s32 v22, v0  }
0x1ba: {  	v21 =	vmin.f32 v25, $2.550000000e+02;
	v14 =	vtrunc.f32 v14;
	[tilespmem:v16+s24+$0x0] =	vst.idx.add.f32.msk $0xffff, v10;
	v17 =	vadd.s32 v17, v0  }
0x1bb: {  	[tilespmem:v15+s24+$0x0] =	vst.idx.add.f32.msk $0xffff, v10;
	v19 =	vadd.s32 v19, v0;
	v22 =	vtrunc.f32 v23;
	v14 =	vcvt.f32.s32 v14  }
0x1bc: {  	[tilespmem:v13+s24+$0x0] =	vst.idx.add.f32.msk $0xffff, v10;
	v16 =	vadd.s32 v18, v0;
	v18 =	vtrunc.f32 v21;
	v22 =	vcvt.f32.s32 v22  }
0x1bd: {  	[tilespmem:v26+s24+$0x0] =	vst.idx.add.f32.msk $0xffff, v10;
	v18 =	vcvt.f32.s32 v18;
	v14 =	vadd.s32 v14, v0  }
0x1be: {  	v15 =	vadd.s32 v22, v0;
	[tilespmem:v20+s24+$0x0] =	vst.idx.add.f32.msk $0xffff, v10  }
0x1bf: {  	[tilespmem:v17+s24+$0x0] =	vst.idx.add.f32.msk $0xffff, v10;
	v17 =	vadd.s32 v18, v0  }
0x1c0: {  	[tilespmem:v19+s24+$0x0] =	vst.idx.add.f32.msk $0xffff, v10  }
0x1c1: {  	[tilespmem:v16+s24+$0x0] =	vst.idx.add.f32.msk $0xffff, v10  }
0x1c2: {  	[tilespmem:v14+s24+$0x0] =	vst.idx.add.f32.msk $0xffff, v10  }
0x1c3: {  	[tilespmem:v15+s24+$0x0] =	vst.idx.add.f32.msk $0xffff, v10  }
0x1c4: {  	s1 =	simm.s32 $0x0;
	s28 =	simm.s32 $0x0;
	s29 =	simm.s32 $0x0;
	[tilespmem:v17+s24+$0x0] =	vst.idx.add.f32.msk $0xffff, v10  }
0x1c5: {  	[tilespmem:s22], [sflag:$0x2] =	stream.linear.gather [hbm4b:s4+s1], $0x4000, $0x38;
	[tilespmem:$0x9900] =	vst v63  }
0x1c6: {  	s28 =	sand.u32 $0x3000, s28;
	s1 =	sand.u32 $0xC00, s1;
	_ =	swait.ge [sflag:s23], $0x4000  }
0x1c7: {  	s29 =	sand.u32 $0x380, s29;
	s1 =	sor.u32 s1, s28;
	[sflag:s23] =	ssyncset.done $0x0  }
0x1c8: {  	s1 =	sor.u32 s29, s1;
	[sflag:s23] =	ssyncadd.s32 $0xFFFFC000  }
0x1c9: {  	v13 =	vld [tilespmem:s1+$0x70]  }
0x1ca: {  	v14 =	vld [tilespmem:s1+$0x0]  }
0x1cb: {  	v15 =	vld [tilespmem:s1+$0x10]  }
0x1cc: {  	v16 =	vld [tilespmem:s1+$0x20]  }
0x1cd: {  	v17 =	vld [tilespmem:s1+$0x30]  }
0x1ce: {  	v18 =	vld [tilespmem:s1+$0x40]  }
0x1cf: {  	s30 =	simm.s32 $0x80;
	s28 =	simm.s32 $0x400;
	v19 =	vld [tilespmem:s1+$0x50]  }
0x1d0: {  	s28 =	sand.u32 $0xC00, s28;
	s29 =	simm.s32 $0x20;
	v20 =	vld [tilespmem:s1+$0x60];
	s1 =	sand.u32 $0x3000, s30  }
0x1d1: {  	s29 =	sand.u32 $0x380, s29;
	s1 =	sor.u32 s28, s1  }
0x1d2: {  	s1 =	sor.u32 s29, s1;
	v13 =	vsub.f32 v13, v11;
	v14 =	vsub.f32 v14, v11  }
0x1d3: {  	v21 =	vld [tilespmem:s1+$0x70];
	v15 =	vsub.f32 v15, v11;
	v16 =	vsub.f32 v16, v11  }
0x1d4: {  	v22 =	vld [tilespmem:s1+$0x0];
	v17 =	vsub.f32 v17, v11;
	v18 =	vsub.f32 v18, v11  }
0x1d5: {  	v23 =	vld [tilespmem:s1+$0x10];
	v19 =	vsub.f32 v19, v11;
	v13 =	vmul.f32 v13, v12;
	v14 =	vmul.f32 v14, v12  }
0x1d6: {  	v24 =	vld [tilespmem:s1+$0x20];
	v20 =	vsub.f32 v20, v11;
	v15 =	vmul.f32 v15, v12;
	v16 =	vmul.f32 v16, v12  }
0x1d7: {  	v25 =	vld [tilespmem:s1+$0x30];
	v17 =	vmul.f32 v17, v12;
	v18 =	vmul.f32 v18, v12  }
0x1d8: {  	v26 =	vld [tilespmem:s1+$0x40];
	v19 =	vmul.f32 v19, v12;
	v20 =	vmul.f32 v20, v12;
	v21 =	vsub.f32 v21, v11  }
0x1d9: {  	v27 =	vld [tilespmem:s1+$0x50];
	v22 =	vsub.f32 v22, v11;
	v13 =	vmul.f32 $2.560000000e+02, v13;
	v14 =	vmul.f32 $2.560000000e+02, v14  }
0x1da: {  	v23 =	vsub.f32 v23, v11;
	v15 =	vmul.f32 $2.560000000e+02, v15;
	v16 =	vmul.f32 $2.560000000e+02, v16  }
0x1db: {  	v24 =	vsub.f32 v24, v11;
	v17 =	vmul.f32 $2.560000000e+02, v17;
	v18 =	vmul.f32 $2.560000000e+02, v18  }
0x1dc: {  	v25 =	vsub.f32 v25, v11;
	v19 =	vmul.f32 $2.560000000e+02, v19;
	v20 =	vmul.f32 $2.560000000e+02, v20  }
0x1dd: {  	v26 =	vsub.f32 v26, v11;
	v21 =	vmul.f32 v21, v12;
	v22 =	vmul.f32 v22, v12  }
0x1de: {  	v27 =	vsub.f32 v27, v11;
	v23 =	vmul.f32 v23, v12;
	v24 =	vmul.f32 v24, v12  }
0x1df: {  	v25 =	vmul.f32 v25, v12;
	v26 =	vmul.f32 v26, v12;
	v13 =	vmin.f32 v13, $2.550000000e+02  }
0x1e0: {  	v28 =	vld [tilespmem:s1+$0x60];
	v14 =	vmin.f32 v14, $2.550000000e+02;
	v15 =	vmin.f32 v15, $2.550000000e+02;
	v16 =	vmin.f32 v16, $2.550000000e+02  }
0x1e1: {  	v17 =	vmin.f32 v17, $2.550000000e+02;
	v13 =	vtrunc.f32 v13;
	v14 =	vtrunc.f32 v14  }
0x1e2: {  	v18 =	vmin.f32 v18, $2.550000000e+02;
	v15 =	vtrunc.f32 v15;
	v16 =	vtrunc.f32 v16  }
0x1e3: {  	v19 =	vmin.f32 v19, $2.550000000e+02;
	v17 =	vtrunc.f32 v17;
	v18 =	vtrunc.f32 v18  }
0x1e4: {  	v20 =	vmin.f32 v20, $2.550000000e+02;
	v19 =	vtrunc.f32 v19;
	v13 =	vcvt.f32.s32 v13  }
0x1e5: {  	v28 =	vsub.f32 v28, v11;
	v20 =	vtrunc.f32 v20;
	v14 =	vcvt.f32.s32 v14  }
0x1e6: {  	s31 =	simm.s32 $0x100;
	s28 =	simm.s32 $0x800;
	v21 =	vmul.f32 $2.560000000e+02, v21;
	v15 =	vcvt.f32.s32 v15;
	v13 =	vadd.s32 v13, v1  }
0x1e7: {  	s30 =	simm.s32 $0x40;
	s29 =	sand.u32 $0xC00, s28;
	s1 =	sand.u32 $0x3000, s31;
	v16 =	vcvt.f32.s32 v16;
	v17 =	vcvt.f32.s32 v17;
	v14 =	vadd.s32 v14, v1  }
0x1e8: {  	s30 =	sand.u32 $0x380, s30;
	s1 =	sor.u32 s29, s1;
	v18 =	vcvt.f32.s32 v18;
	v21 =	vmin.f32 v21, $2.550000000e+02;
	v15 =	vadd.s32 v15, v1  }
0x1e9: {  	s1 =	sor.u32 s30, s1;
	v19 =	vcvt.f32.s32 v19;
	v16 =	vadd.s32 v16, v1;
	v21 =	vtrunc.f32 v21  }
0x1ea: {  	v30 =	vld [tilespmem:s1+$0x40];
	v20 =	vcvt.f32.s32 v20;
	v17 =	vadd.s32 v17, v1;
	v21 =	vcvt.f32.s32 v21  }
0x1eb: {  	[tilespmem:v13+s24+$0x0] =	vst.idx.add.f32.msk $0xffff, v10;
	v13 =	vmul.f32 $2.560000000e+02, v22;
	v22 =	vmul.f32 v27, v12  }
0x1ec: {  	v18 =	vadd.s32 v18, v1;
	[tilespmem:v14+s24+$0x0] =	vst.idx.add.f32.msk $0xffff, v10;
	v14 =	vmul.f32 $2.560000000e+02, v23;
	v23 =	vmul.f32 v28, v12  }
0x1ed: {  	v21 =	vadd.s32 v21, v1;
	[tilespmem:v15+s24+$0x0] =	vst.idx.add.f32.msk $0xffff, v10;
	v15 =	vmul.f32 $2.560000000e+02, v24;
	v24 =	vmul.f32 $2.560000000e+02, v25  }
0x1ee: {  	[tilespmem:v16+s24+$0x0] =	vst.idx.add.f32.msk $0xffff, v10;
	v16 =	vmul.f32 $2.560000000e+02, v26;
	v13 =	vmin.f32 v13, $2.550000000e+02;
	v14 =	vmin.f32 v14, $2.550000000e+02  }
0x1ef: {  	[tilespmem:v17+s24+$0x0] =	vst.idx.add.f32.msk $0xffff, v10;
	v17 =	vmul.f32 $2.560000000e+02, v22;
	v15 =	vmin.f32 v15, $2.550000000e+02;
	v23 =	vmul.f32 $2.560000000e+02, v23  }
0x1f0: {  	v22 =	vmin.f32 v24, $2.550000000e+02;
	v24 =	vld [tilespmem:s1+$0x70];
	v13 =	vtrunc.f32 v13;
	v25 =	vtrunc.f32 v14  }
0x1f1: {  	v27 =	vld [tilespmem:s1+$0x30];
	v16 =	vmin.f32 v16, $2.550000000e+02;
	v15 =	vtrunc.f32 v15;
	v22 =	vtrunc.f32 v22  }
0x1f2: {  	[tilespmem:v21+s24+$0x0] =	vst.idx.add.f32.msk $0xffff, v10;
	v16 =	vtrunc.f32 v16;
	v17 =	vmin.f32 v17, $2.550000000e+02;
	v13 =	vcvt.f32.s32 v13  }
0x1f3: {  	v21 =	vld [tilespmem:s1+$0x0];
	v14 =	vmin.f32 v23, $2.550000000e+02;
	v25 =	vcvt.f32.s32 v25;
	v62 =	vcvt.f32.s32 v15  }
0x1f4: {  	v23 =	vadd.s32 v19, v1;
	v19 =	vld [tilespmem:s1+$0x10];
	v29 =	vcvt.f32.s32 v22;
	v17 =	vtrunc.f32 v17  }
0x1f5: {  	v26 =	vtrunc.f32 v14;
	v14 =	vadd.s32 v20, v1;
	v20 =	vld [tilespmem:s1+$0x20];
	v24 =	vsub.f32 v24, v11  }
0x1f6: {  	v16 =	vcvt.f32.s32 v16;
	v31 =	vadd.s32 v13, v1;
	v15 =	vcvt.f32.s32 v17  }
0x1f7: {  	v32 =	vld [tilespmem:s1+$0x50];
	v13 =	vcvt.f32.s32 v26;
	v33 =	vadd.s32 v25, v1;
	v24 =	vmul.f32 v24, v12  }
0x1f8: {  	v26 =	vld [tilespmem:s1+$0x60];
	v17 =	vadd.s32 v62, v1;
	v25 =	vsub.f32 v27, v11;
	v21 =	vsub.f32 v21, v11  }
0x1f9: {  	[tilespmem:v18+s24+$0x0] =	vst.idx.add.f32.msk $0xffff, v10;
	v27 =	vsub.f32 v30, v11;
	v19 =	vsub.f32 v19, v11;
	v24 =	vmul.f32 $2.560000000e+02, v24  }
0x1fa: {  	v18 =	vadd.s32 v29, v1;
	v22 =	vmul.f32 v21, v12;
	v21 =	vsub.f32 v20, v11  }
0x1fb: {  	[tilespmem:v23+s24+$0x0] =	vst.idx.add.f32.msk $0xffff, v10;
	v23 =	vmul.f32 v27, v12;
	v20 =	vmul.f32 v19, v12;
	v63 =	vmin.f32 v24, $2.550000000e+02  }
0x1fc: {  	[tilespmem:v31+s24+$0x0] =	vst.idx.add.f32.msk $0xffff, v10;
	v19 =	vmul.f32 v21, v12;
	v24 =	vsub.f32 v32, v11;
	v28 =	vtrunc.f32 v63  }
0x1fd: {  	s29 =	simm.s32 $0x10;
	[tilespmem:v33+s24+$0x0] =	vst.idx.add.f32.msk $0xffff, v10;
	v21 =	vmul.f32 v25, v12;
	v25 =	vsub.f32 v26, v11;
	v26 =	vcvt.f32.s32 v28  }
.LBB2_12:
0x1fe: {  	s29 =	sadd.s32 $0x8, s29;
	v22 =	vmul.f32 $2.560000000e+02, v22;
	v24 =	vmul.f32 v24, v12;
	[tilespmem:v17+s24+$0x0] =	vst.idx.add.f32.msk $0xffff, v10;
	v27 =	vadd.s32 v16, v1  }
0x1ff: {  	v16 =	vmul.f32 $2.560000000e+02, v20;
	s28 =	sadd.s32 $0x400, s28;
	s1 =	sshll.u32 s29, $0x4;
	p0 =	slt.u32 s29, $0x3F8;
	v17 =	vmul.f32 v25, v12;
	v20 =	vadd.s32 v26, v1;
	[tilespmem:v18+s24+$0x0] =	vst.idx.add.f32.msk $0xffff, v10  }
0x200: {  	v19 =	vmul.f32 $2.560000000e+02, v19;
	v21 =	vmul.f32 $2.560000000e+02, v21;
	s30 =	sand.u32 $0xC00, s28;
	s31 =	sshll.u32 s29, $0x2;
	s1 =	sand.u32 $0x3000, s1;
	v18 =	vmin.f32 v22, $2.550000000e+02;
	[tilespmem:v14+s24+$0x0] =	vst.idx.add.f32.msk $0xffff, v10  }
0x201: {  	s31 =	sand.u32 $0x380, s31;
	v14 =	vmin.f32 v16, $2.550000000e+02;
	v16 =	vmul.f32 $2.560000000e+02, v23;
	v22 =	vmul.f32 $2.560000000e+02, v24;
	s1 =	sor.u32 s30, s1  }
0x202: {  	v19 =	vmin.f32 v19, $2.550000000e+02;
	v21 =	vmin.f32 v21, $2.550000000e+02;
	v17 =	vmul.f32 $2.560000000e+02, v17;
	s1 =	sor.u32 s31, s1  }
0x203: {  	v18 =	vtrunc.f32 v18;
	v16 =	vmin.f32 v16, $2.550000000e+02;
	v22 =	vmin.f32 v22, $2.550000000e+02;
	v23 =	vld [tilespmem:s1+$0x70]  }
0x204: {  	v24 =	vtrunc.f32 v14;
	v19 =	vtrunc.f32 v19;
	v14 =	vmin.f32 v17, $2.550000000e+02;
	[tilespmem:v20+s24+$0x0] =	vst.idx.add.f32.msk $0xffff, v10  }
0x205: {  	v25 =	vadd.s32 v15, v1;
	v16 =	vtrunc.f32 v16;
	v20 =	vtrunc.f32 v21;
	v17 =	vld [tilespmem:s1+$0x0]  }
0x206: {  	v15 =	vtrunc.f32 v22;
	v22 =	vtrunc.f32 v14;
	v14 =	vadd.s32 v13, v1;
	v21 =	vld [tilespmem:s1+$0x10]  }
0x207: {  	v13 =	vcvt.f32.s32 v18;
	v18 =	vcvt.f32.s32 v24;
	v26 =	vld [tilespmem:s1+$0x20]  }
0x208: {  	v19 =	vcvt.f32.s32 v19;
	v28 =	vcvt.f32.s32 v20;
	v24 =	vld [tilespmem:s1+$0x30];
	v23 =	vsub.f32 v23, v11  }
0x209: {  	v16 =	vcvt.f32.s32 v16;
	v15 =	vcvt.f32.s32 v15;
	v30 =	vadd.s32 v13, v1;
	v29 =	vld [tilespmem:s1+$0x40]  }
0x20a: {  	v13 =	vcvt.f32.s32 v22;
	v20 =	vsub.f32 v17, v11;
	v31 =	vld [tilespmem:s1+$0x50];
	v23 =	vmul.f32 v23, v12  }
0x20b: {  	v33 =	vadd.s32 v18, v1;
	v17 =	vadd.s32 v19, v1;
	v21 =	vsub.f32 v21, v11;
	v32 =	vld [tilespmem:s1+$0x60]  }
.Ltmp5:
0x20c: {  	v22 =	vmul.f32 v20, v12;
	v19 =	vsub.f32 v26, v11;
	v23 =	vmul.f32 $2.560000000e+02, v23;
	[tilespmem:v27+s24+$0x0] =	vst.idx.add.f32.msk $0xffff, v10;
	(pc) =	sbr.rel @p0 .LBB2_12-.Ltmp5, $4  }
0x20d: {  	v18 =	vadd.s32 v28, v1;
	v20 =	vmul.f32 v21, v12;
	v21 =	vsub.f32 v24, v11  }
0x20e: {  	v19 =	vmul.f32 v19, v12;
	v26 =	vsub.f32 v29, v11;
	v23 =	vmin.f32 v23, $2.550000000e+02;
	[tilespmem:v30+s24+$0x0] =	vst.idx.add.f32.msk $0xffff, v10  }
0x20f: {  	v21 =	vmul.f32 v21, v12;
	v24 =	vsub.f32 v31, v11;
	v27 =	vtrunc.f32 v23;
	[tilespmem:v25+s24+$0x0] =	vst.idx.add.f32.msk $0xffff, v10  }
0x210: {  	v23 =	vmul.f32 v26, v12;
	v25 =	vsub.f32 v32, v11;
	v26 =	vcvt.f32.s32 v27;
	[tilespmem:v33+s24+$0x0] =	vst.idx.add.f32.msk $0xffff, v10  }
0x211: {  	v22 =	vmul.f32 $2.560000000e+02, v22  }
0x212: {  	v24 =	vmul.f32 v24, v12;
	v16 =	vadd.s32 v16, v1;
	v20 =	vmul.f32 $2.560000000e+02, v20  }
0x213: {  	v19 =	vmul.f32 $2.560000000e+02, v19;
	v21 =	vmul.f32 $2.560000000e+02, v21;
	v15 =	vadd.s32 v15, v1  }
0x214: {  	v13 =	vadd.s32 v13, v1;
	v25 =	vmul.f32 v25, v12;
	v23 =	vmul.f32 $2.560000000e+02, v23  }
0x215: {  	v22 =	vmin.f32 v22, $2.550000000e+02;
	v20 =	vmin.f32 v20, $2.550000000e+02;
	v24 =	vmul.f32 $2.560000000e+02, v24  }
0x216: {  	v19 =	vmin.f32 v19, $2.550000000e+02;
	v22 =	vtrunc.f32 v22;
	v25 =	vmul.f32 $2.560000000e+02, v25  }
0x217: {  	[tilespmem:v17+s24+$0x0] =	vst.idx.add.f32.msk $0xffff, v10;
	v21 =	vmin.f32 v21, $2.550000000e+02;
	v20 =	vtrunc.f32 v20;
	v17 =	vtrunc.f32 v19  }
0x218: {  	[tilespmem:v18+s24+$0x0] =	vst.idx.add.f32.msk $0xffff, v10;
	v26 =	vadd.s32 v26, v1;
	v18 =	vtrunc.f32 v21;
	v22 =	vcvt.f32.s32 v22  }
0x219: {  	v23 =	vmin.f32 v23, $2.550000000e+02;
	v19 =	vcvt.f32.s32 v20;
	v17 =	vcvt.f32.s32 v17  }
0x21a: {  	[tilespmem:v14+s24+$0x0] =	vst.idx.add.f32.msk $0xffff, v10;
	v14 =	vmin.f32 v24, $2.550000000e+02;
	v18 =	vcvt.f32.s32 v18;
	v20 =	vadd.s32 v22, v1  }
0x21b: {  	v21 =	vmin.f32 v25, $2.550000000e+02;
	v14 =	vtrunc.f32 v14;
	[tilespmem:v16+s24+$0x0] =	vst.idx.add.f32.msk $0xffff, v10;
	v17 =	vadd.s32 v17, v1  }
0x21c: {  	[tilespmem:v15+s24+$0x0] =	vst.idx.add.f32.msk $0xffff, v10;
	v19 =	vadd.s32 v19, v1;
	v22 =	vtrunc.f32 v23;
	v14 =	vcvt.f32.s32 v14  }
0x21d: {  	[tilespmem:v13+s24+$0x0] =	vst.idx.add.f32.msk $0xffff, v10;
	v16 =	vadd.s32 v18, v1;
	v18 =	vtrunc.f32 v21;
	v22 =	vcvt.f32.s32 v22  }
0x21e: {  	[tilespmem:v26+s24+$0x0] =	vst.idx.add.f32.msk $0xffff, v10;
	v18 =	vcvt.f32.s32 v18;
	v14 =	vadd.s32 v14, v1  }
0x21f: {  	v15 =	vadd.s32 v22, v1;
	[tilespmem:v20+s24+$0x0] =	vst.idx.add.f32.msk $0xffff, v10  }
0x220: {  	[tilespmem:v17+s24+$0x0] =	vst.idx.add.f32.msk $0xffff, v10;
	v17 =	vadd.s32 v18, v1  }
0x221: {  	[tilespmem:v19+s24+$0x0] =	vst.idx.add.f32.msk $0xffff, v10  }
0x222: {  	[tilespmem:v16+s24+$0x0] =	vst.idx.add.f32.msk $0xffff, v10  }
0x223: {  	[tilespmem:v14+s24+$0x0] =	vst.idx.add.f32.msk $0xffff, v10  }
0x224: {  	[tilespmem:v15+s24+$0x0] =	vst.idx.add.f32.msk $0xffff, v10  }
0x225: {  	s1 =	simm.s32 $0x0;
	s28 =	simm.s32 $0x0;
	s29 =	simm.s32 $0x0;
	[tilespmem:v17+s24+$0x0] =	vst.idx.add.f32.msk $0xffff, v10  }
0x226: {  	[tilespmem:s1], [sflag:$0x1] =	stream.linear.gather [hbm4b:s5+s1], $0x4000, $0x38;
	[tilespmem:$0x9900] =	vst v63  }
0x227: {  	s28 =	sand.u32 $0x3000, s28;
	s1 =	sand.u32 $0xC00, s1;
	_ =	swait.ge [sflag:s25], $0x4000  }
0x228: {  	s29 =	sand.u32 $0x380, s29;
	s1 =	sor.u32 s1, s28;
	[sflag:s25] =	ssyncset.done $0x0  }
0x229: {  	s1 =	sor.u32 s29, s1;
	[sflag:s25] =	ssyncadd.s32 $0xFFFFC000  }
0x22a: {  	v13 =	vld [tilespmem:s1+$0x4070]  }
0x22b: {  	v14 =	vld [tilespmem:s1+$0x4000]  }
0x22c: {  	v15 =	vld [tilespmem:s1+$0x4010]  }
0x22d: {  	v16 =	vld [tilespmem:s1+$0x4020]  }
0x22e: {  	v17 =	vld [tilespmem:s1+$0x4030]  }
0x22f: {  	v18 =	vld [tilespmem:s1+$0x4040]  }
0x230: {  	s30 =	simm.s32 $0x80;
	s28 =	simm.s32 $0x400;
	v19 =	vld [tilespmem:s1+$0x4050]  }
0x231: {  	s28 =	sand.u32 $0xC00, s28;
	s29 =	simm.s32 $0x20;
	v20 =	vld [tilespmem:s1+$0x4060];
	s1 =	sand.u32 $0x3000, s30  }
0x232: {  	s29 =	sand.u32 $0x380, s29;
	s1 =	sor.u32 s28, s1  }
0x233: {  	s1 =	sor.u32 s29, s1;
	v13 =	vsub.f32 v13, v11;
	v14 =	vsub.f32 v14, v11  }
0x234: {  	v21 =	vld [tilespmem:s1+$0x4070];
	v15 =	vsub.f32 v15, v11;
	v16 =	vsub.f32 v16, v11  }
0x235: {  	v22 =	vld [tilespmem:s1+$0x4000];
	v17 =	vsub.f32 v17, v11;
	v18 =	vsub.f32 v18, v11  }
0x236: {  	v23 =	vld [tilespmem:s1+$0x4010];
	v19 =	vsub.f32 v19, v11;
	v13 =	vmul.f32 v13, v12;
	v14 =	vmul.f32 v14, v12  }
0x237: {  	v24 =	vld [tilespmem:s1+$0x4020];
	v20 =	vsub.f32 v20, v11;
	v15 =	vmul.f32 v15, v12;
	v16 =	vmul.f32 v16, v12  }
0x238: {  	v25 =	vld [tilespmem:s1+$0x4030];
	v17 =	vmul.f32 v17, v12;
	v18 =	vmul.f32 v18, v12  }
0x239: {  	v26 =	vld [tilespmem:s1+$0x4040];
	v19 =	vmul.f32 v19, v12;
	v20 =	vmul.f32 v20, v12;
	v21 =	vsub.f32 v21, v11  }
0x23a: {  	v27 =	vld [tilespmem:s1+$0x4050];
	v22 =	vsub.f32 v22, v11;
	v13 =	vmul.f32 $2.560000000e+02, v13;
	v14 =	vmul.f32 $2.560000000e+02, v14  }
0x23b: {  	v23 =	vsub.f32 v23, v11;
	v15 =	vmul.f32 $2.560000000e+02, v15;
	v16 =	vmul.f32 $2.560000000e+02, v16  }
0x23c: {  	v24 =	vsub.f32 v24, v11;
	v17 =	vmul.f32 $2.560000000e+02, v17;
	v18 =	vmul.f32 $2.560000000e+02, v18  }
0x23d: {  	v25 =	vsub.f32 v25, v11;
	v19 =	vmul.f32 $2.560000000e+02, v19;
	v20 =	vmul.f32 $2.560000000e+02, v20  }
0x23e: {  	v26 =	vsub.f32 v26, v11;
	v21 =	vmul.f32 v21, v12;
	v22 =	vmul.f32 v22, v12  }
0x23f: {  	v27 =	vsub.f32 v27, v11;
	v23 =	vmul.f32 v23, v12;
	v24 =	vmul.f32 v24, v12  }
0x240: {  	v25 =	vmul.f32 v25, v12;
	v26 =	vmul.f32 v26, v12;
	v13 =	vmin.f32 v13, $2.550000000e+02  }
0x241: {  	v28 =	vld [tilespmem:s1+$0x4060];
	v14 =	vmin.f32 v14, $2.550000000e+02;
	v15 =	vmin.f32 v15, $2.550000000e+02;
	v16 =	vmin.f32 v16, $2.550000000e+02  }
0x242: {  	v17 =	vmin.f32 v17, $2.550000000e+02;
	v13 =	vtrunc.f32 v13;
	v14 =	vtrunc.f32 v14  }
0x243: {  	v18 =	vmin.f32 v18, $2.550000000e+02;
	v15 =	vtrunc.f32 v15;
	v16 =	vtrunc.f32 v16  }
0x244: {  	v19 =	vmin.f32 v19, $2.550000000e+02;
	v17 =	vtrunc.f32 v17;
	v18 =	vtrunc.f32 v18  }
0x245: {  	v20 =	vmin.f32 v20, $2.550000000e+02;
	v19 =	vtrunc.f32 v19;
	v13 =	vcvt.f32.s32 v13  }
0x246: {  	v28 =	vsub.f32 v28, v11;
	v20 =	vtrunc.f32 v20;
	v14 =	vcvt.f32.s32 v14  }
0x247: {  	s31 =	simm.s32 $0x100;
	s28 =	simm.s32 $0x800;
	v21 =	vmul.f32 $2.560000000e+02, v21;
	v15 =	vcvt.f32.s32 v15;
	v13 =	vadd.s32 v13, v2  }
0x248: {  	s30 =	simm.s32 $0x40;
	s29 =	sand.u32 $0xC00, s28;
	s1 =	sand.u32 $0x3000, s31;
	v16 =	vcvt.f32.s32 v16;
	v17 =	vcvt.f32.s32 v17;
	v14 =	vadd.s32 v14, v2  }
0x249: {  	s30 =	sand.u32 $0x380, s30;
	s1 =	sor.u32 s29, s1;
	v18 =	vcvt.f32.s32 v18;
	v21 =	vmin.f32 v21, $2.550000000e+02;
	v15 =	vadd.s32 v15, v2  }
0x24a: {  	s1 =	sor.u32 s30, s1;
	v19 =	vcvt.f32.s32 v19;
	v16 =	vadd.s32 v16, v2;
	v21 =	vtrunc.f32 v21  }
0x24b: {  	v30 =	vld [tilespmem:s1+$0x4040];
	v20 =	vcvt.f32.s32 v20;
	v17 =	vadd.s32 v17, v2;
	v21 =	vcvt.f32.s32 v21  }
0x24c: {  	[tilespmem:v13+s24+$0x0] =	vst.idx.add.f32.msk $0xffff, v10;
	v13 =	vmul.f32 $2.560000000e+02, v22;
	v22 =	vmul.f32 v27, v12  }
0x24d: {  	v18 =	vadd.s32 v18, v2;
	[tilespmem:v14+s24+$0x0] =	vst.idx.add.f32.msk $0xffff, v10;
	v14 =	vmul.f32 $2.560000000e+02, v23;
	v23 =	vmul.f32 v28, v12  }
0x24e: {  	v21 =	vadd.s32 v21, v2;
	[tilespmem:v15+s24+$0x0] =	vst.idx.add.f32.msk $0xffff, v10;
	v15 =	vmul.f32 $2.560000000e+02, v24;
	v24 =	vmul.f32 $2.560000000e+02, v25  }
0x24f: {  	[tilespmem:v16+s24+$0x0] =	vst.idx.add.f32.msk $0xffff, v10;
	v16 =	vmul.f32 $2.560000000e+02, v26;
	v13 =	vmin.f32 v13, $2.550000000e+02;
	v14 =	vmin.f32 v14, $2.550000000e+02  }
0x250: {  	[tilespmem:v17+s24+$0x0] =	vst.idx.add.f32.msk $0xffff, v10;
	v17 =	vmul.f32 $2.560000000e+02, v22;
	v15 =	vmin.f32 v15, $2.550000000e+02;
	v23 =	vmul.f32 $2.560000000e+02, v23  }
0x251: {  	v22 =	vmin.f32 v24, $2.550000000e+02;
	v24 =	vld [tilespmem:s1+$0x4070];
	v13 =	vtrunc.f32 v13;
	v25 =	vtrunc.f32 v14  }
0x252: {  	v27 =	vld [tilespmem:s1+$0x4030];
	v16 =	vmin.f32 v16, $2.550000000e+02;
	v15 =	vtrunc.f32 v15;
	v22 =	vtrunc.f32 v22  }
0x253: {  	[tilespmem:v21+s24+$0x0] =	vst.idx.add.f32.msk $0xffff, v10;
	v16 =	vtrunc.f32 v16;
	v17 =	vmin.f32 v17, $2.550000000e+02;
	v13 =	vcvt.f32.s32 v13  }
0x254: {  	v21 =	vld [tilespmem:s1+$0x4000];
	v14 =	vmin.f32 v23, $2.550000000e+02;
	v25 =	vcvt.f32.s32 v25;
	v62 =	vcvt.f32.s32 v15  }
0x255: {  	v23 =	vadd.s32 v19, v2;
	v19 =	vld [tilespmem:s1+$0x4010];
	v29 =	vcvt.f32.s32 v22;
	v17 =	vtrunc.f32 v17  }
0x256: {  	v26 =	vtrunc.f32 v14;
	v14 =	vadd.s32 v20, v2;
	v20 =	vld [tilespmem:s1+$0x4020];
	v24 =	vsub.f32 v24, v11  }
0x257: {  	v16 =	vcvt.f32.s32 v16;
	v31 =	vadd.s32 v13, v2;
	v15 =	vcvt.f32.s32 v17  }
0x258: {  	v32 =	vld [tilespmem:s1+$0x4050];
	v13 =	vcvt.f32.s32 v26;
	v33 =	vadd.s32 v25, v2;
	v24 =	vmul.f32 v24, v12  }
0x259: {  	v26 =	vld [tilespmem:s1+$0x4060];
	v17 =	vadd.s32 v62, v2;
	v25 =	vsub.f32 v27, v11;
	v21 =	vsub.f32 v21, v11  }
0x25a: {  	[tilespmem:v18+s24+$0x0] =	vst.idx.add.f32.msk $0xffff, v10;
	v27 =	vsub.f32 v30, v11;
	v19 =	vsub.f32 v19, v11;
	v24 =	vmul.f32 $2.560000000e+02, v24  }
0x25b: {  	v18 =	vadd.s32 v29, v2;
	v22 =	vmul.f32 v21, v12;
	v21 =	vsub.f32 v20, v11  }
0x25c: {  	[tilespmem:v23+s24+$0x0] =	vst.idx.add.f32.msk $0xffff, v10;
	v23 =	vmul.f32 v27, v12;
	v20 =	vmul.f32 v19, v12;
	v63 =	vmin.f32 v24, $2.550000000e+02  }
0x25d: {  	[tilespmem:v31+s24+$0x0] =	vst.idx.add.f32.msk $0xffff, v10;
	v19 =	vmul.f32 v21, v12;
	v24 =	vsub.f32 v32, v11;
	v28 =	vtrunc.f32 v63  }
0x25e: {  	s29 =	simm.s32 $0x10;
	[tilespmem:v33+s24+$0x0] =	vst.idx.add.f32.msk $0xffff, v10;
	v21 =	vmul.f32 v25, v12;
	v25 =	vsub.f32 v26, v11;
	v26 =	vcvt.f32.s32 v28  }
.LBB2_14:
0x25f: {  	s29 =	sadd.s32 $0x8, s29;
	v22 =	vmul.f32 $2.560000000e+02, v22;
	v24 =	vmul.f32 v24, v12;
	[tilespmem:v17+s24+$0x0] =	vst.idx.add.f32.msk $0xffff, v10;
	v27 =	vadd.s32 v16, v2  }
0x260: {  	v16 =	vmul.f32 $2.560000000e+02, v20;
	s28 =	sadd.s32 $0x400, s28;
	s1 =	sshll.u32 s29, $0x4;
	p0 =	slt.u32 s29, $0x3F8;
	v17 =	vmul.f32 v25, v12;
	v20 =	vadd.s32 v26, v2;
	[tilespmem:v18+s24+$0x0] =	vst.idx.add.f32.msk $0xffff, v10  }
0x261: {  	v19 =	vmul.f32 $2.560000000e+02, v19;
	v21 =	vmul.f32 $2.560000000e+02, v21;
	s30 =	sand.u32 $0xC00, s28;
	s31 =	sshll.u32 s29, $0x2;
	s1 =	sand.u32 $0x3000, s1;
	v18 =	vmin.f32 v22, $2.550000000e+02;
	[tilespmem:v14+s24+$0x0] =	vst.idx.add.f32.msk $0xffff, v10  }
0x262: {  	s31 =	sand.u32 $0x380, s31;
	v14 =	vmin.f32 v16, $2.550000000e+02;
	v16 =	vmul.f32 $2.560000000e+02, v23;
	v22 =	vmul.f32 $2.560000000e+02, v24;
	s1 =	sor.u32 s30, s1  }
0x263: {  	v19 =	vmin.f32 v19, $2.550000000e+02;
	v21 =	vmin.f32 v21, $2.550000000e+02;
	v17 =	vmul.f32 $2.560000000e+02, v17;
	s1 =	sor.u32 s31, s1  }
0x264: {  	v18 =	vtrunc.f32 v18;
	v16 =	vmin.f32 v16, $2.550000000e+02;
	v22 =	vmin.f32 v22, $2.550000000e+02;
	v23 =	vld [tilespmem:s1+$0x4070]  }
0x265: {  	v24 =	vtrunc.f32 v14;
	v19 =	vtrunc.f32 v19;
	v14 =	vmin.f32 v17, $2.550000000e+02;
	[tilespmem:v20+s24+$0x0] =	vst.idx.add.f32.msk $0xffff, v10  }
0x266: {  	v25 =	vadd.s32 v15, v2;
	v16 =	vtrunc.f32 v16;
	v20 =	vtrunc.f32 v21;
	v17 =	vld [tilespmem:s1+$0x4000]  }
0x267: {  	v15 =	vtrunc.f32 v22;
	v22 =	vtrunc.f32 v14;
	v14 =	vadd.s32 v13, v2;
	v21 =	vld [tilespmem:s1+$0x4010]  }
0x268: {  	v13 =	vcvt.f32.s32 v18;
	v18 =	vcvt.f32.s32 v24;
	v26 =	vld [tilespmem:s1+$0x4020]  }
0x269: {  	v19 =	vcvt.f32.s32 v19;
	v28 =	vcvt.f32.s32 v20;
	v24 =	vld [tilespmem:s1+$0x4030];
	v23 =	vsub.f32 v23, v11  }
0x26a: {  	v16 =	vcvt.f32.s32 v16;
	v15 =	vcvt.f32.s32 v15;
	v30 =	vadd.s32 v13, v2;
	v29 =	vld [tilespmem:s1+$0x4040]  }
0x26b: {  	v13 =	vcvt.f32.s32 v22;
	v20 =	vsub.f32 v17, v11;
	v31 =	vld [tilespmem:s1+$0x4050];
	v23 =	vmul.f32 v23, v12  }
0x26c: {  	v33 =	vadd.s32 v18, v2;
	v17 =	vadd.s32 v19, v2;
	v21 =	vsub.f32 v21, v11;
	v32 =	vld [tilespmem:s1+$0x4060]  }
.Ltmp6:
0x26d: {  	v22 =	vmul.f32 v20, v12;
	v19 =	vsub.f32 v26, v11;
	v23 =	vmul.f32 $2.560000000e+02, v23;
	[tilespmem:v27+s24+$0x0] =	vst.idx.add.f32.msk $0xffff, v10;
	(pc) =	sbr.rel @p0 .LBB2_14-.Ltmp6, $4  }
0x26e: {  	v18 =	vadd.s32 v28, v2;
	v20 =	vmul.f32 v21, v12;
	v21 =	vsub.f32 v24, v11  }
0x26f: {  	v19 =	vmul.f32 v19, v12;
	v26 =	vsub.f32 v29, v11;
	v23 =	vmin.f32 v23, $2.550000000e+02;
	[tilespmem:v30+s24+$0x0] =	vst.idx.add.f32.msk $0xffff, v10  }
0x270: {  	v21 =	vmul.f32 v21, v12;
	v24 =	vsub.f32 v31, v11;
	v27 =	vtrunc.f32 v23;
	[tilespmem:v25+s24+$0x0] =	vst.idx.add.f32.msk $0xffff, v10  }
0x271: {  	v23 =	vmul.f32 v26, v12;
	v25 =	vsub.f32 v32, v11;
	v26 =	vcvt.f32.s32 v27;
	[tilespmem:v33+s24+$0x0] =	vst.idx.add.f32.msk $0xffff, v10  }
0x272: {  	v22 =	vmul.f32 $2.560000000e+02, v22  }
0x273: {  	v24 =	vmul.f32 v24, v12;
	v16 =	vadd.s32 v16, v2;
	v20 =	vmul.f32 $2.560000000e+02, v20  }
0x274: {  	v19 =	vmul.f32 $2.560000000e+02, v19;
	v21 =	vmul.f32 $2.560000000e+02, v21;
	v15 =	vadd.s32 v15, v2  }
0x275: {  	v13 =	vadd.s32 v13, v2;
	v25 =	vmul.f32 v25, v12;
	v23 =	vmul.f32 $2.560000000e+02, v23  }
0x276: {  	v22 =	vmin.f32 v22, $2.550000000e+02;
	v20 =	vmin.f32 v20, $2.550000000e+02;
	v24 =	vmul.f32 $2.560000000e+02, v24  }
0x277: {  	v19 =	vmin.f32 v19, $2.550000000e+02;
	v22 =	vtrunc.f32 v22;
	v25 =	vmul.f32 $2.560000000e+02, v25  }
0x278: {  	[tilespmem:v17+s24+$0x0] =	vst.idx.add.f32.msk $0xffff, v10;
	v21 =	vmin.f32 v21, $2.550000000e+02;
	v20 =	vtrunc.f32 v20;
	v17 =	vtrunc.f32 v19  }
0x279: {  	[tilespmem:v18+s24+$0x0] =	vst.idx.add.f32.msk $0xffff, v10;
	v26 =	vadd.s32 v26, v2;
	v18 =	vtrunc.f32 v21;
	v22 =	vcvt.f32.s32 v22  }
0x27a: {  	v23 =	vmin.f32 v23, $2.550000000e+02;
	v19 =	vcvt.f32.s32 v20;
	v17 =	vcvt.f32.s32 v17  }
0x27b: {  	[tilespmem:v14+s24+$0x0] =	vst.idx.add.f32.msk $0xffff, v10;
	v14 =	vmin.f32 v24, $2.550000000e+02;
	v18 =	vcvt.f32.s32 v18;
	v20 =	vadd.s32 v22, v2  }
0x27c: {  	v21 =	vmin.f32 v25, $2.550000000e+02;
	v14 =	vtrunc.f32 v14;
	[tilespmem:v16+s24+$0x0] =	vst.idx.add.f32.msk $0xffff, v10;
	v17 =	vadd.s32 v17, v2  }
0x27d: {  	[tilespmem:v15+s24+$0x0] =	vst.idx.add.f32.msk $0xffff, v10;
	v19 =	vadd.s32 v19, v2;
	v22 =	vtrunc.f32 v23;
	v14 =	vcvt.f32.s32 v14  }
0x27e: {  	[tilespmem:v13+s24+$0x0] =	vst.idx.add.f32.msk $0xffff, v10;
	v16 =	vadd.s32 v18, v2;
	v18 =	vtrunc.f32 v21;
	v22 =	vcvt.f32.s32 v22  }
0x27f: {  	[tilespmem:v26+s24+$0x0] =	vst.idx.add.f32.msk $0xffff, v10;
	v18 =	vcvt.f32.s32 v18;
	v14 =	vadd.s32 v14, v2  }
0x280: {  	v15 =	vadd.s32 v22, v2;
	[tilespmem:v20+s24+$0x0] =	vst.idx.add.f32.msk $0xffff, v10  }
0x281: {  	[tilespmem:v17+s24+$0x0] =	vst.idx.add.f32.msk $0xffff, v10;
	v17 =	vadd.s32 v18, v2  }
0x282: {  	[tilespmem:v19+s24+$0x0] =	vst.idx.add.f32.msk $0xffff, v10  }
0x283: {  	[tilespmem:v16+s24+$0x0] =	vst.idx.add.f32.msk $0xffff, v10  }
0x284: {  	[tilespmem:v14+s24+$0x0] =	vst.idx.add.f32.msk $0xffff, v10  }
0x285: {  	[tilespmem:v15+s24+$0x0] =	vst.idx.add.f32.msk $0xffff, v10  }
0x286: {  	s1 =	simm.s32 $0x0;
	s28 =	simm.s32 $0x0;
	s29 =	simm.s32 $0x0;
	[tilespmem:v17+s24+$0x0] =	vst.idx.add.f32.msk $0xffff, v10  }
0x287: {  	[tilespmem:s22], [sflag:$0x2] =	stream.linear.gather [hbm4b:s6+s1], $0x4000, $0x38;
	[tilespmem:$0x9900] =	vst v63  }
0x288: {  	s28 =	sand.u32 $0x3000, s28;
	s1 =	sand.u32 $0xC00, s1;
	_ =	swait.ge [sflag:s23], $0x4000  }
0x289: {  	s29 =	sand.u32 $0x380, s29;
	s1 =	sor.u32 s1, s28;
	[sflag:s23] =	ssyncset.done $0x0  }
0x28a: {  	s1 =	sor.u32 s29, s1;
	[sflag:s23] =	ssyncadd.s32 $0xFFFFC000  }
0x28b: {  	v13 =	vld [tilespmem:s1+$0x70]  }
0x28c: {  	v14 =	vld [tilespmem:s1+$0x0]  }
0x28d: {  	v15 =	vld [tilespmem:s1+$0x10]  }
0x28e: {  	v16 =	vld [tilespmem:s1+$0x20]  }
0x28f: {  	v17 =	vld [tilespmem:s1+$0x30]  }
0x290: {  	v18 =	vld [tilespmem:s1+$0x40]  }
0x291: {  	s30 =	simm.s32 $0x80;
	s28 =	simm.s32 $0x400;
	v19 =	vld [tilespmem:s1+$0x50]  }
0x292: {  	s28 =	sand.u32 $0xC00, s28;
	s29 =	simm.s32 $0x20;
	v20 =	vld [tilespmem:s1+$0x60];
	s1 =	sand.u32 $0x3000, s30  }
0x293: {  	s29 =	sand.u32 $0x380, s29;
	s1 =	sor.u32 s28, s1  }
0x294: {  	s1 =	sor.u32 s29, s1;
	v13 =	vsub.f32 v13, v11;
	v14 =	vsub.f32 v14, v11  }
0x295: {  	v21 =	vld [tilespmem:s1+$0x70];
	v15 =	vsub.f32 v15, v11;
	v16 =	vsub.f32 v16, v11  }
0x296: {  	v22 =	vld [tilespmem:s1+$0x0];
	v17 =	vsub.f32 v17, v11;
	v18 =	vsub.f32 v18, v11  }
0x297: {  	v23 =	vld [tilespmem:s1+$0x10];
	v19 =	vsub.f32 v19, v11;
	v13 =	vmul.f32 v13, v12;
	v14 =	vmul.f32 v14, v12  }
0x298: {  	v24 =	vld [tilespmem:s1+$0x20];
	v20 =	vsub.f32 v20, v11;
	v15 =	vmul.f32 v15, v12;
	v16 =	vmul.f32 v16, v12  }
0x299: {  	v25 =	vld [tilespmem:s1+$0x30];
	v17 =	vmul.f32 v17, v12;
	v18 =	vmul.f32 v18, v12  }
0x29a: {  	v26 =	vld [tilespmem:s1+$0x40];
	v19 =	vmul.f32 v19, v12;
	v20 =	vmul.f32 v20, v12;
	v21 =	vsub.f32 v21, v11  }
0x29b: {  	v27 =	vld [tilespmem:s1+$0x50];
	v22 =	vsub.f32 v22, v11;
	v13 =	vmul.f32 $2.560000000e+02, v13;
	v14 =	vmul.f32 $2.560000000e+02, v14  }
0x29c: {  	v23 =	vsub.f32 v23, v11;
	v15 =	vmul.f32 $2.560000000e+02, v15;
	v16 =	vmul.f32 $2.560000000e+02, v16  }
0x29d: {  	v24 =	vsub.f32 v24, v11;
	v17 =	vmul.f32 $2.560000000e+02, v17;
	v18 =	vmul.f32 $2.560000000e+02, v18  }
0x29e: {  	v25 =	vsub.f32 v25, v11;
	v19 =	vmul.f32 $2.560000000e+02, v19;
	v20 =	vmul.f32 $2.560000000e+02, v20  }
0x29f: {  	v26 =	vsub.f32 v26, v11;
	v21 =	vmul.f32 v21, v12;
	v22 =	vmul.f32 v22, v12  }
0x2a0: {  	v27 =	vsub.f32 v27, v11;
	v23 =	vmul.f32 v23, v12;
	v24 =	vmul.f32 v24, v12  }
0x2a1: {  	v25 =	vmul.f32 v25, v12;
	v26 =	vmul.f32 v26, v12;
	v13 =	vmin.f32 v13, $2.550000000e+02  }
0x2a2: {  	v28 =	vld [tilespmem:s1+$0x60];
	v14 =	vmin.f32 v14, $2.550000000e+02;
	v15 =	vmin.f32 v15, $2.550000000e+02;
	v16 =	vmin.f32 v16, $2.550000000e+02  }
0x2a3: {  	v17 =	vmin.f32 v17, $2.550000000e+02;
	v13 =	vtrunc.f32 v13;
	v14 =	vtrunc.f32 v14  }
0x2a4: {  	v18 =	vmin.f32 v18, $2.550000000e+02;
	v15 =	vtrunc.f32 v15;
	v16 =	vtrunc.f32 v16  }
0x2a5: {  	v19 =	vmin.f32 v19, $2.550000000e+02;
	v17 =	vtrunc.f32 v17;
	v18 =	vtrunc.f32 v18  }
0x2a6: {  	v20 =	vmin.f32 v20, $2.550000000e+02;
	v19 =	vtrunc.f32 v19;
	v13 =	vcvt.f32.s32 v13  }
0x2a7: {  	v28 =	vsub.f32 v28, v11;
	v20 =	vtrunc.f32 v20;
	v14 =	vcvt.f32.s32 v14  }
0x2a8: {  	s31 =	simm.s32 $0x100;
	s28 =	simm.s32 $0x800;
	v21 =	vmul.f32 $2.560000000e+02, v21;
	v15 =	vcvt.f32.s32 v15;
	v13 =	vadd.s32 v13, v3  }
0x2a9: {  	s30 =	simm.s32 $0x40;
	s29 =	sand.u32 $0xC00, s28;
	s1 =	sand.u32 $0x3000, s31;
	v16 =	vcvt.f32.s32 v16;
	v17 =	vcvt.f32.s32 v17;
	v14 =	vadd.s32 v14, v3  }
0x2aa: {  	s30 =	sand.u32 $0x380, s30;
	s1 =	sor.u32 s29, s1;
	v18 =	vcvt.f32.s32 v18;
	v21 =	vmin.f32 v21, $2.550000000e+02;
	v15 =	vadd.s32 v15, v3  }
0x2ab: {  	s1 =	sor.u32 s30, s1;
	v19 =	vcvt.f32.s32 v19;
	v16 =	vadd.s32 v16, v3;
	v21 =	vtrunc.f32 v21  }
0x2ac: {  	v30 =	vld [tilespmem:s1+$0x40];
	v20 =	vcvt.f32.s32 v20;
	v17 =	vadd.s32 v17, v3;
	v21 =	vcvt.f32.s32 v21  }
0x2ad: {  	[tilespmem:v13+s24+$0x0] =	vst.idx.add.f32.msk $0xffff, v10;
	v13 =	vmul.f32 $2.560000000e+02, v22;
	v22 =	vmul.f32 v27, v12  }
0x2ae: {  	v18 =	vadd.s32 v18, v3;
	[tilespmem:v14+s24+$0x0] =	vst.idx.add.f32.msk $0xffff, v10;
	v14 =	vmul.f32 $2.560000000e+02, v23;
	v23 =	vmul.f32 v28, v12  }
0x2af: {  	v21 =	vadd.s32 v21, v3;
	[tilespmem:v15+s24+$0x0] =	vst.idx.add.f32.msk $0xffff, v10;
	v15 =	vmul.f32 $2.560000000e+02, v24;
	v24 =	vmul.f32 $2.560000000e+02, v25  }
0x2b0: {  	[tilespmem:v16+s24+$0x0] =	vst.idx.add.f32.msk $0xffff, v10;
	v16 =	vmul.f32 $2.560000000e+02, v26;
	v13 =	vmin.f32 v13, $2.550000000e+02;
	v14 =	vmin.f32 v14, $2.550000000e+02  }
0x2b1: {  	[tilespmem:v17+s24+$0x0] =	vst.idx.add.f32.msk $0xffff, v10;
	v17 =	vmul.f32 $2.560000000e+02, v22;
	v15 =	vmin.f32 v15, $2.550000000e+02;
	v23 =	vmul.f32 $2.560000000e+02, v23  }
0x2b2: {  	v22 =	vmin.f32 v24, $2.550000000e+02;
	v24 =	vld [tilespmem:s1+$0x70];
	v13 =	vtrunc.f32 v13;
	v25 =	vtrunc.f32 v14  }
0x2b3: {  	v27 =	vld [tilespmem:s1+$0x30];
	v16 =	vmin.f32 v16, $2.550000000e+02;
	v15 =	vtrunc.f32 v15;
	v22 =	vtrunc.f32 v22  }
0x2b4: {  	[tilespmem:v21+s24+$0x0] =	vst.idx.add.f32.msk $0xffff, v10;
	v16 =	vtrunc.f32 v16;
	v17 =	vmin.f32 v17, $2.550000000e+02;
	v13 =	vcvt.f32.s32 v13  }
0x2b5: {  	v21 =	vld [tilespmem:s1+$0x0];
	v14 =	vmin.f32 v23, $2.550000000e+02;
	v25 =	vcvt.f32.s32 v25;
	v62 =	vcvt.f32.s32 v15  }
0x2b6: {  	v23 =	vadd.s32 v19, v3;
	v19 =	vld [tilespmem:s1+$0x10];
	v29 =	vcvt.f32.s32 v22;
	v17 =	vtrunc.f32 v17  }
0x2b7: {  	v26 =	vtrunc.f32 v14;
	v14 =	vadd.s32 v20, v3;
	v20 =	vld [tilespmem:s1+$0x20];
	v24 =	vsub.f32 v24, v11  }
0x2b8: {  	v16 =	vcvt.f32.s32 v16;
	v31 =	vadd.s32 v13, v3;
	v15 =	vcvt.f32.s32 v17  }
0x2b9: {  	v32 =	vld [tilespmem:s1+$0x50];
	v13 =	vcvt.f32.s32 v26;
	v33 =	vadd.s32 v25, v3;
	v24 =	vmul.f32 v24, v12  }
0x2ba: {  	v26 =	vld [tilespmem:s1+$0x60];
	v17 =	vadd.s32 v62, v3;
	v25 =	vsub.f32 v27, v11;
	v21 =	vsub.f32 v21, v11  }
0x2bb: {  	[tilespmem:v18+s24+$0x0] =	vst.idx.add.f32.msk $0xffff, v10;
	v27 =	vsub.f32 v30, v11;
	v19 =	vsub.f32 v19, v11;
	v24 =	vmul.f32 $2.560000000e+02, v24  }
0x2bc: {  	v18 =	vadd.s32 v29, v3;
	v22 =	vmul.f32 v21, v12;
	v21 =	vsub.f32 v20, v11  }
0x2bd: {  	[tilespmem:v23+s24+$0x0] =	vst.idx.add.f32.msk $0xffff, v10;
	v23 =	vmul.f32 v27, v12;
	v20 =	vmul.f32 v19, v12;
	v63 =	vmin.f32 v24, $2.550000000e+02  }
0x2be: {  	[tilespmem:v31+s24+$0x0] =	vst.idx.add.f32.msk $0xffff, v10;
	v19 =	vmul.f32 v21, v12;
	v24 =	vsub.f32 v32, v11;
	v28 =	vtrunc.f32 v63  }
0x2bf: {  	s29 =	simm.s32 $0x10;
	[tilespmem:v33+s24+$0x0] =	vst.idx.add.f32.msk $0xffff, v10;
	v21 =	vmul.f32 v25, v12;
	v25 =	vsub.f32 v26, v11;
	v26 =	vcvt.f32.s32 v28  }
.LBB2_16:
0x2c0: {  	s29 =	sadd.s32 $0x8, s29;
	v22 =	vmul.f32 $2.560000000e+02, v22;
	v24 =	vmul.f32 v24, v12;
	[tilespmem:v17+s24+$0x0] =	vst.idx.add.f32.msk $0xffff, v10;
	v27 =	vadd.s32 v16, v3  }
0x2c1: {  	v16 =	vmul.f32 $2.560000000e+02, v20;
	s28 =	sadd.s32 $0x400, s28;
	s1 =	sshll.u32 s29, $0x4;
	p0 =	slt.u32 s29, $0x3F8;
	v17 =	vmul.f32 v25, v12;
	v20 =	vadd.s32 v26, v3;
	[tilespmem:v18+s24+$0x0] =	vst.idx.add.f32.msk $0xffff, v10  }
0x2c2: {  	v19 =	vmul.f32 $2.560000000e+02, v19;
	v21 =	vmul.f32 $2.560000000e+02, v21;
	s30 =	sand.u32 $0xC00, s28;
	s31 =	sshll.u32 s29, $0x2;
	s1 =	sand.u32 $0x3000, s1;
	v18 =	vmin.f32 v22, $2.550000000e+02;
	[tilespmem:v14+s24+$0x0] =	vst.idx.add.f32.msk $0xffff, v10  }
0x2c3: {  	s31 =	sand.u32 $0x380, s31;
	v14 =	vmin.f32 v16, $2.550000000e+02;
	v16 =	vmul.f32 $2.560000000e+02, v23;
	v22 =	vmul.f32 $2.560000000e+02, v24;
	s1 =	sor.u32 s30, s1  }
0x2c4: {  	v19 =	vmin.f32 v19, $2.550000000e+02;
	v21 =	vmin.f32 v21, $2.550000000e+02;
	v17 =	vmul.f32 $2.560000000e+02, v17;
	s1 =	sor.u32 s31, s1  }
0x2c5: {  	v18 =	vtrunc.f32 v18;
	v16 =	vmin.f32 v16, $2.550000000e+02;
	v22 =	vmin.f32 v22, $2.550000000e+02;
	v23 =	vld [tilespmem:s1+$0x70]  }
0x2c6: {  	v24 =	vtrunc.f32 v14;
	v19 =	vtrunc.f32 v19;
	v14 =	vmin.f32 v17, $2.550000000e+02;
	[tilespmem:v20+s24+$0x0] =	vst.idx.add.f32.msk $0xffff, v10  }
0x2c7: {  	v25 =	vadd.s32 v15, v3;
	v16 =	vtrunc.f32 v16;
	v20 =	vtrunc.f32 v21;
	v17 =	vld [tilespmem:s1+$0x0]  }
0x2c8: {  	v15 =	vtrunc.f32 v22;
	v22 =	vtrunc.f32 v14;
	v14 =	vadd.s32 v13, v3;
	v21 =	vld [tilespmem:s1+$0x10]  }
0x2c9: {  	v13 =	vcvt.f32.s32 v18;
	v18 =	vcvt.f32.s32 v24;
	v26 =	vld [tilespmem:s1+$0x20]  }
0x2ca: {  	v19 =	vcvt.f32.s32 v19;
	v28 =	vcvt.f32.s32 v20;
	v24 =	vld [tilespmem:s1+$0x30];
	v23 =	vsub.f32 v23, v11  }
0x2cb: {  	v16 =	vcvt.f32.s32 v16;
	v15 =	vcvt.f32.s32 v15;
	v30 =	vadd.s32 v13, v3;
	v29 =	vld [tilespmem:s1+$0x40]  }
0x2cc: {  	v13 =	vcvt.f32.s32 v22;
	v20 =	vsub.f32 v17, v11;
	v31 =	vld [tilespmem:s1+$0x50];
	v23 =	vmul.f32 v23, v12  }
0x2cd: {  	v33 =	vadd.s32 v18, v3;
	v17 =	vadd.s32 v19, v3;
	v21 =	vsub.f32 v21, v11;
	v32 =	vld [tilespmem:s1+$0x60]  }
.Ltmp7:
0x2ce: {  	v22 =	vmul.f32 v20, v12;
	v19 =	vsub.f32 v26, v11;
	v23 =	vmul.f32 $2.560000000e+02, v23;
	[tilespmem:v27+s24+$0x0] =	vst.idx.add.f32.msk $0xffff, v10;
	(pc) =	sbr.rel @p0 .LBB2_16-.Ltmp7, $4  }
0x2cf: {  	v18 =	vadd.s32 v28, v3;
	v20 =	vmul.f32 v21, v12;
	v21 =	vsub.f32 v24, v11  }
0x2d0: {  	v19 =	vmul.f32 v19, v12;
	v26 =	vsub.f32 v29, v11;
	v23 =	vmin.f32 v23, $2.550000000e+02;
	[tilespmem:v30+s24+$0x0] =	vst.idx.add.f32.msk $0xffff, v10  }
0x2d1: {  	v21 =	vmul.f32 v21, v12;
	v24 =	vsub.f32 v31, v11;
	v27 =	vtrunc.f32 v23;
	[tilespmem:v25+s24+$0x0] =	vst.idx.add.f32.msk $0xffff, v10  }
0x2d2: {  	v23 =	vmul.f32 v26, v12;
	v25 =	vsub.f32 v32, v11;
	v26 =	vcvt.f32.s32 v27;
	[tilespmem:v33+s24+$0x0] =	vst.idx.add.f32.msk $0xffff, v10  }
0x2d3: {  	v22 =	vmul.f32 $2.560000000e+02, v22  }
0x2d4: {  	v24 =	vmul.f32 v24, v12;
	v16 =	vadd.s32 v16, v3;
	v20 =	vmul.f32 $2.560000000e+02, v20  }
0x2d5: {  	v19 =	vmul.f32 $2.560000000e+02, v19;
	v21 =	vmul.f32 $2.560000000e+02, v21;
	v15 =	vadd.s32 v15, v3  }
0x2d6: {  	v13 =	vadd.s32 v13, v3;
	v25 =	vmul.f32 v25, v12;
	v23 =	vmul.f32 $2.560000000e+02, v23  }
0x2d7: {  	v22 =	vmin.f32 v22, $2.550000000e+02;
	v20 =	vmin.f32 v20, $2.550000000e+02;
	v24 =	vmul.f32 $2.560000000e+02, v24  }
0x2d8: {  	v19 =	vmin.f32 v19, $2.550000000e+02;
	v22 =	vtrunc.f32 v22;
	v25 =	vmul.f32 $2.560000000e+02, v25  }
0x2d9: {  	[tilespmem:v17+s24+$0x0] =	vst.idx.add.f32.msk $0xffff, v10;
	v21 =	vmin.f32 v21, $2.550000000e+02;
	v20 =	vtrunc.f32 v20;
	v17 =	vtrunc.f32 v19  }
0x2da: {  	[tilespmem:v18+s24+$0x0] =	vst.idx.add.f32.msk $0xffff, v10;
	v26 =	vadd.s32 v26, v3;
	v18 =	vtrunc.f32 v21;
	v22 =	vcvt.f32.s32 v22  }
0x2db: {  	v23 =	vmin.f32 v23, $2.550000000e+02;
	v19 =	vcvt.f32.s32 v20;
	v17 =	vcvt.f32.s32 v17  }
0x2dc: {  	[tilespmem:v14+s24+$0x0] =	vst.idx.add.f32.msk $0xffff, v10;
	v14 =	vmin.f32 v24, $2.550000000e+02;
	v18 =	vcvt.f32.s32 v18;
	v20 =	vadd.s32 v22, v3  }
0x2dd: {  	v21 =	vmin.f32 v25, $2.550000000e+02;
	v14 =	vtrunc.f32 v14;
	[tilespmem:v16+s24+$0x0] =	vst.idx.add.f32.msk $0xffff, v10;
	v17 =	vadd.s32 v17, v3  }
0x2de: {  	[tilespmem:v15+s24+$0x0] =	vst.idx.add.f32.msk $0xffff, v10;
	v19 =	vadd.s32 v19, v3;
	v22 =	vtrunc.f32 v23;
	v14 =	vcvt.f32.s32 v14  }
0x2df: {  	[tilespmem:v13+s24+$0x0] =	vst.idx.add.f32.msk $0xffff, v10;
	v16 =	vadd.s32 v18, v3;
	v18 =	vtrunc.f32 v21;
	v22 =	vcvt.f32.s32 v22  }
0x2e0: {  	[tilespmem:v26+s24+$0x0] =	vst.idx.add.f32.msk $0xffff, v10;
	v18 =	vcvt.f32.s32 v18;
	v14 =	vadd.s32 v14, v3  }
0x2e1: {  	v15 =	vadd.s32 v22, v3;
	[tilespmem:v20+s24+$0x0] =	vst.idx.add.f32.msk $0xffff, v10  }
0x2e2: {  	[tilespmem:v17+s24+$0x0] =	vst.idx.add.f32.msk $0xffff, v10;
	v17 =	vadd.s32 v18, v3  }
0x2e3: {  	[tilespmem:v19+s24+$0x0] =	vst.idx.add.f32.msk $0xffff, v10  }
0x2e4: {  	[tilespmem:v16+s24+$0x0] =	vst.idx.add.f32.msk $0xffff, v10  }
0x2e5: {  	[tilespmem:v14+s24+$0x0] =	vst.idx.add.f32.msk $0xffff, v10  }
0x2e6: {  	[tilespmem:v15+s24+$0x0] =	vst.idx.add.f32.msk $0xffff, v10  }
0x2e7: {  	s1 =	simm.s32 $0x0;
	s28 =	simm.s32 $0x0;
	s29 =	simm.s32 $0x0;
	[tilespmem:v17+s24+$0x0] =	vst.idx.add.f32.msk $0xffff, v10  }
0x2e8: {  	[tilespmem:s1], [sflag:$0x1] =	stream.linear.gather [hbm4b:s7+s1], $0x4000, $0x38;
	[tilespmem:$0x9900] =	vst v63  }
0x2e9: {  	s28 =	sand.u32 $0x3000, s28;
	s1 =	sand.u32 $0xC00, s1;
	_ =	swait.ge [sflag:s25], $0x4000  }
0x2ea: {  	s29 =	sand.u32 $0x380, s29;
	s1 =	sor.u32 s1, s28;
	[sflag:s25] =	ssyncset.done $0x0  }
0x2eb: {  	s1 =	sor.u32 s29, s1;
	[sflag:s25] =	ssyncadd.s32 $0xFFFFC000  }
0x2ec: {  	v13 =	vld [tilespmem:s1+$0x4070]  }
0x2ed: {  	v14 =	vld [tilespmem:s1+$0x4000]  }
0x2ee: {  	v15 =	vld [tilespmem:s1+$0x4010]  }
0x2ef: {  	v16 =	vld [tilespmem:s1+$0x4020]  }
0x2f0: {  	v17 =	vld [tilespmem:s1+$0x4030]  }
0x2f1: {  	v18 =	vld [tilespmem:s1+$0x4040]  }
0x2f2: {  	s30 =	simm.s32 $0x80;
	s28 =	simm.s32 $0x400;
	v19 =	vld [tilespmem:s1+$0x4050]  }
0x2f3: {  	s28 =	sand.u32 $0xC00, s28;
	s29 =	simm.s32 $0x20;
	v20 =	vld [tilespmem:s1+$0x4060];
	s1 =	sand.u32 $0x3000, s30  }
0x2f4: {  	s29 =	sand.u32 $0x380, s29;
	s1 =	sor.u32 s28, s1  }
0x2f5: {  	s1 =	sor.u32 s29, s1;
	v13 =	vsub.f32 v13, v11;
	v14 =	vsub.f32 v14, v11  }
0x2f6: {  	v21 =	vld [tilespmem:s1+$0x4070];
	v15 =	vsub.f32 v15, v11;
	v16 =	vsub.f32 v16, v11  }
0x2f7: {  	v22 =	vld [tilespmem:s1+$0x4000];
	v17 =	vsub.f32 v17, v11;
	v18 =	vsub.f32 v18, v11  }
0x2f8: {  	v23 =	vld [tilespmem:s1+$0x4010];
	v19 =	vsub.f32 v19, v11;
	v13 =	vmul.f32 v13, v12;
	v14 =	vmul.f32 v14, v12  }
0x2f9: {  	v24 =	vld [tilespmem:s1+$0x4020];
	v20 =	vsub.f32 v20, v11;
	v15 =	vmul.f32 v15, v12;
	v16 =	vmul.f32 v16, v12  }
0x2fa: {  	v25 =	vld [tilespmem:s1+$0x4030];
	v17 =	vmul.f32 v17, v12;
	v18 =	vmul.f32 v18, v12  }
0x2fb: {  	v26 =	vld [tilespmem:s1+$0x4040];
	v19 =	vmul.f32 v19, v12;
	v20 =	vmul.f32 v20, v12;
	v21 =	vsub.f32 v21, v11  }
0x2fc: {  	v27 =	vld [tilespmem:s1+$0x4050];
	v22 =	vsub.f32 v22, v11;
	v13 =	vmul.f32 $2.560000000e+02, v13;
	v14 =	vmul.f32 $2.560000000e+02, v14  }
0x2fd: {  	v23 =	vsub.f32 v23, v11;
	v15 =	vmul.f32 $2.560000000e+02, v15;
	v16 =	vmul.f32 $2.560000000e+02, v16  }
0x2fe: {  	v24 =	vsub.f32 v24, v11;
	v17 =	vmul.f32 $2.560000000e+02, v17;
	v18 =	vmul.f32 $2.560000000e+02, v18  }
0x2ff: {  	v25 =	vsub.f32 v25, v11;
	v19 =	vmul.f32 $2.560000000e+02, v19;
	v20 =	vmul.f32 $2.560000000e+02, v20  }
0x300: {  	v26 =	vsub.f32 v26, v11;
	v21 =	vmul.f32 v21, v12;
	v22 =	vmul.f32 v22, v12  }
0x301: {  	v27 =	vsub.f32 v27, v11;
	v23 =	vmul.f32 v23, v12;
	v24 =	vmul.f32 v24, v12  }
0x302: {  	v25 =	vmul.f32 v25, v12;
	v26 =	vmul.f32 v26, v12;
	v13 =	vmin.f32 v13, $2.550000000e+02  }
0x303: {  	v28 =	vld [tilespmem:s1+$0x4060];
	v14 =	vmin.f32 v14, $2.550000000e+02;
	v15 =	vmin.f32 v15, $2.550000000e+02;
	v16 =	vmin.f32 v16, $2.550000000e+02  }
0x304: {  	v17 =	vmin.f32 v17, $2.550000000e+02;
	v13 =	vtrunc.f32 v13;
	v14 =	vtrunc.f32 v14  }
0x305: {  	v18 =	vmin.f32 v18, $2.550000000e+02;
	v15 =	vtrunc.f32 v15;
	v16 =	vtrunc.f32 v16  }
0x306: {  	v19 =	vmin.f32 v19, $2.550000000e+02;
	v17 =	vtrunc.f32 v17;
	v18 =	vtrunc.f32 v18  }
0x307: {  	v20 =	vmin.f32 v20, $2.550000000e+02;
	v19 =	vtrunc.f32 v19;
	v13 =	vcvt.f32.s32 v13  }
0x308: {  	v28 =	vsub.f32 v28, v11;
	v20 =	vtrunc.f32 v20;
	v14 =	vcvt.f32.s32 v14  }
0x309: {  	s31 =	simm.s32 $0x100;
	s28 =	simm.s32 $0x800;
	v21 =	vmul.f32 $2.560000000e+02, v21;
	v15 =	vcvt.f32.s32 v15;
	v13 =	vadd.s32 v13, v4  }
0x30a: {  	s30 =	simm.s32 $0x40;
	s29 =	sand.u32 $0xC00, s28;
	s1 =	sand.u32 $0x3000, s31;
	v16 =	vcvt.f32.s32 v16;
	v17 =	vcvt.f32.s32 v17;
	v14 =	vadd.s32 v14, v4  }
0x30b: {  	s30 =	sand.u32 $0x380, s30;
	s1 =	sor.u32 s29, s1;
	v18 =	vcvt.f32.s32 v18;
	v21 =	vmin.f32 v21, $2.550000000e+02;
	v15 =	vadd.s32 v15, v4  }
0x30c: {  	s1 =	sor.u32 s30, s1;
	v19 =	vcvt.f32.s32 v19;
	v16 =	vadd.s32 v16, v4;
	v21 =	vtrunc.f32 v21  }
0x30d: {  	v30 =	vld [tilespmem:s1+$0x4040];
	v20 =	vcvt.f32.s32 v20;
	v17 =	vadd.s32 v17, v4;
	v21 =	vcvt.f32.s32 v21  }
0x30e: {  	[tilespmem:v13+s24+$0x0] =	vst.idx.add.f32.msk $0xffff, v10;
	v13 =	vmul.f32 $2.560000000e+02, v22;
	v22 =	vmul.f32 v27, v12  }
0x30f: {  	v18 =	vadd.s32 v18, v4;
	[tilespmem:v14+s24+$0x0] =	vst.idx.add.f32.msk $0xffff, v10;
	v14 =	vmul.f32 $2.560000000e+02, v23;
	v23 =	vmul.f32 v28, v12  }
0x310: {  	v21 =	vadd.s32 v21, v4;
	[tilespmem:v15+s24+$0x0] =	vst.idx.add.f32.msk $0xffff, v10;
	v15 =	vmul.f32 $2.560000000e+02, v24;
	v24 =	vmul.f32 $2.560000000e+02, v25  }
0x311: {  	[tilespmem:v16+s24+$0x0] =	vst.idx.add.f32.msk $0xffff, v10;
	v16 =	vmul.f32 $2.560000000e+02, v26;
	v13 =	vmin.f32 v13, $2.550000000e+02;
	v14 =	vmin.f32 v14, $2.550000000e+02  }
0x312: {  	[tilespmem:v17+s24+$0x0] =	vst.idx.add.f32.msk $0xffff, v10;
	v17 =	vmul.f32 $2.560000000e+02, v22;
	v15 =	vmin.f32 v15, $2.550000000e+02;
	v23 =	vmul.f32 $2.560000000e+02, v23  }
0x313: {  	v22 =	vmin.f32 v24, $2.550000000e+02;
	v24 =	vld [tilespmem:s1+$0x4070];
	v13 =	vtrunc.f32 v13;
	v25 =	vtrunc.f32 v14  }
0x314: {  	v27 =	vld [tilespmem:s1+$0x4030];
	v16 =	vmin.f32 v16, $2.550000000e+02;
	v15 =	vtrunc.f32 v15;
	v22 =	vtrunc.f32 v22  }
0x315: {  	[tilespmem:v21+s24+$0x0] =	vst.idx.add.f32.msk $0xffff, v10;
	v16 =	vtrunc.f32 v16;
	v17 =	vmin.f32 v17, $2.550000000e+02;
	v13 =	vcvt.f32.s32 v13  }
0x316: {  	v21 =	vld [tilespmem:s1+$0x4000];
	v14 =	vmin.f32 v23, $2.550000000e+02;
	v25 =	vcvt.f32.s32 v25;
	v62 =	vcvt.f32.s32 v15  }
0x317: {  	v23 =	vadd.s32 v19, v4;
	v19 =	vld [tilespmem:s1+$0x4010];
	v29 =	vcvt.f32.s32 v22;
	v17 =	vtrunc.f32 v17  }
0x318: {  	v26 =	vtrunc.f32 v14;
	v14 =	vadd.s32 v20, v4;
	v20 =	vld [tilespmem:s1+$0x4020];
	v24 =	vsub.f32 v24, v11  }
0x319: {  	v16 =	vcvt.f32.s32 v16;
	v31 =	vadd.s32 v13, v4;
	v15 =	vcvt.f32.s32 v17  }
0x31a: {  	v32 =	vld [tilespmem:s1+$0x4050];
	v13 =	vcvt.f32.s32 v26;
	v33 =	vadd.s32 v25, v4;
	v24 =	vmul.f32 v24, v12  }
0x31b: {  	v26 =	vld [tilespmem:s1+$0x4060];
	v17 =	vadd.s32 v62, v4;
	v25 =	vsub.f32 v27, v11;
	v21 =	vsub.f32 v21, v11  }
0x31c: {  	[tilespmem:v18+s24+$0x0] =	vst.idx.add.f32.msk $0xffff, v10;
	v27 =	vsub.f32 v30, v11;
	v19 =	vsub.f32 v19, v11;
	v24 =	vmul.f32 $2.560000000e+02, v24  }
0x31d: {  	v18 =	vadd.s32 v29, v4;
	v22 =	vmul.f32 v21, v12;
	v21 =	vsub.f32 v20, v11  }
0x31e: {  	[tilespmem:v23+s24+$0x0] =	vst.idx.add.f32.msk $0xffff, v10;
	v23 =	vmul.f32 v27, v12;
	v20 =	vmul.f32 v19, v12;
	v63 =	vmin.f32 v24, $2.550000000e+02  }
0x31f: {  	[tilespmem:v31+s24+$0x0] =	vst.idx.add.f32.msk $0xffff, v10;
	v19 =	vmul.f32 v21, v12;
	v24 =	vsub.f32 v32, v11;
	v28 =	vtrunc.f32 v63  }
0x320: {  	s29 =	simm.s32 $0x10;
	[tilespmem:v33+s24+$0x0] =	vst.idx.add.f32.msk $0xffff, v10;
	v21 =	vmul.f32 v25, v12;
	v25 =	vsub.f32 v26, v11;
	v26 =	vcvt.f32.s32 v28  }
.LBB2_18:
0x321: {  	s29 =	sadd.s32 $0x8, s29;
	v22 =	vmul.f32 $2.560000000e+02, v22;
	v24 =	vmul.f32 v24, v12;
	[tilespmem:v17+s24+$0x0] =	vst.idx.add.f32.msk $0xffff, v10;
	v27 =	vadd.s32 v16, v4  }
0x322: {  	v16 =	vmul.f32 $2.560000000e+02, v20;
	s28 =	sadd.s32 $0x400, s28;
	s1 =	sshll.u32 s29, $0x4;
	p0 =	slt.u32 s29, $0x3F8;
	v17 =	vmul.f32 v25, v12;
	v20 =	vadd.s32 v26, v4;
	[tilespmem:v18+s24+$0x0] =	vst.idx.add.f32.msk $0xffff, v10  }
0x323: {  	v19 =	vmul.f32 $2.560000000e+02, v19;
	v21 =	vmul.f32 $2.560000000e+02, v21;
	s30 =	sand.u32 $0xC00, s28;
	s31 =	sshll.u32 s29, $0x2;
	s1 =	sand.u32 $0x3000, s1;
	v18 =	vmin.f32 v22, $2.550000000e+02;
	[tilespmem:v14+s24+$0x0] =	vst.idx.add.f32.msk $0xffff, v10  }
0x324: {  	s31 =	sand.u32 $0x380, s31;
	v14 =	vmin.f32 v16, $2.550000000e+02;
	v16 =	vmul.f32 $2.560000000e+02, v23;
	v22 =	vmul.f32 $2.560000000e+02, v24;
	s1 =	sor.u32 s30, s1  }
0x325: {  	v19 =	vmin.f32 v19, $2.550000000e+02;
	v21 =	vmin.f32 v21, $2.550000000e+02;
	v17 =	vmul.f32 $2.560000000e+02, v17;
	s1 =	sor.u32 s31, s1  }
0x326: {  	v18 =	vtrunc.f32 v18;
	v16 =	vmin.f32 v16, $2.550000000e+02;
	v22 =	vmin.f32 v22, $2.550000000e+02;
	v23 =	vld [tilespmem:s1+$0x4070]  }
0x327: {  	v24 =	vtrunc.f32 v14;
	v19 =	vtrunc.f32 v19;
	v14 =	vmin.f32 v17, $2.550000000e+02;
	[tilespmem:v20+s24+$0x0] =	vst.idx.add.f32.msk $0xffff, v10  }
0x328: {  	v25 =	vadd.s32 v15, v4;
	v16 =	vtrunc.f32 v16;
	v20 =	vtrunc.f32 v21;
	v17 =	vld [tilespmem:s1+$0x4000]  }
0x329: {  	v15 =	vtrunc.f32 v22;
	v22 =	vtrunc.f32 v14;
	v14 =	vadd.s32 v13, v4;
	v21 =	vld [tilespmem:s1+$0x4010]  }
0x32a: {  	v13 =	vcvt.f32.s32 v18;
	v18 =	vcvt.f32.s32 v24;
	v26 =	vld [tilespmem:s1+$0x4020]  }
0x32b: {  	v19 =	vcvt.f32.s32 v19;
	v28 =	vcvt.f32.s32 v20;
	v24 =	vld [tilespmem:s1+$0x4030];
	v23 =	vsub.f32 v23, v11  }
0x32c: {  	v16 =	vcvt.f32.s32 v16;
	v15 =	vcvt.f32.s32 v15;
	v30 =	vadd.s32 v13, v4;
	v29 =	vld [tilespmem:s1+$0x4040]  }
0x32d: {  	v13 =	vcvt.f32.s32 v22;
	v20 =	vsub.f32 v17, v11;
	v31 =	vld [tilespmem:s1+$0x4050];
	v23 =	vmul.f32 v23, v12  }
0x32e: {  	v33 =	vadd.s32 v18, v4;
	v17 =	vadd.s32 v19, v4;
	v21 =	vsub.f32 v21, v11;
	v32 =	vld [tilespmem:s1+$0x4060]  }
.Ltmp8:
0x32f: {  	v22 =	vmul.f32 v20, v12;
	v19 =	vsub.f32 v26, v11;
	v23 =	vmul.f32 $2.560000000e+02, v23;
	[tilespmem:v27+s24+$0x0] =	vst.idx.add.f32.msk $0xffff, v10;
	(pc) =	sbr.rel @p0 .LBB2_18-.Ltmp8, $4  }
0x330: {  	v18 =	vadd.s32 v28, v4;
	v20 =	vmul.f32 v21, v12;
	v21 =	vsub.f32 v24, v11  }
0x331: {  	v19 =	vmul.f32 v19, v12;
	v26 =	vsub.f32 v29, v11;
	v23 =	vmin.f32 v23, $2.550000000e+02;
	[tilespmem:v30+s24+$0x0] =	vst.idx.add.f32.msk $0xffff, v10  }
0x332: {  	v21 =	vmul.f32 v21, v12;
	v24 =	vsub.f32 v31, v11;
	v27 =	vtrunc.f32 v23;
	[tilespmem:v25+s24+$0x0] =	vst.idx.add.f32.msk $0xffff, v10  }
0x333: {  	v23 =	vmul.f32 v26, v12;
	v25 =	vsub.f32 v32, v11;
	v26 =	vcvt.f32.s32 v27;
	[tilespmem:v33+s24+$0x0] =	vst.idx.add.f32.msk $0xffff, v10  }
0x334: {  	v22 =	vmul.f32 $2.560000000e+02, v22  }
0x335: {  	v24 =	vmul.f32 v24, v12;
	v16 =	vadd.s32 v16, v4;
	v20 =	vmul.f32 $2.560000000e+02, v20  }
0x336: {  	v19 =	vmul.f32 $2.560000000e+02, v19;
	v21 =	vmul.f32 $2.560000000e+02, v21;
	v15 =	vadd.s32 v15, v4  }
0x337: {  	v13 =	vadd.s32 v13, v4;
	v25 =	vmul.f32 v25, v12;
	v23 =	vmul.f32 $2.560000000e+02, v23  }
0x338: {  	v22 =	vmin.f32 v22, $2.550000000e+02;
	v20 =	vmin.f32 v20, $2.550000000e+02;
	v24 =	vmul.f32 $2.560000000e+02, v24  }
0x339: {  	v19 =	vmin.f32 v19, $2.550000000e+02;
	v22 =	vtrunc.f32 v22;
	v25 =	vmul.f32 $2.560000000e+02, v25  }
0x33a: {  	[tilespmem:v17+s24+$0x0] =	vst.idx.add.f32.msk $0xffff, v10;
	v21 =	vmin.f32 v21, $2.550000000e+02;
	v20 =	vtrunc.f32 v20;
	v17 =	vtrunc.f32 v19  }
0x33b: {  	[tilespmem:v18+s24+$0x0] =	vst.idx.add.f32.msk $0xffff, v10;
	v26 =	vadd.s32 v26, v4;
	v18 =	vtrunc.f32 v21;
	v22 =	vcvt.f32.s32 v22  }
0x33c: {  	v23 =	vmin.f32 v23, $2.550000000e+02;
	v19 =	vcvt.f32.s32 v20;
	v17 =	vcvt.f32.s32 v17  }
0x33d: {  	[tilespmem:v14+s24+$0x0] =	vst.idx.add.f32.msk $0xffff, v10;
	v14 =	vmin.f32 v24, $2.550000000e+02;
	v18 =	vcvt.f32.s32 v18;
	v20 =	vadd.s32 v22, v4  }
0x33e: {  	v21 =	vmin.f32 v25, $2.550000000e+02;
	v14 =	vtrunc.f32 v14;
	[tilespmem:v16+s24+$0x0] =	vst.idx.add.f32.msk $0xffff, v10;
	v17 =	vadd.s32 v17, v4  }
0x33f: {  	[tilespmem:v15+s24+$0x0] =	vst.idx.add.f32.msk $0xffff, v10;
	v19 =	vadd.s32 v19, v4;
	v22 =	vtrunc.f32 v23;
	v14 =	vcvt.f32.s32 v14  }
0x340: {  	[tilespmem:v13+s24+$0x0] =	vst.idx.add.f32.msk $0xffff, v10;
	v16 =	vadd.s32 v18, v4;
	v18 =	vtrunc.f32 v21;
	v22 =	vcvt.f32.s32 v22  }
0x341: {  	[tilespmem:v26+s24+$0x0] =	vst.idx.add.f32.msk $0xffff, v10;
	v18 =	vcvt.f32.s32 v18;
	v14 =	vadd.s32 v14, v4  }
0x342: {  	v15 =	vadd.s32 v22, v4;
	[tilespmem:v20+s24+$0x0] =	vst.idx.add.f32.msk $0xffff, v10  }
0x343: {  	[tilespmem:v17+s24+$0x0] =	vst.idx.add.f32.msk $0xffff, v10;
	v17 =	vadd.s32 v18, v4  }
0x344: {  	[tilespmem:v19+s24+$0x0] =	vst.idx.add.f32.msk $0xffff, v10  }
0x345: {  	[tilespmem:v16+s24+$0x0] =	vst.idx.add.f32.msk $0xffff, v10  }
0x346: {  	[tilespmem:v14+s24+$0x0] =	vst.idx.add.f32.msk $0xffff, v10  }
0x347: {  	[tilespmem:v15+s24+$0x0] =	vst.idx.add.f32.msk $0xffff, v10  }
0x348: {  	s1 =	simm.s32 $0x0;
	s28 =	simm.s32 $0x0;
	s29 =	simm.s32 $0x0;
	[tilespmem:v17+s24+$0x0] =	vst.idx.add.f32.msk $0xffff, v10  }
0x349: {  	[tilespmem:s22], [sflag:$0x2] =	stream.linear.gather [hbm4b:s8+s1], $0x4000, $0x38;
	[tilespmem:$0x9900] =	vst v63  }
0x34a: {  	s28 =	sand.u32 $0x3000, s28;
	s1 =	sand.u32 $0xC00, s1;
	_ =	swait.ge [sflag:s23], $0x4000  }
0x34b: {  	s29 =	sand.u32 $0x380, s29;
	s1 =	sor.u32 s1, s28;
	[sflag:s23] =	ssyncset.done $0x0  }
0x34c: {  	s1 =	sor.u32 s29, s1;
	[sflag:s23] =	ssyncadd.s32 $0xFFFFC000  }
0x34d: {  	v13 =	vld [tilespmem:s1+$0x70]  }
0x34e: {  	v14 =	vld [tilespmem:s1+$0x0]  }
0x34f: {  	v15 =	vld [tilespmem:s1+$0x10]  }
0x350: {  	v16 =	vld [tilespmem:s1+$0x20]  }
0x351: {  	v17 =	vld [tilespmem:s1+$0x30]  }
0x352: {  	v18 =	vld [tilespmem:s1+$0x40]  }
0x353: {  	s30 =	simm.s32 $0x80;
	s28 =	simm.s32 $0x400;
	v19 =	vld [tilespmem:s1+$0x50]  }
0x354: {  	s28 =	sand.u32 $0xC00, s28;
	s29 =	simm.s32 $0x20;
	v20 =	vld [tilespmem:s1+$0x60];
	s1 =	sand.u32 $0x3000, s30  }
0x355: {  	s29 =	sand.u32 $0x380, s29;
	s1 =	sor.u32 s28, s1  }
0x356: {  	s1 =	sor.u32 s29, s1;
	v13 =	vsub.f32 v13, v11;
	v14 =	vsub.f32 v14, v11  }
0x357: {  	v21 =	vld [tilespmem:s1+$0x70];
	v15 =	vsub.f32 v15, v11;
	v16 =	vsub.f32 v16, v11  }
0x358: {  	v22 =	vld [tilespmem:s1+$0x0];
	v17 =	vsub.f32 v17, v11;
	v18 =	vsub.f32 v18, v11  }
0x359: {  	v23 =	vld [tilespmem:s1+$0x10];
	v19 =	vsub.f32 v19, v11;
	v13 =	vmul.f32 v13, v12;
	v14 =	vmul.f32 v14, v12  }
0x35a: {  	v24 =	vld [tilespmem:s1+$0x20];
	v20 =	vsub.f32 v20, v11;
	v15 =	vmul.f32 v15, v12;
	v16 =	vmul.f32 v16, v12  }
0x35b: {  	v25 =	vld [tilespmem:s1+$0x30];
	v17 =	vmul.f32 v17, v12;
	v18 =	vmul.f32 v18, v12  }
0x35c: {  	v26 =	vld [tilespmem:s1+$0x40];
	v19 =	vmul.f32 v19, v12;
	v20 =	vmul.f32 v20, v12;
	v21 =	vsub.f32 v21, v11  }
0x35d: {  	v27 =	vld [tilespmem:s1+$0x50];
	v22 =	vsub.f32 v22, v11;
	v13 =	vmul.f32 $2.560000000e+02, v13;
	v14 =	vmul.f32 $2.560000000e+02, v14  }
0x35e: {  	v23 =	vsub.f32 v23, v11;
	v15 =	vmul.f32 $2.560000000e+02, v15;
	v16 =	vmul.f32 $2.560000000e+02, v16  }
0x35f: {  	v24 =	vsub.f32 v24, v11;
	v17 =	vmul.f32 $2.560000000e+02, v17;
	v18 =	vmul.f32 $2.560000000e+02, v18  }
0x360: {  	v25 =	vsub.f32 v25, v11;
	v19 =	vmul.f32 $2.560000000e+02, v19;
	v20 =	vmul.f32 $2.560000000e+02, v20  }
0x361: {  	v26 =	vsub.f32 v26, v11;
	v21 =	vmul.f32 v21, v12;
	v22 =	vmul.f32 v22, v12  }
0x362: {  	v27 =	vsub.f32 v27, v11;
	v23 =	vmul.f32 v23, v12;
	v24 =	vmul.f32 v24, v12  }
0x363: {  	v25 =	vmul.f32 v25, v12;
	v26 =	vmul.f32 v26, v12;
	v13 =	vmin.f32 v13, $2.550000000e+02  }
0x364: {  	v28 =	vld [tilespmem:s1+$0x60];
	v14 =	vmin.f32 v14, $2.550000000e+02;
	v15 =	vmin.f32 v15, $2.550000000e+02;
	v16 =	vmin.f32 v16, $2.550000000e+02  }
0x365: {  	v17 =	vmin.f32 v17, $2.550000000e+02;
	v13 =	vtrunc.f32 v13;
	v14 =	vtrunc.f32 v14  }
0x366: {  	v18 =	vmin.f32 v18, $2.550000000e+02;
	v15 =	vtrunc.f32 v15;
	v16 =	vtrunc.f32 v16  }
0x367: {  	v19 =	vmin.f32 v19, $2.550000000e+02;
	v17 =	vtrunc.f32 v17;
	v18 =	vtrunc.f32 v18  }
0x368: {  	v20 =	vmin.f32 v20, $2.550000000e+02;
	v19 =	vtrunc.f32 v19;
	v13 =	vcvt.f32.s32 v13  }
0x369: {  	v28 =	vsub.f32 v28, v11;
	v20 =	vtrunc.f32 v20;
	v14 =	vcvt.f32.s32 v14  }
0x36a: {  	s31 =	simm.s32 $0x100;
	s28 =	simm.s32 $0x800;
	v21 =	vmul.f32 $2.560000000e+02, v21;
	v15 =	vcvt.f32.s32 v15;
	v13 =	vadd.s32 v13, v5  }
0x36b: {  	s30 =	simm.s32 $0x40;
	s29 =	sand.u32 $0xC00, s28;
	s1 =	sand.u32 $0x3000, s31;
	v16 =	vcvt.f32.s32 v16;
	v17 =	vcvt.f32.s32 v17;
	v14 =	vadd.s32 v14, v5  }
0x36c: {  	s30 =	sand.u32 $0x380, s30;
	s1 =	sor.u32 s29, s1;
	v18 =	vcvt.f32.s32 v18;
	v21 =	vmin.f32 v21, $2.550000000e+02;
	v15 =	vadd.s32 v15, v5  }
0x36d: {  	s1 =	sor.u32 s30, s1;
	v19 =	vcvt.f32.s32 v19;
	v16 =	vadd.s32 v16, v5;
	v21 =	vtrunc.f32 v21  }
0x36e: {  	v30 =	vld [tilespmem:s1+$0x40];
	v20 =	vcvt.f32.s32 v20;
	v17 =	vadd.s32 v17, v5;
	v21 =	vcvt.f32.s32 v21  }
0x36f: {  	[tilespmem:v13+s24+$0x0] =	vst.idx.add.f32.msk $0xffff, v10;
	v13 =	vmul.f32 $2.560000000e+02, v22;
	v22 =	vmul.f32 v27, v12  }
0x370: {  	v18 =	vadd.s32 v18, v5;
	[tilespmem:v14+s24+$0x0] =	vst.idx.add.f32.msk $0xffff, v10;
	v14 =	vmul.f32 $2.560000000e+02, v23;
	v23 =	vmul.f32 v28, v12  }
0x371: {  	v21 =	vadd.s32 v21, v5;
	[tilespmem:v15+s24+$0x0] =	vst.idx.add.f32.msk $0xffff, v10;
	v15 =	vmul.f32 $2.560000000e+02, v24;
	v24 =	vmul.f32 $2.560000000e+02, v25  }
0x372: {  	[tilespmem:v16+s24+$0x0] =	vst.idx.add.f32.msk $0xffff, v10;
	v16 =	vmul.f32 $2.560000000e+02, v26;
	v13 =	vmin.f32 v13, $2.550000000e+02;
	v14 =	vmin.f32 v14, $2.550000000e+02  }
0x373: {  	[tilespmem:v17+s24+$0x0] =	vst.idx.add.f32.msk $0xffff, v10;
	v17 =	vmul.f32 $2.560000000e+02, v22;
	v15 =	vmin.f32 v15, $2.550000000e+02;
	v23 =	vmul.f32 $2.560000000e+02, v23  }
0x374: {  	v22 =	vmin.f32 v24, $2.550000000e+02;
	v24 =	vld [tilespmem:s1+$0x70];
	v13 =	vtrunc.f32 v13;
	v25 =	vtrunc.f32 v14  }
0x375: {  	v27 =	vld [tilespmem:s1+$0x30];
	v16 =	vmin.f32 v16, $2.550000000e+02;
	v15 =	vtrunc.f32 v15;
	v22 =	vtrunc.f32 v22  }
0x376: {  	[tilespmem:v21+s24+$0x0] =	vst.idx.add.f32.msk $0xffff, v10;
	v16 =	vtrunc.f32 v16;
	v17 =	vmin.f32 v17, $2.550000000e+02;
	v13 =	vcvt.f32.s32 v13  }
0x377: {  	v21 =	vld [tilespmem:s1+$0x0];
	v14 =	vmin.f32 v23, $2.550000000e+02;
	v25 =	vcvt.f32.s32 v25;
	v62 =	vcvt.f32.s32 v15  }
0x378: {  	v23 =	vadd.s32 v19, v5;
	v19 =	vld [tilespmem:s1+$0x10];
	v29 =	vcvt.f32.s32 v22;
	v17 =	vtrunc.f32 v17  }
0x379: {  	v26 =	vtrunc.f32 v14;
	v14 =	vadd.s32 v20, v5;
	v20 =	vld [tilespmem:s1+$0x20];
	v24 =	vsub.f32 v24, v11  }
0x37a: {  	v16 =	vcvt.f32.s32 v16;
	v31 =	vadd.s32 v13, v5;
	v15 =	vcvt.f32.s32 v17  }
0x37b: {  	v32 =	vld [tilespmem:s1+$0x50];
	v13 =	vcvt.f32.s32 v26;
	v33 =	vadd.s32 v25, v5;
	v24 =	vmul.f32 v24, v12  }
0x37c: {  	v26 =	vld [tilespmem:s1+$0x60];
	v17 =	vadd.s32 v62, v5;
	v25 =	vsub.f32 v27, v11;
	v21 =	vsub.f32 v21, v11  }
0x37d: {  	[tilespmem:v18+s24+$0x0] =	vst.idx.add.f32.msk $0xffff, v10;
	v27 =	vsub.f32 v30, v11;
	v19 =	vsub.f32 v19, v11;
	v24 =	vmul.f32 $2.560000000e+02, v24  }
0x37e: {  	v18 =	vadd.s32 v29, v5;
	v22 =	vmul.f32 v21, v12;
	v21 =	vsub.f32 v20, v11  }
0x37f: {  	[tilespmem:v23+s24+$0x0] =	vst.idx.add.f32.msk $0xffff, v10;
	v23 =	vmul.f32 v27, v12;
	v20 =	vmul.f32 v19, v12;
	v63 =	vmin.f32 v24, $2.550000000e+02  }
0x380: {  	[tilespmem:v31+s24+$0x0] =	vst.idx.add.f32.msk $0xffff, v10;
	v19 =	vmul.f32 v21, v12;
	v24 =	vsub.f32 v32, v11;
	v28 =	vtrunc.f32 v63  }
0x381: {  	s29 =	simm.s32 $0x10;
	[tilespmem:v33+s24+$0x0] =	vst.idx.add.f32.msk $0xffff, v10;
	v21 =	vmul.f32 v25, v12;
	v25 =	vsub.f32 v26, v11;
	v26 =	vcvt.f32.s32 v28  }
.LBB2_20:
0x382: {  	s29 =	sadd.s32 $0x8, s29;
	v22 =	vmul.f32 $2.560000000e+02, v22;
	v24 =	vmul.f32 v24, v12;
	[tilespmem:v17+s24+$0x0] =	vst.idx.add.f32.msk $0xffff, v10;
	v27 =	vadd.s32 v16, v5  }
0x383: {  	v16 =	vmul.f32 $2.560000000e+02, v20;
	s28 =	sadd.s32 $0x400, s28;
	s1 =	sshll.u32 s29, $0x4;
	p0 =	slt.u32 s29, $0x3F8;
	v17 =	vmul.f32 v25, v12;
	v20 =	vadd.s32 v26, v5;
	[tilespmem:v18+s24+$0x0] =	vst.idx.add.f32.msk $0xffff, v10  }
0x384: {  	v19 =	vmul.f32 $2.560000000e+02, v19;
	v21 =	vmul.f32 $2.560000000e+02, v21;
	s30 =	sand.u32 $0xC00, s28;
	s31 =	sshll.u32 s29, $0x2;
	s1 =	sand.u32 $0x3000, s1;
	v18 =	vmin.f32 v22, $2.550000000e+02;
	[tilespmem:v14+s24+$0x0] =	vst.idx.add.f32.msk $0xffff, v10  }
0x385: {  	s31 =	sand.u32 $0x380, s31;
	v14 =	vmin.f32 v16, $2.550000000e+02;
	v16 =	vmul.f32 $2.560000000e+02, v23;
	v22 =	vmul.f32 $2.560000000e+02, v24;
	s1 =	sor.u32 s30, s1  }
0x386: {  	v19 =	vmin.f32 v19, $2.550000000e+02;
	v21 =	vmin.f32 v21, $2.550000000e+02;
	v17 =	vmul.f32 $2.560000000e+02, v17;
	s1 =	sor.u32 s31, s1  }
0x387: {  	v18 =	vtrunc.f32 v18;
	v16 =	vmin.f32 v16, $2.550000000e+02;
	v22 =	vmin.f32 v22, $2.550000000e+02;
	v23 =	vld [tilespmem:s1+$0x70]  }
0x388: {  	v24 =	vtrunc.f32 v14;
	v19 =	vtrunc.f32 v19;
	v14 =	vmin.f32 v17, $2.550000000e+02;
	[tilespmem:v20+s24+$0x0] =	vst.idx.add.f32.msk $0xffff, v10  }
0x389: {  	v25 =	vadd.s32 v15, v5;
	v16 =	vtrunc.f32 v16;
	v20 =	vtrunc.f32 v21;
	v17 =	vld [tilespmem:s1+$0x0]  }
0x38a: {  	v15 =	vtrunc.f32 v22;
	v22 =	vtrunc.f32 v14;
	v14 =	vadd.s32 v13, v5;
	v21 =	vld [tilespmem:s1+$0x10]  }
0x38b: {  	v13 =	vcvt.f32.s32 v18;
	v18 =	vcvt.f32.s32 v24;
	v26 =	vld [tilespmem:s1+$0x20]  }
0x38c: {  	v19 =	vcvt.f32.s32 v19;
	v28 =	vcvt.f32.s32 v20;
	v24 =	vld [tilespmem:s1+$0x30];
	v23 =	vsub.f32 v23, v11  }
0x38d: {  	v16 =	vcvt.f32.s32 v16;
	v15 =	vcvt.f32.s32 v15;
	v30 =	vadd.s32 v13, v5;
	v29 =	vld [tilespmem:s1+$0x40]  }
0x38e: {  	v13 =	vcvt.f32.s32 v22;
	v20 =	vsub.f32 v17, v11;
	v31 =	vld [tilespmem:s1+$0x50];
	v23 =	vmul.f32 v23, v12  }
0x38f: {  	v33 =	vadd.s32 v18, v5;
	v17 =	vadd.s32 v19, v5;
	v21 =	vsub.f32 v21, v11;
	v32 =	vld [tilespmem:s1+$0x60]  }
.Ltmp9:
0x390: {  	v22 =	vmul.f32 v20, v12;
	v19 =	vsub.f32 v26, v11;
	v23 =	vmul.f32 $2.560000000e+02, v23;
	[tilespmem:v27+s24+$0x0] =	vst.idx.add.f32.msk $0xffff, v10;
	(pc) =	sbr.rel @p0 .LBB2_20-.Ltmp9, $4  }
0x391: {  	v18 =	vadd.s32 v28, v5;
	v20 =	vmul.f32 v21, v12;
	v21 =	vsub.f32 v24, v11  }
0x392: {  	v19 =	vmul.f32 v19, v12;
	v26 =	vsub.f32 v29, v11;
	v23 =	vmin.f32 v23, $2.550000000e+02;
	[tilespmem:v30+s24+$0x0] =	vst.idx.add.f32.msk $0xffff, v10  }
0x393: {  	v21 =	vmul.f32 v21, v12;
	v24 =	vsub.f32 v31, v11;
	v27 =	vtrunc.f32 v23;
	[tilespmem:v25+s24+$0x0] =	vst.idx.add.f32.msk $0xffff, v10  }
0x394: {  	v23 =	vmul.f32 v26, v12;
	v25 =	vsub.f32 v32, v11;
	v26 =	vcvt.f32.s32 v27;
	[tilespmem:v33+s24+$0x0] =	vst.idx.add.f32.msk $0xffff, v10  }
0x395: {  	v22 =	vmul.f32 $2.560000000e+02, v22  }
0x396: {  	v24 =	vmul.f32 v24, v12;
	v16 =	vadd.s32 v16, v5;
	v20 =	vmul.f32 $2.560000000e+02, v20  }
0x397: {  	v19 =	vmul.f32 $2.560000000e+02, v19;
	v21 =	vmul.f32 $2.560000000e+02, v21;
	v15 =	vadd.s32 v15, v5  }
0x398: {  	v13 =	vadd.s32 v13, v5;
	v25 =	vmul.f32 v25, v12;
	v23 =	vmul.f32 $2.560000000e+02, v23  }
0x399: {  	v22 =	vmin.f32 v22, $2.550000000e+02;
	v20 =	vmin.f32 v20, $2.550000000e+02;
	v24 =	vmul.f32 $2.560000000e+02, v24  }
0x39a: {  	v19 =	vmin.f32 v19, $2.550000000e+02;
	v22 =	vtrunc.f32 v22;
	v25 =	vmul.f32 $2.560000000e+02, v25  }
0x39b: {  	[tilespmem:v17+s24+$0x0] =	vst.idx.add.f32.msk $0xffff, v10;
	v21 =	vmin.f32 v21, $2.550000000e+02;
	v20 =	vtrunc.f32 v20;
	v17 =	vtrunc.f32 v19  }
0x39c: {  	[tilespmem:v18+s24+$0x0] =	vst.idx.add.f32.msk $0xffff, v10;
	v26 =	vadd.s32 v26, v5;
	v18 =	vtrunc.f32 v21;
	v22 =	vcvt.f32.s32 v22  }
0x39d: {  	v23 =	vmin.f32 v23, $2.550000000e+02;
	v19 =	vcvt.f32.s32 v20;
	v17 =	vcvt.f32.s32 v17  }
0x39e: {  	[tilespmem:v14+s24+$0x0] =	vst.idx.add.f32.msk $0xffff, v10;
	v14 =	vmin.f32 v24, $2.550000000e+02;
	v18 =	vcvt.f32.s32 v18;
	v20 =	vadd.s32 v22, v5  }
0x39f: {  	v21 =	vmin.f32 v25, $2.550000000e+02;
	v14 =	vtrunc.f32 v14;
	[tilespmem:v16+s24+$0x0] =	vst.idx.add.f32.msk $0xffff, v10;
	v17 =	vadd.s32 v17, v5  }
0x3a0: {  	[tilespmem:v15+s24+$0x0] =	vst.idx.add.f32.msk $0xffff, v10;
	v19 =	vadd.s32 v19, v5;
	v22 =	vtrunc.f32 v23;
	v14 =	vcvt.f32.s32 v14  }
0x3a1: {  	[tilespmem:v13+s24+$0x0] =	vst.idx.add.f32.msk $0xffff, v10;
	v16 =	vadd.s32 v18, v5;
	v18 =	vtrunc.f32 v21;
	v22 =	vcvt.f32.s32 v22  }
0x3a2: {  	[tilespmem:v26+s24+$0x0] =	vst.idx.add.f32.msk $0xffff, v10;
	v18 =	vcvt.f32.s32 v18;
	v14 =	vadd.s32 v14, v5  }
0x3a3: {  	v15 =	vadd.s32 v22, v5;
	[tilespmem:v20+s24+$0x0] =	vst.idx.add.f32.msk $0xffff, v10  }
0x3a4: {  	[tilespmem:v17+s24+$0x0] =	vst.idx.add.f32.msk $0xffff, v10;
	v17 =	vadd.s32 v18, v5  }
0x3a5: {  	[tilespmem:v19+s24+$0x0] =	vst.idx.add.f32.msk $0xffff, v10  }
0x3a6: {  	[tilespmem:v16+s24+$0x0] =	vst.idx.add.f32.msk $0xffff, v10  }
0x3a7: {  	[tilespmem:v14+s24+$0x0] =	vst.idx.add.f32.msk $0xffff, v10  }
0x3a8: {  	[tilespmem:v15+s24+$0x0] =	vst.idx.add.f32.msk $0xffff, v10  }
0x3a9: {  	s1 =	simm.s32 $0x0;
	s28 =	simm.s32 $0x0;
	s29 =	simm.s32 $0x0;
	[tilespmem:v17+s24+$0x0] =	vst.idx.add.f32.msk $0xffff, v10  }
0x3aa: {  	[tilespmem:s1], [sflag:$0x1] =	stream.linear.gather [hbm4b:s11+s1], $0x4000, $0x38;
	[tilespmem:$0x9900] =	vst v63  }
0x3ab: {  	s28 =	sand.u32 $0x3000, s28;
	s1 =	sand.u32 $0xC00, s1;
	_ =	swait.ge [sflag:s25], $0x4000  }
0x3ac: {  	s29 =	sand.u32 $0x380, s29;
	s1 =	sor.u32 s1, s28;
	[sflag:s25] =	ssyncset.done $0x0  }
0x3ad: {  	s1 =	sor.u32 s29, s1;
	[sflag:s25] =	ssyncadd.s32 $0xFFFFC000  }
0x3ae: {  	v13 =	vld [tilespmem:s1+$0x4070]  }
0x3af: {  	v14 =	vld [tilespmem:s1+$0x4000]  }
0x3b0: {  	v15 =	vld [tilespmem:s1+$0x4010]  }
0x3b1: {  	v16 =	vld [tilespmem:s1+$0x4020]  }
0x3b2: {  	v17 =	vld [tilespmem:s1+$0x4030]  }
0x3b3: {  	v18 =	vld [tilespmem:s1+$0x4040]  }
0x3b4: {  	s30 =	simm.s32 $0x80;
	s28 =	simm.s32 $0x400;
	v19 =	vld [tilespmem:s1+$0x4050]  }
0x3b5: {  	s28 =	sand.u32 $0xC00, s28;
	s29 =	simm.s32 $0x20;
	v20 =	vld [tilespmem:s1+$0x4060];
	s1 =	sand.u32 $0x3000, s30  }
0x3b6: {  	s29 =	sand.u32 $0x380, s29;
	s1 =	sor.u32 s28, s1  }
0x3b7: {  	s1 =	sor.u32 s29, s1;
	v13 =	vsub.f32 v13, v11;
	v14 =	vsub.f32 v14, v11  }
0x3b8: {  	v21 =	vld [tilespmem:s1+$0x4070];
	v15 =	vsub.f32 v15, v11;
	v16 =	vsub.f32 v16, v11  }
0x3b9: {  	v22 =	vld [tilespmem:s1+$0x4000];
	v17 =	vsub.f32 v17, v11;
	v18 =	vsub.f32 v18, v11  }
0x3ba: {  	v23 =	vld [tilespmem:s1+$0x4010];
	v19 =	vsub.f32 v19, v11;
	v13 =	vmul.f32 v13, v12;
	v14 =	vmul.f32 v14, v12  }
0x3bb: {  	v24 =	vld [tilespmem:s1+$0x4020];
	v20 =	vsub.f32 v20, v11;
	v15 =	vmul.f32 v15, v12;
	v16 =	vmul.f32 v16, v12  }
0x3bc: {  	v25 =	vld [tilespmem:s1+$0x4030];
	v17 =	vmul.f32 v17, v12;
	v18 =	vmul.f32 v18, v12  }
0x3bd: {  	v26 =	vld [tilespmem:s1+$0x4040];
	v19 =	vmul.f32 v19, v12;
	v20 =	vmul.f32 v20, v12;
	v21 =	vsub.f32 v21, v11  }
0x3be: {  	v27 =	vld [tilespmem:s1+$0x4050];
	v22 =	vsub.f32 v22, v11;
	v13 =	vmul.f32 $2.560000000e+02, v13;
	v14 =	vmul.f32 $2.560000000e+02, v14  }
0x3bf: {  	v23 =	vsub.f32 v23, v11;
	v15 =	vmul.f32 $2.560000000e+02, v15;
	v16 =	vmul.f32 $2.560000000e+02, v16  }
0x3c0: {  	v24 =	vsub.f32 v24, v11;
	v17 =	vmul.f32 $2.560000000e+02, v17;
	v18 =	vmul.f32 $2.560000000e+02, v18  }
0x3c1: {  	v25 =	vsub.f32 v25, v11;
	v19 =	vmul.f32 $2.560000000e+02, v19;
	v20 =	vmul.f32 $2.560000000e+02, v20  }
0x3c2: {  	v26 =	vsub.f32 v26, v11;
	v21 =	vmul.f32 v21, v12;
	v22 =	vmul.f32 v22, v12  }
0x3c3: {  	v27 =	vsub.f32 v27, v11;
	v23 =	vmul.f32 v23, v12;
	v24 =	vmul.f32 v24, v12  }
0x3c4: {  	v25 =	vmul.f32 v25, v12;
	v26 =	vmul.f32 v26, v12;
	v13 =	vmin.f32 v13, $2.550000000e+02  }
0x3c5: {  	v28 =	vld [tilespmem:s1+$0x4060];
	v14 =	vmin.f32 v14, $2.550000000e+02;
	v15 =	vmin.f32 v15, $2.550000000e+02;
	v16 =	vmin.f32 v16, $2.550000000e+02  }
0x3c6: {  	v17 =	vmin.f32 v17, $2.550000000e+02;
	v13 =	vtrunc.f32 v13;
	v14 =	vtrunc.f32 v14  }
0x3c7: {  	v18 =	vmin.f32 v18, $2.550000000e+02;
	v15 =	vtrunc.f32 v15;
	v16 =	vtrunc.f32 v16  }
0x3c8: {  	v19 =	vmin.f32 v19, $2.550000000e+02;
	v17 =	vtrunc.f32 v17;
	v18 =	vtrunc.f32 v18  }
0x3c9: {  	v20 =	vmin.f32 v20, $2.550000000e+02;
	v19 =	vtrunc.f32 v19;
	v13 =	vcvt.f32.s32 v13  }
0x3ca: {  	v28 =	vsub.f32 v28, v11;
	v20 =	vtrunc.f32 v20;
	v14 =	vcvt.f32.s32 v14  }
0x3cb: {  	s31 =	simm.s32 $0x100;
	s28 =	simm.s32 $0x800;
	v21 =	vmul.f32 $2.560000000e+02, v21;
	v15 =	vcvt.f32.s32 v15;
	v13 =	vadd.s32 v13, v6  }
0x3cc: {  	s30 =	simm.s32 $0x40;
	s29 =	sand.u32 $0xC00, s28;
	s1 =	sand.u32 $0x3000, s31;
	v16 =	vcvt.f32.s32 v16;
	v17 =	vcvt.f32.s32 v17;
	v14 =	vadd.s32 v14, v6  }
0x3cd: {  	s30 =	sand.u32 $0x380, s30;
	s1 =	sor.u32 s29, s1;
	v18 =	vcvt.f32.s32 v18;
	v21 =	vmin.f32 v21, $2.550000000e+02;
	v15 =	vadd.s32 v15, v6  }
0x3ce: {  	s1 =	sor.u32 s30, s1;
	v19 =	vcvt.f32.s32 v19;
	v16 =	vadd.s32 v16, v6;
	v21 =	vtrunc.f32 v21  }
0x3cf: {  	v30 =	vld [tilespmem:s1+$0x4040];
	v20 =	vcvt.f32.s32 v20;
	v17 =	vadd.s32 v17, v6;
	v21 =	vcvt.f32.s32 v21  }
0x3d0: {  	[tilespmem:v13+s24+$0x0] =	vst.idx.add.f32.msk $0xffff, v10;
	v13 =	vmul.f32 $2.560000000e+02, v22;
	v22 =	vmul.f32 v27, v12  }
0x3d1: {  	v18 =	vadd.s32 v18, v6;
	[tilespmem:v14+s24+$0x0] =	vst.idx.add.f32.msk $0xffff, v10;
	v14 =	vmul.f32 $2.560000000e+02, v23;
	v23 =	vmul.f32 v28, v12  }
0x3d2: {  	v21 =	vadd.s32 v21, v6;
	[tilespmem:v15+s24+$0x0] =	vst.idx.add.f32.msk $0xffff, v10;
	v15 =	vmul.f32 $2.560000000e+02, v24;
	v24 =	vmul.f32 $2.560000000e+02, v25  }
0x3d3: {  	[tilespmem:v16+s24+$0x0] =	vst.idx.add.f32.msk $0xffff, v10;
	v16 =	vmul.f32 $2.560000000e+02, v26;
	v13 =	vmin.f32 v13, $2.550000000e+02;
	v14 =	vmin.f32 v14, $2.550000000e+02  }
0x3d4: {  	[tilespmem:v17+s24+$0x0] =	vst.idx.add.f32.msk $0xffff, v10;
	v17 =	vmul.f32 $2.560000000e+02, v22;
	v15 =	vmin.f32 v15, $2.550000000e+02;
	v23 =	vmul.f32 $2.560000000e+02, v23  }
0x3d5: {  	v22 =	vmin.f32 v24, $2.550000000e+02;
	v24 =	vld [tilespmem:s1+$0x4070];
	v13 =	vtrunc.f32 v13;
	v25 =	vtrunc.f32 v14  }
0x3d6: {  	v27 =	vld [tilespmem:s1+$0x4030];
	v16 =	vmin.f32 v16, $2.550000000e+02;
	v15 =	vtrunc.f32 v15;
	v22 =	vtrunc.f32 v22  }
0x3d7: {  	[tilespmem:v21+s24+$0x0] =	vst.idx.add.f32.msk $0xffff, v10;
	v16 =	vtrunc.f32 v16;
	v17 =	vmin.f32 v17, $2.550000000e+02;
	v13 =	vcvt.f32.s32 v13  }
0x3d8: {  	v21 =	vld [tilespmem:s1+$0x4000];
	v14 =	vmin.f32 v23, $2.550000000e+02;
	v25 =	vcvt.f32.s32 v25;
	v62 =	vcvt.f32.s32 v15  }
0x3d9: {  	v23 =	vadd.s32 v19, v6;
	v19 =	vld [tilespmem:s1+$0x4010];
	v29 =	vcvt.f32.s32 v22;
	v17 =	vtrunc.f32 v17  }
0x3da: {  	v26 =	vtrunc.f32 v14;
	v14 =	vadd.s32 v20, v6;
	v20 =	vld [tilespmem:s1+$0x4020];
	v24 =	vsub.f32 v24, v11  }
0x3db: {  	v16 =	vcvt.f32.s32 v16;
	v31 =	vadd.s32 v13, v6;
	v15 =	vcvt.f32.s32 v17  }
0x3dc: {  	v32 =	vld [tilespmem:s1+$0x4050];
	v13 =	vcvt.f32.s32 v26;
	v33 =	vadd.s32 v25, v6;
	v24 =	vmul.f32 v24, v12  }
0x3dd: {  	v26 =	vld [tilespmem:s1+$0x4060];
	v17 =	vadd.s32 v62, v6;
	v25 =	vsub.f32 v27, v11;
	v21 =	vsub.f32 v21, v11  }
0x3de: {  	[tilespmem:v18+s24+$0x0] =	vst.idx.add.f32.msk $0xffff, v10;
	v27 =	vsub.f32 v30, v11;
	v19 =	vsub.f32 v19, v11;
	v24 =	vmul.f32 $2.560000000e+02, v24  }
0x3df: {  	v18 =	vadd.s32 v29, v6;
	v22 =	vmul.f32 v21, v12;
	v21 =	vsub.f32 v20, v11  }
0x3e0: {  	[tilespmem:v23+s24+$0x0] =	vst.idx.add.f32.msk $0xffff, v10;
	v23 =	vmul.f32 v27, v12;
	v20 =	vmul.f32 v19, v12;
	v63 =	vmin.f32 v24, $2.550000000e+02  }
0x3e1: {  	[tilespmem:v31+s24+$0x0] =	vst.idx.add.f32.msk $0xffff, v10;
	v19 =	vmul.f32 v21, v12;
	v24 =	vsub.f32 v32, v11;
	v28 =	vtrunc.f32 v63  }
0x3e2: {  	s29 =	simm.s32 $0x10;
	[tilespmem:v33+s24+$0x0] =	vst.idx.add.f32.msk $0xffff, v10;
	v21 =	vmul.f32 v25, v12;
	v25 =	vsub.f32 v26, v11;
	v26 =	vcvt.f32.s32 v28  }
.LBB2_22:
0x3e3: {  	s29 =	sadd.s32 $0x8, s29;
	v22 =	vmul.f32 $2.560000000e+02, v22;
	v24 =	vmul.f32 v24, v12;
	[tilespmem:v17+s24+$0x0] =	vst.idx.add.f32.msk $0xffff, v10;
	v27 =	vadd.s32 v16, v6  }
0x3e4: {  	v16 =	vmul.f32 $2.560000000e+02, v20;
	s28 =	sadd.s32 $0x400, s28;
	s1 =	sshll.u32 s29, $0x4;
	p0 =	slt.u32 s29, $0x3F8;
	v17 =	vmul.f32 v25, v12;
	v20 =	vadd.s32 v26, v6;
	[tilespmem:v18+s24+$0x0] =	vst.idx.add.f32.msk $0xffff, v10  }
0x3e5: {  	v19 =	vmul.f32 $2.560000000e+02, v19;
	v21 =	vmul.f32 $2.560000000e+02, v21;
	s30 =	sand.u32 $0xC00, s28;
	s31 =	sshll.u32 s29, $0x2;
	s1 =	sand.u32 $0x3000, s1;
	v18 =	vmin.f32 v22, $2.550000000e+02;
	[tilespmem:v14+s24+$0x0] =	vst.idx.add.f32.msk $0xffff, v10  }
0x3e6: {  	s31 =	sand.u32 $0x380, s31;
	v14 =	vmin.f32 v16, $2.550000000e+02;
	v16 =	vmul.f32 $2.560000000e+02, v23;
	v22 =	vmul.f32 $2.560000000e+02, v24;
	s1 =	sor.u32 s30, s1  }
0x3e7: {  	v19 =	vmin.f32 v19, $2.550000000e+02;
	v21 =	vmin.f32 v21, $2.550000000e+02;
	v17 =	vmul.f32 $2.560000000e+02, v17;
	s1 =	sor.u32 s31, s1  }
0x3e8: {  	v18 =	vtrunc.f32 v18;
	v16 =	vmin.f32 v16, $2.550000000e+02;
	v22 =	vmin.f32 v22, $2.550000000e+02;
	v23 =	vld [tilespmem:s1+$0x4070]  }
0x3e9: {  	v24 =	vtrunc.f32 v14;
	v19 =	vtrunc.f32 v19;
	v14 =	vmin.f32 v17, $2.550000000e+02;
	[tilespmem:v20+s24+$0x0] =	vst.idx.add.f32.msk $0xffff, v10  }
0x3ea: {  	v25 =	vadd.s32 v15, v6;
	v16 =	vtrunc.f32 v16;
	v20 =	vtrunc.f32 v21;
	v17 =	vld [tilespmem:s1+$0x4000]  }
0x3eb: {  	v15 =	vtrunc.f32 v22;
	v22 =	vtrunc.f32 v14;
	v14 =	vadd.s32 v13, v6;
	v21 =	vld [tilespmem:s1+$0x4010]  }
0x3ec: {  	v13 =	vcvt.f32.s32 v18;
	v18 =	vcvt.f32.s32 v24;
	v26 =	vld [tilespmem:s1+$0x4020]  }
0x3ed: {  	v19 =	vcvt.f32.s32 v19;
	v28 =	vcvt.f32.s32 v20;
	v24 =	vld [tilespmem:s1+$0x4030];
	v23 =	vsub.f32 v23, v11  }
0x3ee: {  	v16 =	vcvt.f32.s32 v16;
	v15 =	vcvt.f32.s32 v15;
	v30 =	vadd.s32 v13, v6;
	v29 =	vld [tilespmem:s1+$0x4040]  }
0x3ef: {  	v13 =	vcvt.f32.s32 v22;
	v20 =	vsub.f32 v17, v11;
	v31 =	vld [tilespmem:s1+$0x4050];
	v23 =	vmul.f32 v23, v12  }
0x3f0: {  	v33 =	vadd.s32 v18, v6;
	v17 =	vadd.s32 v19, v6;
	v21 =	vsub.f32 v21, v11;
	v32 =	vld [tilespmem:s1+$0x4060]  }
.Ltmp10:
0x3f1: {  	v22 =	vmul.f32 v20, v12;
	v19 =	vsub.f32 v26, v11;
	v23 =	vmul.f32 $2.560000000e+02, v23;
	[tilespmem:v27+s24+$0x0] =	vst.idx.add.f32.msk $0xffff, v10;
	(pc) =	sbr.rel @p0 .LBB2_22-.Ltmp10, $4  }
0x3f2: {  	v18 =	vadd.s32 v28, v6;
	v20 =	vmul.f32 v21, v12;
	v21 =	vsub.f32 v24, v11  }
0x3f3: {  	v19 =	vmul.f32 v19, v12;
	v26 =	vsub.f32 v29, v11;
	v23 =	vmin.f32 v23, $2.550000000e+02;
	[tilespmem:v30+s24+$0x0] =	vst.idx.add.f32.msk $0xffff, v10  }
0x3f4: {  	v21 =	vmul.f32 v21, v12;
	v24 =	vsub.f32 v31, v11;
	v27 =	vtrunc.f32 v23;
	[tilespmem:v25+s24+$0x0] =	vst.idx.add.f32.msk $0xffff, v10  }
0x3f5: {  	v23 =	vmul.f32 v26, v12;
	v25 =	vsub.f32 v32, v11;
	v26 =	vcvt.f32.s32 v27;
	[tilespmem:v33+s24+$0x0] =	vst.idx.add.f32.msk $0xffff, v10  }
0x3f6: {  	v22 =	vmul.f32 $2.560000000e+02, v22  }
0x3f7: {  	v24 =	vmul.f32 v24, v12;
	v16 =	vadd.s32 v16, v6;
	v20 =	vmul.f32 $2.560000000e+02, v20  }
0x3f8: {  	v19 =	vmul.f32 $2.560000000e+02, v19;
	v21 =	vmul.f32 $2.560000000e+02, v21;
	v15 =	vadd.s32 v15, v6  }
0x3f9: {  	v13 =	vadd.s32 v13, v6;
	v25 =	vmul.f32 v25, v12;
	v23 =	vmul.f32 $2.560000000e+02, v23  }
0x3fa: {  	v22 =	vmin.f32 v22, $2.550000000e+02;
	v20 =	vmin.f32 v20, $2.550000000e+02;
	v24 =	vmul.f32 $2.560000000e+02, v24  }
0x3fb: {  	v19 =	vmin.f32 v19, $2.550000000e+02;
	v22 =	vtrunc.f32 v22;
	v25 =	vmul.f32 $2.560000000e+02, v25  }
0x3fc: {  	[tilespmem:v17+s24+$0x0] =	vst.idx.add.f32.msk $0xffff, v10;
	v21 =	vmin.f32 v21, $2.550000000e+02;
	v20 =	vtrunc.f32 v20;
	v17 =	vtrunc.f32 v19  }
0x3fd: {  	[tilespmem:v18+s24+$0x0] =	vst.idx.add.f32.msk $0xffff, v10;
	v26 =	vadd.s32 v26, v6;
	v18 =	vtrunc.f32 v21;
	v22 =	vcvt.f32.s32 v22  }
0x3fe: {  	v23 =	vmin.f32 v23, $2.550000000e+02;
	v19 =	vcvt.f32.s32 v20;
	v17 =	vcvt.f32.s32 v17  }
0x3ff: {  	[tilespmem:v14+s24+$0x0] =	vst.idx.add.f32.msk $0xffff, v10;
	v14 =	vmin.f32 v24, $2.550000000e+02;
	v18 =	vcvt.f32.s32 v18;
	v20 =	vadd.s32 v22, v6  }
0x400: {  	v21 =	vmin.f32 v25, $2.550000000e+02;
	v14 =	vtrunc.f32 v14;
	[tilespmem:v16+s24+$0x0] =	vst.idx.add.f32.msk $0xffff, v10;
	v17 =	vadd.s32 v17, v6  }
0x401: {  	[tilespmem:v15+s24+$0x0] =	vst.idx.add.f32.msk $0xffff, v10;
	v19 =	vadd.s32 v19, v6;
	v22 =	vtrunc.f32 v23;
	v14 =	vcvt.f32.s32 v14  }
0x402: {  	[tilespmem:v13+s24+$0x0] =	vst.idx.add.f32.msk $0xffff, v10;
	v16 =	vadd.s32 v18, v6;
	v18 =	vtrunc.f32 v21;
	v22 =	vcvt.f32.s32 v22  }
0x403: {  	[tilespmem:v26+s24+$0x0] =	vst.idx.add.f32.msk $0xffff, v10;
	v18 =	vcvt.f32.s32 v18;
	v14 =	vadd.s32 v14, v6  }
0x404: {  	v15 =	vadd.s32 v22, v6;
	[tilespmem:v20+s24+$0x0] =	vst.idx.add.f32.msk $0xffff, v10  }
0x405: {  	[tilespmem:v17+s24+$0x0] =	vst.idx.add.f32.msk $0xffff, v10;
	v17 =	vadd.s32 v18, v6  }
0x406: {  	[tilespmem:v19+s24+$0x0] =	vst.idx.add.f32.msk $0xffff, v10  }
0x407: {  	[tilespmem:v16+s24+$0x0] =	vst.idx.add.f32.msk $0xffff, v10  }
0x408: {  	[tilespmem:v14+s24+$0x0] =	vst.idx.add.f32.msk $0xffff, v10  }
0x409: {  	[tilespmem:v15+s24+$0x0] =	vst.idx.add.f32.msk $0xffff, v10  }
0x40a: {  	s1 =	simm.s32 $0x0;
	s28 =	simm.s32 $0x0;
	s29 =	simm.s32 $0x0;
	[tilespmem:v17+s24+$0x0] =	vst.idx.add.f32.msk $0xffff, v10  }
0x40b: {  	[tilespmem:s22], [sflag:$0x2] =	stream.linear.gather [hbm4b:s12+s1], $0x4000, $0x38;
	[tilespmem:$0x9900] =	vst v63  }
0x40c: {  	s28 =	sand.u32 $0x3000, s28;
	s1 =	sand.u32 $0xC00, s1;
	_ =	swait.ge [sflag:s23], $0x4000  }
0x40d: {  	s29 =	sand.u32 $0x380, s29;
	s1 =	sor.u32 s1, s28;
	[sflag:s23] =	ssyncset.done $0x0  }
0x40e: {  	s1 =	sor.u32 s29, s1;
	[sflag:s23] =	ssyncadd.s32 $0xFFFFC000  }
0x40f: {  	v13 =	vld [tilespmem:s1+$0x70]  }
0x410: {  	v14 =	vld [tilespmem:s1+$0x0]  }
0x411: {  	v15 =	vld [tilespmem:s1+$0x10]  }
0x412: {  	v16 =	vld [tilespmem:s1+$0x20]  }
0x413: {  	v17 =	vld [tilespmem:s1+$0x30]  }
0x414: {  	v18 =	vld [tilespmem:s1+$0x40]  }
0x415: {  	s30 =	simm.s32 $0x80;
	s28 =	simm.s32 $0x400;
	v19 =	vld [tilespmem:s1+$0x50]  }
0x416: {  	s28 =	sand.u32 $0xC00, s28;
	s29 =	simm.s32 $0x20;
	v20 =	vld [tilespmem:s1+$0x60];
	s1 =	sand.u32 $0x3000, s30  }
0x417: {  	s29 =	sand.u32 $0x380, s29;
	s1 =	sor.u32 s28, s1  }
0x418: {  	s1 =	sor.u32 s29, s1;
	v13 =	vsub.f32 v13, v11;
	v14 =	vsub.f32 v14, v11  }
0x419: {  	v21 =	vld [tilespmem:s1+$0x70];
	v15 =	vsub.f32 v15, v11;
	v16 =	vsub.f32 v16, v11  }
0x41a: {  	v22 =	vld [tilespmem:s1+$0x0];
	v17 =	vsub.f32 v17, v11;
	v18 =	vsub.f32 v18, v11  }
0x41b: {  	v23 =	vld [tilespmem:s1+$0x10];
	v19 =	vsub.f32 v19, v11;
	v13 =	vmul.f32 v13, v12;
	v14 =	vmul.f32 v14, v12  }
0x41c: {  	v24 =	vld [tilespmem:s1+$0x20];
	v20 =	vsub.f32 v20, v11;
	v15 =	vmul.f32 v15, v12;
	v16 =	vmul.f32 v16, v12  }
0x41d: {  	v25 =	vld [tilespmem:s1+$0x30];
	v17 =	vmul.f32 v17, v12;
	v18 =	vmul.f32 v18, v12  }
0x41e: {  	v26 =	vld [tilespmem:s1+$0x40];
	v19 =	vmul.f32 v19, v12;
	v20 =	vmul.f32 v20, v12;
	v21 =	vsub.f32 v21, v11  }
0x41f: {  	v27 =	vld [tilespmem:s1+$0x50];
	v22 =	vsub.f32 v22, v11;
	v13 =	vmul.f32 $2.560000000e+02, v13;
	v14 =	vmul.f32 $2.560000000e+02, v14  }
0x420: {  	v23 =	vsub.f32 v23, v11;
	v15 =	vmul.f32 $2.560000000e+02, v15;
	v16 =	vmul.f32 $2.560000000e+02, v16  }
0x421: {  	v24 =	vsub.f32 v24, v11;
	v17 =	vmul.f32 $2.560000000e+02, v17;
	v18 =	vmul.f32 $2.560000000e+02, v18  }
0x422: {  	v25 =	vsub.f32 v25, v11;
	v19 =	vmul.f32 $2.560000000e+02, v19;
	v20 =	vmul.f32 $2.560000000e+02, v20  }
0x423: {  	v26 =	vsub.f32 v26, v11;
	v21 =	vmul.f32 v21, v12;
	v22 =	vmul.f32 v22, v12  }
0x424: {  	v27 =	vsub.f32 v27, v11;
	v23 =	vmul.f32 v23, v12;
	v24 =	vmul.f32 v24, v12  }
0x425: {  	v25 =	vmul.f32 v25, v12;
	v26 =	vmul.f32 v26, v12;
	v13 =	vmin.f32 v13, $2.550000000e+02  }
0x426: {  	v28 =	vld [tilespmem:s1+$0x60];
	v14 =	vmin.f32 v14, $2.550000000e+02;
	v15 =	vmin.f32 v15, $2.550000000e+02;
	v16 =	vmin.f32 v16, $2.550000000e+02  }
0x427: {  	v17 =	vmin.f32 v17, $2.550000000e+02;
	v13 =	vtrunc.f32 v13;
	v14 =	vtrunc.f32 v14  }
0x428: {  	v18 =	vmin.f32 v18, $2.550000000e+02;
	v15 =	vtrunc.f32 v15;
	v16 =	vtrunc.f32 v16  }
0x429: {  	v19 =	vmin.f32 v19, $2.550000000e+02;
	v17 =	vtrunc.f32 v17;
	v18 =	vtrunc.f32 v18  }
0x42a: {  	v20 =	vmin.f32 v20, $2.550000000e+02;
	v19 =	vtrunc.f32 v19;
	v13 =	vcvt.f32.s32 v13  }
0x42b: {  	v28 =	vsub.f32 v28, v11;
	v20 =	vtrunc.f32 v20;
	v14 =	vcvt.f32.s32 v14  }
0x42c: {  	s31 =	simm.s32 $0x100;
	s28 =	simm.s32 $0x800;
	v21 =	vmul.f32 $2.560000000e+02, v21;
	v15 =	vcvt.f32.s32 v15;
	v13 =	vadd.s32 v13, v7  }
0x42d: {  	s30 =	simm.s32 $0x40;
	s29 =	sand.u32 $0xC00, s28;
	s1 =	sand.u32 $0x3000, s31;
	v16 =	vcvt.f32.s32 v16;
	v17 =	vcvt.f32.s32 v17;
	v14 =	vadd.s32 v14, v7  }
0x42e: {  	s30 =	sand.u32 $0x380, s30;
	s1 =	sor.u32 s29, s1;
	v18 =	vcvt.f32.s32 v18;
	v21 =	vmin.f32 v21, $2.550000000e+02;
	v15 =	vadd.s32 v15, v7  }
0x42f: {  	s1 =	sor.u32 s30, s1;
	v19 =	vcvt.f32.s32 v19;
	v16 =	vadd.s32 v16, v7;
	v21 =	vtrunc.f32 v21  }
0x430: {  	v30 =	vld [tilespmem:s1+$0x40];
	v20 =	vcvt.f32.s32 v20;
	v17 =	vadd.s32 v17, v7;
	v21 =	vcvt.f32.s32 v21  }
0x431: {  	[tilespmem:v13+s24+$0x0] =	vst.idx.add.f32.msk $0xffff, v10;
	v13 =	vmul.f32 $2.560000000e+02, v22;
	v22 =	vmul.f32 v27, v12  }
0x432: {  	v18 =	vadd.s32 v18, v7;
	[tilespmem:v14+s24+$0x0] =	vst.idx.add.f32.msk $0xffff, v10;
	v14 =	vmul.f32 $2.560000000e+02, v23;
	v23 =	vmul.f32 v28, v12  }
0x433: {  	v21 =	vadd.s32 v21, v7;
	[tilespmem:v15+s24+$0x0] =	vst.idx.add.f32.msk $0xffff, v10;
	v15 =	vmul.f32 $2.560000000e+02, v24;
	v24 =	vmul.f32 $2.560000000e+02, v25  }
0x434: {  	[tilespmem:v16+s24+$0x0] =	vst.idx.add.f32.msk $0xffff, v10;
	v16 =	vmul.f32 $2.560000000e+02, v26;
	v13 =	vmin.f32 v13, $2.550000000e+02;
	v14 =	vmin.f32 v14, $2.550000000e+02  }
0x435: {  	[tilespmem:v17+s24+$0x0] =	vst.idx.add.f32.msk $0xffff, v10;
	v17 =	vmul.f32 $2.560000000e+02, v22;
	v15 =	vmin.f32 v15, $2.550000000e+02;
	v23 =	vmul.f32 $2.560000000e+02, v23  }
0x436: {  	v22 =	vmin.f32 v24, $2.550000000e+02;
	v24 =	vld [tilespmem:s1+$0x70];
	v13 =	vtrunc.f32 v13;
	v25 =	vtrunc.f32 v14  }
0x437: {  	v27 =	vld [tilespmem:s1+$0x30];
	v16 =	vmin.f32 v16, $2.550000000e+02;
	v15 =	vtrunc.f32 v15;
	v22 =	vtrunc.f32 v22  }
0x438: {  	[tilespmem:v21+s24+$0x0] =	vst.idx.add.f32.msk $0xffff, v10;
	v16 =	vtrunc.f32 v16;
	v17 =	vmin.f32 v17, $2.550000000e+02;
	v13 =	vcvt.f32.s32 v13  }
0x439: {  	v21 =	vld [tilespmem:s1+$0x0];
	v14 =	vmin.f32 v23, $2.550000000e+02;
	v25 =	vcvt.f32.s32 v25;
	v62 =	vcvt.f32.s32 v15  }
0x43a: {  	v23 =	vadd.s32 v19, v7;
	v19 =	vld [tilespmem:s1+$0x10];
	v29 =	vcvt.f32.s32 v22;
	v17 =	vtrunc.f32 v17  }
0x43b: {  	v26 =	vtrunc.f32 v14;
	v14 =	vadd.s32 v20, v7;
	v20 =	vld [tilespmem:s1+$0x20];
	v24 =	vsub.f32 v24, v11  }
0x43c: {  	v16 =	vcvt.f32.s32 v16;
	v31 =	vadd.s32 v13, v7;
	v15 =	vcvt.f32.s32 v17  }
0x43d: {  	v32 =	vld [tilespmem:s1+$0x50];
	v13 =	vcvt.f32.s32 v26;
	v33 =	vadd.s32 v25, v7;
	v24 =	vmul.f32 v24, v12  }
0x43e: {  	v26 =	vld [tilespmem:s1+$0x60];
	v17 =	vadd.s32 v62, v7;
	v25 =	vsub.f32 v27, v11;
	v21 =	vsub.f32 v21, v11  }
0x43f: {  	[tilespmem:v18+s24+$0x0] =	vst.idx.add.f32.msk $0xffff, v10;
	v27 =	vsub.f32 v30, v11;
	v19 =	vsub.f32 v19, v11;
	v24 =	vmul.f32 $2.560000000e+02, v24  }
0x440: {  	v18 =	vadd.s32 v29, v7;
	v22 =	vmul.f32 v21, v12;
	v21 =	vsub.f32 v20, v11  }
0x441: {  	[tilespmem:v23+s24+$0x0] =	vst.idx.add.f32.msk $0xffff, v10;
	v23 =	vmul.f32 v27, v12;
	v20 =	vmul.f32 v19, v12;
	v63 =	vmin.f32 v24, $2.550000000e+02  }
0x442: {  	[tilespmem:v31+s24+$0x0] =	vst.idx.add.f32.msk $0xffff, v10;
	v19 =	vmul.f32 v21, v12;
	v24 =	vsub.f32 v32, v11;
	v28 =	vtrunc.f32 v63  }
0x443: {  	s29 =	simm.s32 $0x10;
	[tilespmem:v33+s24+$0x0] =	vst.idx.add.f32.msk $0xffff, v10;
	v21 =	vmul.f32 v25, v12;
	v25 =	vsub.f32 v26, v11;
	v26 =	vcvt.f32.s32 v28  }
.LBB2_24:
0x444: {  	s29 =	sadd.s32 $0x8, s29;
	v22 =	vmul.f32 $2.560000000e+02, v22;
	v24 =	vmul.f32 v24, v12;
	[tilespmem:v17+s24+$0x0] =	vst.idx.add.f32.msk $0xffff, v10;
	v27 =	vadd.s32 v16, v7  }
0x445: {  	v16 =	vmul.f32 $2.560000000e+02, v20;
	s28 =	sadd.s32 $0x400, s28;
	s1 =	sshll.u32 s29, $0x4;
	p0 =	slt.u32 s29, $0x3F8;
	v17 =	vmul.f32 v25, v12;
	v20 =	vadd.s32 v26, v7;
	[tilespmem:v18+s24+$0x0] =	vst.idx.add.f32.msk $0xffff, v10  }
0x446: {  	v19 =	vmul.f32 $2.560000000e+02, v19;
	v21 =	vmul.f32 $2.560000000e+02, v21;
	s30 =	sand.u32 $0xC00, s28;
	s31 =	sshll.u32 s29, $0x2;
	s1 =	sand.u32 $0x3000, s1;
	v18 =	vmin.f32 v22, $2.550000000e+02;
	[tilespmem:v14+s24+$0x0] =	vst.idx.add.f32.msk $0xffff, v10  }
0x447: {  	s31 =	sand.u32 $0x380, s31;
	v14 =	vmin.f32 v16, $2.550000000e+02;
	v16 =	vmul.f32 $2.560000000e+02, v23;
	v22 =	vmul.f32 $2.560000000e+02, v24;
	s1 =	sor.u32 s30, s1  }
0x448: {  	v19 =	vmin.f32 v19, $2.550000000e+02;
	v21 =	vmin.f32 v21, $2.550000000e+02;
	v17 =	vmul.f32 $2.560000000e+02, v17;
	s1 =	sor.u32 s31, s1  }
0x449: {  	v18 =	vtrunc.f32 v18;
	v16 =	vmin.f32 v16, $2.550000000e+02;
	v22 =	vmin.f32 v22, $2.550000000e+02;
	v23 =	vld [tilespmem:s1+$0x70]  }
0x44a: {  	v24 =	vtrunc.f32 v14;
	v19 =	vtrunc.f32 v19;
	v14 =	vmin.f32 v17, $2.550000000e+02;
	[tilespmem:v20+s24+$0x0] =	vst.idx.add.f32.msk $0xffff, v10  }
0x44b: {  	v25 =	vadd.s32 v15, v7;
	v16 =	vtrunc.f32 v16;
	v20 =	vtrunc.f32 v21;
	v17 =	vld [tilespmem:s1+$0x0]  }
0x44c: {  	v15 =	vtrunc.f32 v22;
	v22 =	vtrunc.f32 v14;
	v14 =	vadd.s32 v13, v7;
	v21 =	vld [tilespmem:s1+$0x10]  }
0x44d: {  	v13 =	vcvt.f32.s32 v18;
	v18 =	vcvt.f32.s32 v24;
	v26 =	vld [tilespmem:s1+$0x20]  }
0x44e: {  	v19 =	vcvt.f32.s32 v19;
	v28 =	vcvt.f32.s32 v20;
	v24 =	vld [tilespmem:s1+$0x30];
	v23 =	vsub.f32 v23, v11  }
0x44f: {  	v16 =	vcvt.f32.s32 v16;
	v15 =	vcvt.f32.s32 v15;
	v30 =	vadd.s32 v13, v7;
	v29 =	vld [tilespmem:s1+$0x40]  }
0x450: {  	v13 =	vcvt.f32.s32 v22;
	v20 =	vsub.f32 v17, v11;
	v31 =	vld [tilespmem:s1+$0x50];
	v23 =	vmul.f32 v23, v12  }
0x451: {  	v33 =	vadd.s32 v18, v7;
	v17 =	vadd.s32 v19, v7;
	v21 =	vsub.f32 v21, v11;
	v32 =	vld [tilespmem:s1+$0x60]  }
.Ltmp11:
0x452: {  	v22 =	vmul.f32 v20, v12;
	v19 =	vsub.f32 v26, v11;
	v23 =	vmul.f32 $2.560000000e+02, v23;
	[tilespmem:v27+s24+$0x0] =	vst.idx.add.f32.msk $0xffff, v10;
	(pc) =	sbr.rel @p0 .LBB2_24-.Ltmp11, $4  }
0x453: {  	v18 =	vadd.s32 v28, v7;
	v20 =	vmul.f32 v21, v12;
	v21 =	vsub.f32 v24, v11  }
0x454: {  	v19 =	vmul.f32 v19, v12;
	v26 =	vsub.f32 v29, v11;
	v23 =	vmin.f32 v23, $2.550000000e+02;
	[tilespmem:v30+s24+$0x0] =	vst.idx.add.f32.msk $0xffff, v10  }
0x455: {  	v21 =	vmul.f32 v21, v12;
	v24 =	vsub.f32 v31, v11;
	v27 =	vtrunc.f32 v23;
	[tilespmem:v25+s24+$0x0] =	vst.idx.add.f32.msk $0xffff, v10  }
0x456: {  	v23 =	vmul.f32 v26, v12;
	v25 =	vsub.f32 v32, v11;
	v26 =	vcvt.f32.s32 v27;
	[tilespmem:v33+s24+$0x0] =	vst.idx.add.f32.msk $0xffff, v10  }
0x457: {  	v22 =	vmul.f32 $2.560000000e+02, v22  }
0x458: {  	v24 =	vmul.f32 v24, v12;
	v16 =	vadd.s32 v16, v7;
	v20 =	vmul.f32 $2.560000000e+02, v20  }
0x459: {  	v19 =	vmul.f32 $2.560000000e+02, v19;
	v21 =	vmul.f32 $2.560000000e+02, v21;
	v15 =	vadd.s32 v15, v7  }
0x45a: {  	v13 =	vadd.s32 v13, v7;
	v25 =	vmul.f32 v25, v12;
	v23 =	vmul.f32 $2.560000000e+02, v23  }
0x45b: {  	v22 =	vmin.f32 v22, $2.550000000e+02;
	v20 =	vmin.f32 v20, $2.550000000e+02;
	v24 =	vmul.f32 $2.560000000e+02, v24  }
0x45c: {  	v19 =	vmin.f32 v19, $2.550000000e+02;
	v22 =	vtrunc.f32 v22;
	v25 =	vmul.f32 $2.560000000e+02, v25  }
0x45d: {  	[tilespmem:v17+s24+$0x0] =	vst.idx.add.f32.msk $0xffff, v10;
	v21 =	vmin.f32 v21, $2.550000000e+02;
	v20 =	vtrunc.f32 v20;
	v17 =	vtrunc.f32 v19  }
0x45e: {  	[tilespmem:v18+s24+$0x0] =	vst.idx.add.f32.msk $0xffff, v10;
	v26 =	vadd.s32 v26, v7;
	v18 =	vtrunc.f32 v21;
	v22 =	vcvt.f32.s32 v22  }
0x45f: {  	v23 =	vmin.f32 v23, $2.550000000e+02;
	v19 =	vcvt.f32.s32 v20;
	v17 =	vcvt.f32.s32 v17  }
0x460: {  	[tilespmem:v14+s24+$0x0] =	vst.idx.add.f32.msk $0xffff, v10;
	v14 =	vmin.f32 v24, $2.550000000e+02;
	v18 =	vcvt.f32.s32 v18;
	v20 =	vadd.s32 v22, v7  }
0x461: {  	v21 =	vmin.f32 v25, $2.550000000e+02;
	v14 =	vtrunc.f32 v14;
	[tilespmem:v16+s24+$0x0] =	vst.idx.add.f32.msk $0xffff, v10;
	v17 =	vadd.s32 v17, v7  }
0x462: {  	[tilespmem:v15+s24+$0x0] =	vst.idx.add.f32.msk $0xffff, v10;
	v19 =	vadd.s32 v19, v7;
	v22 =	vtrunc.f32 v23;
	v14 =	vcvt.f32.s32 v14  }
0x463: {  	[tilespmem:v13+s24+$0x0] =	vst.idx.add.f32.msk $0xffff, v10;
	v16 =	vadd.s32 v18, v7;
	v18 =	vtrunc.f32 v21;
	v22 =	vcvt.f32.s32 v22  }
0x464: {  	[tilespmem:v26+s24+$0x0] =	vst.idx.add.f32.msk $0xffff, v10;
	v18 =	vcvt.f32.s32 v18;
	v14 =	vadd.s32 v14, v7  }
0x465: {  	v15 =	vadd.s32 v22, v7;
	[tilespmem:v20+s24+$0x0] =	vst.idx.add.f32.msk $0xffff, v10  }
0x466: {  	[tilespmem:v17+s24+$0x0] =	vst.idx.add.f32.msk $0xffff, v10;
	v17 =	vadd.s32 v18, v7  }
0x467: {  	[tilespmem:v19+s24+$0x0] =	vst.idx.add.f32.msk $0xffff, v10  }
0x468: {  	[tilespmem:v16+s24+$0x0] =	vst.idx.add.f32.msk $0xffff, v10  }
0x469: {  	[tilespmem:v14+s24+$0x0] =	vst.idx.add.f32.msk $0xffff, v10  }
0x46a: {  	[tilespmem:v15+s24+$0x0] =	vst.idx.add.f32.msk $0xffff, v10  }
0x46b: {  	s1 =	simm.s32 $0x0;
	s28 =	simm.s32 $0x0;
	s29 =	simm.s32 $0x0;
	[tilespmem:v17+s24+$0x0] =	vst.idx.add.f32.msk $0xffff, v10  }
0x46c: {  	s28 =	sand.u32 $0x3000, s28;
	s1 =	sand.u32 $0xC00, s1;
	_ =	swait.ge [sflag:s25], $0x4000  }
0x46d: {  	s29 =	sand.u32 $0x380, s29;
	s1 =	sor.u32 s1, s28;
	[sflag:s25] =	ssyncset.done $0x0  }
0x46e: {  	s1 =	sor.u32 s29, s1;
	[sflag:s25] =	ssyncadd.s32 $0xFFFFC000  }
0x46f: {  	v13 =	vld [tilespmem:s1+$0x4070]  }
0x470: {  	v14 =	vld [tilespmem:s1+$0x4000]  }
0x471: {  	v15 =	vld [tilespmem:s1+$0x4010]  }
0x472: {  	v16 =	vld [tilespmem:s1+$0x4020]  }
0x473: {  	v17 =	vld [tilespmem:s1+$0x4030]  }
0x474: {  	v18 =	vld [tilespmem:s1+$0x4040]  }
0x475: {  	s30 =	simm.s32 $0x80;
	s28 =	simm.s32 $0x400;
	v19 =	vld [tilespmem:s1+$0x4050]  }
0x476: {  	s28 =	sand.u32 $0xC00, s28;
	s29 =	simm.s32 $0x20;
	v20 =	vld [tilespmem:s1+$0x4060];
	s1 =	sand.u32 $0x3000, s30  }
0x477: {  	s29 =	sand.u32 $0x380, s29;
	s1 =	sor.u32 s28, s1  }
0x478: {  	s1 =	sor.u32 s29, s1;
	v13 =	vsub.f32 v13, v11;
	v14 =	vsub.f32 v14, v11  }
0x479: {  	v21 =	vld [tilespmem:s1+$0x4070];
	v15 =	vsub.f32 v15, v11;
	v16 =	vsub.f32 v16, v11  }
0x47a: {  	v22 =	vld [tilespmem:s1+$0x4000];
	v17 =	vsub.f32 v17, v11;
	v18 =	vsub.f32 v18, v11  }
0x47b: {  	v23 =	vld [tilespmem:s1+$0x4010];
	v19 =	vsub.f32 v19, v11;
	v13 =	vmul.f32 v13, v12;
	v14 =	vmul.f32 v14, v12  }
0x47c: {  	v24 =	vld [tilespmem:s1+$0x4020];
	v20 =	vsub.f32 v20, v11;
	v15 =	vmul.f32 v15, v12;
	v16 =	vmul.f32 v16, v12  }
0x47d: {  	v25 =	vld [tilespmem:s1+$0x4030];
	v17 =	vmul.f32 v17, v12;
	v18 =	vmul.f32 v18, v12  }
0x47e: {  	v26 =	vld [tilespmem:s1+$0x4040];
	v19 =	vmul.f32 v19, v12;
	v20 =	vmul.f32 v20, v12;
	v21 =	vsub.f32 v21, v11  }
0x47f: {  	v27 =	vld [tilespmem:s1+$0x4050];
	v22 =	vsub.f32 v22, v11;
	v13 =	vmul.f32 $2.560000000e+02, v13;
	v14 =	vmul.f32 $2.560000000e+02, v14  }
0x480: {  	v23 =	vsub.f32 v23, v11;
	v15 =	vmul.f32 $2.560000000e+02, v15;
	v16 =	vmul.f32 $2.560000000e+02, v16  }
0x481: {  	v24 =	vsub.f32 v24, v11;
	v17 =	vmul.f32 $2.560000000e+02, v17;
	v18 =	vmul.f32 $2.560000000e+02, v18  }
0x482: {  	v25 =	vsub.f32 v25, v11;
	v19 =	vmul.f32 $2.560000000e+02, v19;
	v20 =	vmul.f32 $2.560000000e+02, v20  }
0x483: {  	v26 =	vsub.f32 v26, v11;
	v21 =	vmul.f32 v21, v12;
	v22 =	vmul.f32 v22, v12  }
0x484: {  	v27 =	vsub.f32 v27, v11;
	v23 =	vmul.f32 v23, v12;
	v24 =	vmul.f32 v24, v12  }
0x485: {  	v25 =	vmul.f32 v25, v12;
	v26 =	vmul.f32 v26, v12;
	v13 =	vmin.f32 v13, $2.550000000e+02  }
0x486: {  	v28 =	vld [tilespmem:s1+$0x4060];
	v14 =	vmin.f32 v14, $2.550000000e+02;
	v15 =	vmin.f32 v15, $2.550000000e+02;
	v16 =	vmin.f32 v16, $2.550000000e+02  }
0x487: {  	v17 =	vmin.f32 v17, $2.550000000e+02;
	v13 =	vtrunc.f32 v13;
	v14 =	vtrunc.f32 v14  }
0x488: {  	v18 =	vmin.f32 v18, $2.550000000e+02;
	v15 =	vtrunc.f32 v15;
	v16 =	vtrunc.f32 v16  }
0x489: {  	v19 =	vmin.f32 v19, $2.550000000e+02;
	v17 =	vtrunc.f32 v17;
	v18 =	vtrunc.f32 v18  }
0x48a: {  	v20 =	vmin.f32 v20, $2.550000000e+02;
	v19 =	vtrunc.f32 v19;
	v13 =	vcvt.f32.s32 v13  }
0x48b: {  	v28 =	vsub.f32 v28, v11;
	v20 =	vtrunc.f32 v20;
	v14 =	vcvt.f32.s32 v14  }
0x48c: {  	s31 =	simm.s32 $0x100;
	s28 =	simm.s32 $0x800;
	v21 =	vmul.f32 $2.560000000e+02, v21;
	v15 =	vcvt.f32.s32 v15;
	v13 =	vadd.s32 v13, v8  }
0x48d: {  	s30 =	simm.s32 $0x40;
	s29 =	sand.u32 $0xC00, s28;
	s1 =	sand.u32 $0x3000, s31;
	v16 =	vcvt.f32.s32 v16;
	v17 =	vcvt.f32.s32 v17;
	v14 =	vadd.s32 v14, v8  }
0x48e: {  	s30 =	sand.u32 $0x380, s30;
	s1 =	sor.u32 s29, s1;
	v18 =	vcvt.f32.s32 v18;
	v21 =	vmin.f32 v21, $2.550000000e+02;
	v15 =	vadd.s32 v15, v8  }
0x48f: {  	s1 =	sor.u32 s30, s1;
	v19 =	vcvt.f32.s32 v19;
	v16 =	vadd.s32 v16, v8;
	v21 =	vtrunc.f32 v21  }
0x490: {  	v30 =	vld [tilespmem:s1+$0x4040];
	v20 =	vcvt.f32.s32 v20;
	v17 =	vadd.s32 v17, v8;
	v21 =	vcvt.f32.s32 v21  }
0x491: {  	[tilespmem:v13+s24+$0x0] =	vst.idx.add.f32.msk $0xffff, v10;
	v13 =	vmul.f32 $2.560000000e+02, v22;
	v22 =	vmul.f32 v27, v12  }
0x492: {  	v18 =	vadd.s32 v18, v8;
	[tilespmem:v14+s24+$0x0] =	vst.idx.add.f32.msk $0xffff, v10;
	v14 =	vmul.f32 $2.560000000e+02, v23;
	v23 =	vmul.f32 v28, v12  }
0x493: {  	v21 =	vadd.s32 v21, v8;
	[tilespmem:v15+s24+$0x0] =	vst.idx.add.f32.msk $0xffff, v10;
	v15 =	vmul.f32 $2.560000000e+02, v24;
	v24 =	vmul.f32 $2.560000000e+02, v25  }
0x494: {  	[tilespmem:v16+s24+$0x0] =	vst.idx.add.f32.msk $0xffff, v10;
	v16 =	vmul.f32 $2.560000000e+02, v26;
	v13 =	vmin.f32 v13, $2.550000000e+02;
	v14 =	vmin.f32 v14, $2.550000000e+02  }
0x495: {  	[tilespmem:v17+s24+$0x0] =	vst.idx.add.f32.msk $0xffff, v10;
	v17 =	vmul.f32 $2.560000000e+02, v22;
	v15 =	vmin.f32 v15, $2.550000000e+02;
	v23 =	vmul.f32 $2.560000000e+02, v23  }
0x496: {  	v22 =	vmin.f32 v24, $2.550000000e+02;
	v24 =	vld [tilespmem:s1+$0x4070];
	v13 =	vtrunc.f32 v13;
	v25 =	vtrunc.f32 v14  }
0x497: {  	v27 =	vld [tilespmem:s1+$0x4030];
	v16 =	vmin.f32 v16, $2.550000000e+02;
	v15 =	vtrunc.f32 v15;
	v22 =	vtrunc.f32 v22  }
0x498: {  	[tilespmem:v21+s24+$0x0] =	vst.idx.add.f32.msk $0xffff, v10;
	v16 =	vtrunc.f32 v16;
	v17 =	vmin.f32 v17, $2.550000000e+02;
	v13 =	vcvt.f32.s32 v13  }
0x499: {  	v21 =	vld [tilespmem:s1+$0x4000];
	v14 =	vmin.f32 v23, $2.550000000e+02;
	v25 =	vcvt.f32.s32 v25;
	v62 =	vcvt.f32.s32 v15  }
0x49a: {  	v23 =	vadd.s32 v19, v8;
	v19 =	vld [tilespmem:s1+$0x4010];
	v29 =	vcvt.f32.s32 v22;
	v17 =	vtrunc.f32 v17  }
0x49b: {  	v26 =	vtrunc.f32 v14;
	v14 =	vadd.s32 v20, v8;
	v20 =	vld [tilespmem:s1+$0x4020];
	v24 =	vsub.f32 v24, v11  }
0x49c: {  	v16 =	vcvt.f32.s32 v16;
	v31 =	vadd.s32 v13, v8;
	v15 =	vcvt.f32.s32 v17  }
0x49d: {  	v32 =	vld [tilespmem:s1+$0x4050];
	v13 =	vcvt.f32.s32 v26;
	v33 =	vadd.s32 v25, v8;
	v24 =	vmul.f32 v24, v12  }
0x49e: {  	v26 =	vld [tilespmem:s1+$0x4060];
	v17 =	vadd.s32 v62, v8;
	v25 =	vsub.f32 v27, v11;
	v21 =	vsub.f32 v21, v11  }
0x49f: {  	[tilespmem:v18+s24+$0x0] =	vst.idx.add.f32.msk $0xffff, v10;
	v27 =	vsub.f32 v30, v11;
	v19 =	vsub.f32 v19, v11;
	v24 =	vmul.f32 $2.560000000e+02, v24  }
0x4a0: {  	v18 =	vadd.s32 v29, v8;
	v22 =	vmul.f32 v21, v12;
	v21 =	vsub.f32 v20, v11  }
0x4a1: {  	[tilespmem:v23+s24+$0x0] =	vst.idx.add.f32.msk $0xffff, v10;
	v23 =	vmul.f32 v27, v12;
	v20 =	vmul.f32 v19, v12;
	v63 =	vmin.f32 v24, $2.550000000e+02  }
0x4a2: {  	[tilespmem:v31+s24+$0x0] =	vst.idx.add.f32.msk $0xffff, v10;
	v19 =	vmul.f32 v21, v12;
	v24 =	vsub.f32 v32, v11;
	v28 =	vtrunc.f32 v63  }
0x4a3: {  	s29 =	simm.s32 $0x10;
	[tilespmem:v33+s24+$0x0] =	vst.idx.add.f32.msk $0xffff, v10;
	v21 =	vmul.f32 v25, v12;
	v25 =	vsub.f32 v26, v11;
	v26 =	vcvt.f32.s32 v28  }
.LBB2_26:
0x4a4: {  	s29 =	sadd.s32 $0x8, s29;
	v22 =	vmul.f32 $2.560000000e+02, v22;
	v24 =	vmul.f32 v24, v12;
	[tilespmem:v17+s24+$0x0] =	vst.idx.add.f32.msk $0xffff, v10;
	v27 =	vadd.s32 v16, v8  }
0x4a5: {  	v16 =	vmul.f32 $2.560000000e+02, v20;
	s28 =	sadd.s32 $0x400, s28;
	s1 =	sshll.u32 s29, $0x4;
	p0 =	slt.u32 s29, $0x3F8;
	v17 =	vmul.f32 v25, v12;
	v20 =	vadd.s32 v26, v8;
	[tilespmem:v18+s24+$0x0] =	vst.idx.add.f32.msk $0xffff, v10  }
0x4a6: {  	v19 =	vmul.f32 $2.560000000e+02, v19;
	v21 =	vmul.f32 $2.560000000e+02, v21;
	s30 =	sand.u32 $0xC00, s28;
	s31 =	sshll.u32 s29, $0x2;
	s1 =	sand.u32 $0x3000, s1;
	v18 =	vmin.f32 v22, $2.550000000e+02;
	[tilespmem:v14+s24+$0x0] =	vst.idx.add.f32.msk $0xffff, v10  }
0x4a7: {  	s31 =	sand.u32 $0x380, s31;
	v14 =	vmin.f32 v16, $2.550000000e+02;
	v16 =	vmul.f32 $2.560000000e+02, v23;
	v22 =	vmul.f32 $2.560000000e+02, v24;
	s1 =	sor.u32 s30, s1  }
0x4a8: {  	v19 =	vmin.f32 v19, $2.550000000e+02;
	v21 =	vmin.f32 v21, $2.550000000e+02;
	v17 =	vmul.f32 $2.560000000e+02, v17;
	s1 =	sor.u32 s31, s1  }
0x4a9: {  	v18 =	vtrunc.f32 v18;
	v16 =	vmin.f32 v16, $2.550000000e+02;
	v22 =	vmin.f32 v22, $2.550000000e+02;
	v23 =	vld [tilespmem:s1+$0x4070]  }
0x4aa: {  	v24 =	vtrunc.f32 v14;
	v19 =	vtrunc.f32 v19;
	v14 =	vmin.f32 v17, $2.550000000e+02;
	[tilespmem:v20+s24+$0x0] =	vst.idx.add.f32.msk $0xffff, v10  }
0x4ab: {  	v25 =	vadd.s32 v15, v8;
	v16 =	vtrunc.f32 v16;
	v20 =	vtrunc.f32 v21;
	v17 =	vld [tilespmem:s1+$0x4000]  }
0x4ac: {  	v15 =	vtrunc.f32 v22;
	v22 =	vtrunc.f32 v14;
	v14 =	vadd.s32 v13, v8;
	v21 =	vld [tilespmem:s1+$0x4010]  }
0x4ad: {  	v13 =	vcvt.f32.s32 v18;
	v18 =	vcvt.f32.s32 v24;
	v26 =	vld [tilespmem:s1+$0x4020]  }
0x4ae: {  	v19 =	vcvt.f32.s32 v19;
	v28 =	vcvt.f32.s32 v20;
	v24 =	vld [tilespmem:s1+$0x4030];
	v23 =	vsub.f32 v23, v11  }
0x4af: {  	v16 =	vcvt.f32.s32 v16;
	v15 =	vcvt.f32.s32 v15;
	v30 =	vadd.s32 v13, v8;
	v29 =	vld [tilespmem:s1+$0x4040]  }
0x4b0: {  	v13 =	vcvt.f32.s32 v22;
	v20 =	vsub.f32 v17, v11;
	v31 =	vld [tilespmem:s1+$0x4050];
	v23 =	vmul.f32 v23, v12  }
0x4b1: {  	v33 =	vadd.s32 v18, v8;
	v17 =	vadd.s32 v19, v8;
	v21 =	vsub.f32 v21, v11;
	v32 =	vld [tilespmem:s1+$0x4060]  }
.Ltmp12:
0x4b2: {  	v22 =	vmul.f32 v20, v12;
	v19 =	vsub.f32 v26, v11;
	v23 =	vmul.f32 $2.560000000e+02, v23;
	[tilespmem:v27+s24+$0x0] =	vst.idx.add.f32.msk $0xffff, v10;
	(pc) =	sbr.rel @p0 .LBB2_26-.Ltmp12, $4  }
0x4b3: {  	v18 =	vadd.s32 v28, v8;
	v20 =	vmul.f32 v21, v12;
	v21 =	vsub.f32 v24, v11  }
0x4b4: {  	v19 =	vmul.f32 v19, v12;
	v26 =	vsub.f32 v29, v11;
	v23 =	vmin.f32 v23, $2.550000000e+02;
	[tilespmem:v30+s24+$0x0] =	vst.idx.add.f32.msk $0xffff, v10  }
0x4b5: {  	v21 =	vmul.f32 v21, v12;
	v24 =	vsub.f32 v31, v11;
	v27 =	vtrunc.f32 v23;
	[tilespmem:v25+s24+$0x0] =	vst.idx.add.f32.msk $0xffff, v10  }
0x4b6: {  	v23 =	vmul.f32 v26, v12;
	v25 =	vsub.f32 v32, v11;
	v26 =	vcvt.f32.s32 v27;
	[tilespmem:v33+s24+$0x0] =	vst.idx.add.f32.msk $0xffff, v10  }
0x4b7: {  	v11 =	vmul.f32 $2.560000000e+02, v22  }
0x4b8: {  	v54 =	vmul.f32 v24, v12;
	v16 =	vadd.s32 v16, v8;
	v20 =	vmul.f32 $2.560000000e+02, v20  }
0x4b9: {  	v19 =	vmul.f32 $2.560000000e+02, v19;
	v21 =	vmul.f32 $2.560000000e+02, v21;
	v15 =	vadd.s32 v15, v8  }
0x4ba: {  	v13 =	vadd.s32 v13, v8;
	v55 =	vmul.f32 v25, v12;
	v56 =	vadd.s32 v26, v8  }
0x4bb: {  	v23 =	vmul.f32 $2.560000000e+02, v23;
	v11 =	vmin.f32 v11, $2.550000000e+02;
	v20 =	vmin.f32 v20, $2.550000000e+02  }
0x4bc: {  	v22 =	vmul.f32 $2.560000000e+02, v54;
	v19 =	vmin.f32 v19, $2.550000000e+02;
	v11 =	vtrunc.f32 v11  }
0x4bd: {  	v21 =	vmin.f32 v21, $2.550000000e+02;
	v12 =	vmul.f32 $2.560000000e+02, v55;
	v11 =	vcvt.f32.s32 v11  }
0x4be: {  	[tilespmem:v17+s24+$0x0] =	vst.idx.add.f32.msk $0xffff, v10;
	v23 =	vmin.f32 v23, $2.550000000e+02;
	v20 =	vtrunc.f32 v20;
	v57 =	vtrunc.f32 v19  }
0x4bf: {  	[tilespmem:v18+s24+$0x0] =	vst.idx.add.f32.msk $0xffff, v10;
	v59 =	vtrunc.f32 v21;
	v58 =	vcvt.f32.s32 v20;
	v11 =	vadd.s32 v11, v8  }
0x4c0: {  	[tilespmem:v14+s24+$0x0] =	vst.idx.add.f32.msk $0xffff, v10;
	v17 =	vcvt.f32.s32 v57;
	v60 =	vmin.f32 v22, $2.550000000e+02;
	v18 =	vcvt.f32.s32 v59  }
0x4c1: {  	v61 =	vtrunc.f32 v23;
	v12 =	vmin.f32 v12, $2.550000000e+02;
	[tilespmem:v16+s24+$0x0] =	vst.idx.add.f32.msk $0xffff, v10;
	v19 =	vadd.s32 v58, v8  }
0x4c2: {  	v14 =	vtrunc.f32 v60;
	v20 =	vcvt.f32.s32 v61;
	[tilespmem:v15+s24+$0x0] =	vst.idx.add.f32.msk $0xffff, v10;
	v17 =	vadd.s32 v17, v8  }
0x4c3: {  	[tilespmem:v13+s24+$0x0] =	vst.idx.add.f32.msk $0xffff, v10;
	v62 =	vadd.s32 v18, v8;
	v12 =	vtrunc.f32 v12;
	v14 =	vcvt.f32.s32 v14  }
0x4c4: {  	v63 =	vadd.s32 v20, v8;
	[tilespmem:v11+s24+$0x0] =	vst.idx.add.f32.msk $0xffff, v10;
	v11 =	vcvt.f32.s32 v12  }
0x4c5: {  	[tilespmem:v56+s24+$0x0] =	vst.idx.add.f32.msk $0xffff, v10;
	v14 =	vadd.s32 v14, v8  }
0x4c6: {  	[tilespmem:v19+s24+$0x0] =	vst.idx.add.f32.msk $0xffff, v10;
	v11 =	vadd.s32 v11, v8  }
0x4c7: {  	[tilespmem:v17+s24+$0x0] =	vst.idx.add.f32.msk $0xffff, v10  }
0x4c8: {  	[tilespmem:v62+s24+$0x0] =	vst.idx.add.f32.msk $0xffff, v10  }
0x4c9: {  	s26 =	sadd.s32 $0x1, s26;
	[tilespmem:v63+s24+$0x0] =	vst.idx.add.f32.msk $0xffff, v10  }
0x4ca: {  	p0 =	sne.s32 s26, s18;
	[tilespmem:v14+s24+$0x0] =	vst.idx.add.f32.msk $0xffff, v10  }
.Ltmp13:
0x4cb: {  	[tilespmem:v11+s24+$0x0] =	vst.idx.add.f32.msk $0xffff, v10;
	(pc) =	sbr.rel @p0 .LBB2_1-.Ltmp13, $4  }
0x4cc: {  	[hbm4b:s14+s10] =	stream.linear.scatter [tilespmem:s24], [sflag:$0x3], $0x1800, $0x38;
	[tilespmem:$0x9900] =	vst v63  }
0x4cd: {  	_ =	swait.ge [sflag:s20], $0x1800  }
0x4ce: {  	[sflag:s20] =	ssyncset.done $0x0  }
0x4cf: {  	[sflag:s20] =	ssyncadd.s32 $0xFFFFE800  }
0x4d0: {  	_ =	sfence.sel $0x180000  }
0x4d1: {  	[bflag:$0x0] =	sbarrier.arrive $0xFFFF  }
0x4d2: {  	_ =	strace $0x90000047  }
0x4d3: {  	[bflag:$0x2] =	sbarrier.arrive $0xFFFF  }
0x4d4: {  	p0 =	sne.s32 s0, $0x0;
	s0 =	rddreg [dreg:$0x4]  }
0x4d5: {  	s0 =	sadd.s32 @!p0 $0x100000, s0  }
0x4d6: {  	[sflag:s0] =	ssyncadd.tile.s32 @!p0 $0x1;
	_ =	shalt  }
.Lfunc_end2:
_tile_overlayer_lowered:
.L_overlay_start_2:
0x4d7: {  	(tag) =	ssettag $0x2  }
0x4d8: {  	s0 =	rddreg [dreg:$0x0];
	s2 =	stileid.u32  }
0x4d9: {  	s1 =	rddreg [dreg:$0x1];
	p0 =	sne.s32 s2, $0x0  }
0x4da: {  	s3 =	rddreg [dreg:$0x2];
	[bflag:$0x3] =	sbarrier.arrive $0xFFFF;
	s2 =	simm.s32 @!p0 $0x1C03  }
0x4db: {  	[timem:s3], [sflag:s2] =	dma.local @!p0 [hbm:s0], s1  }
0x4dc: {  	s0 =	simm.s32 @!p0 $0x3  }
0x4dd: {  	_ =	swait.ge @!p0 [sflag:s0], s1  }
0x4de: {  	s1 =	ssub.s32 @!p0 $0x0, s1;
	[sflag:s0] =	ssyncset.done @!p0 $0x0  }
0x4df: {  	[sflag:s0] =	ssyncadd.s32 @!p0 s1  }
0x4e0: {  	[bflag:$0x3] =	sbarrier.arrive $0xFFFF  }
0x4e1: {  	_ =	shalt  }

</sc_bundles>
